<compile_context>
chip_gen: v7x
topology: tpu7x:2x2x1
jax: 0.10.2.dev20260603
libtpu: 0.0.44.dev20260713+nightly
codegen_flags: <defaults>
</compile_context>

<pallas_src>
import functools

import jax
import jax.numpy as jnp
from jax import lax
from jax.experimental import pallas as pl
from jax.experimental.pallas import tpu as pltpu
from jax.experimental.pallas import tpu_sc as plsc

_NC = 2
_NS = 16
_NW = _NC * _NS
_LANES = 16
_TBL = 264
_NB = 255
_CHUNK = 8192
_F = 4
_MININT = -2147483648


def _lut_pallas(bpad):

    def body(b_s, lut_ref):
        k_lo = (lax.broadcasted_iota(jnp.int32, (512, 128), 0) * 128
                + lax.broadcasted_iota(jnp.int32, (512, 128), 1))
        k_hi = k_lo + 65536

        def step(i, accs):
            alo, ahi = accs
            bi = b_s[i] + 0.0
            u = lax.bitcast_convert_type(bi, jnp.int32)
            s = u >> 31
            kb = lax.shift_right_logical(u ^ (s | _MININT), 15)
            one, zero = jnp.int32(1), jnp.int32(0)
            return (alo + jnp.where(kb < k_lo, one, zero),
                    ahi + jnp.where(kb < k_hi, one, zero))

        z = jnp.zeros((512, 128), jnp.int32)
        alo, ahi = lax.fori_loop(0, _NB, step, (z, z))
        lut_ref[...] = alo | (ahi << 16)

    lut = pl.pallas_call(
        body,
        out_shape=jax.ShapeDtypeStruct((512, 128), jnp.int32),
        in_specs=[pl.BlockSpec(memory_space=pltpu.SMEM)],
    )(bpad)
    return lut.reshape(65536)


def _make_sc_call(n):
    per_w = n // _NW
    n_chunks = per_w // _CHUNK
    assert n_chunks % 2 == 0
    mesh = plsc.VectorSubcoreMesh(core_axis_name="c", subcore_axis_name="s")

    @functools.partial(
        pl.kernel,
        out_type=jax.ShapeDtypeStruct((n,), jnp.int32),
        mesh=mesh,
        scratch_types=[
            pltpu.VMEM((_TBL,), jnp.float32),
            pltpu.VMEM((_TBL,), jnp.float32),
            pltpu.VMEM((_TBL,), jnp.float32),
            pltpu.VMEM((_TBL,), jnp.float32),
            pltpu.VMEM((65536,), jnp.int32),
            pltpu.VMEM((_CHUNK,), jnp.float32),
            pltpu.VMEM((_CHUNK,), jnp.float32),
            pltpu.VMEM((_CHUNK,), jnp.int32),
            pltpu.VMEM((_CHUNK,), jnp.int32),
            pltpu.SemaphoreType.DMA,
            pltpu.SemaphoreType.DMA,
            pltpu.SemaphoreType.DMA,
            pltpu.SemaphoreType.DMA,
        ],
        compiler_params=pltpu.CompilerParams(needs_layout_passes=False),
    )
    def run(in_hbm, t0_hbm, t1_hbm, t2_hbm, t3_hbm, lut_hbm, out_hbm,
            tbl_v, t1_v, t2_v, t3_v, lut_v, xa, xb, oa, ob,
            in_sa, in_sb, out_sa, out_sb):
        wid = lax.axis_index("s") * _NC + lax.axis_index("c")
        base_off = wid * per_w
        pltpu.sync_copy(t0_hbm, tbl_v)
        pltpu.sync_copy(t1_hbm, t1_v)
        pltpu.sync_copy(t2_hbm, t2_v)
        pltpu.sync_copy(t3_hbm, t3_v)
        pltpu.sync_copy(lut_hbm, lut_v)

        def in_copy(ci, buf, sem):
            return pltpu.make_async_copy(
                in_hbm.at[pl.ds(base_off + ci * _CHUNK, _CHUNK)], buf, sem)

        def out_copy(ci, buf, sem):
            return pltpu.make_async_copy(
                buf, out_hbm.at[pl.ds(base_off + ci * _CHUNK, _CHUNK)], sem)

        def compute(x_v, o_v):
            one, zero = jnp.int32(1), jnp.int32(0)

            @plsc.parallel_loop(0, _CHUNK // _LANES, unroll=8,
                                carry=jnp.zeros((_LANES,), jnp.int32))
            def vec_body(vi, bad):
                sl = pl.ds(vi * _LANES, _LANES)
                x = x_v[sl] + 0.0
                u = plsc.bitcast(x, jnp.int32)
                s = u >> 31
                key = lax.shift_right_logical(u ^ (s | _MININT), 15)
                wi = key & 65535
                sh = lax.shift_left(lax.shift_right_logical(key, 16), 4)
                w = plsc.load_gather(lut_v, [wi])
                b0 = lax.shift_right_logical(w, sh) & 65535
                g0 = plsc.load_gather(tbl_v, [b0])
                g1 = plsc.load_gather(t1_v, [b0])
                g2 = plsc.load_gather(t2_v, [b0])
                g3 = plsc.load_gather(t3_v, [b0])
                c3 = jnp.where(g3 <= x, one, zero)
                cnt = (jnp.where(g0 <= x, one, zero)
                       + jnp.where(g1 <= x, one, zero)
                       + jnp.where(g2 <= x, one, zero)
                       + c3)
                o_v[sl] = b0 + cnt
                return bad | c3

            bad = vec_body

            @pl.when(jnp.any(bad != 0))
            def _():
                @plsc.parallel_loop(0, _CHUNK // _LANES, unroll=4)
                def redo(vi):
                    sl = pl.ds(vi * _LANES, _LANES)
                    x = x_v[sl]
                    lo = jnp.zeros((_LANES,), jnp.int32)
                    for step in (128, 64, 32, 16, 8, 4, 2, 1):
                        g = plsc.load_gather(tbl_v, [lo + (step - 1)])
                        lo = lo + jnp.where(g <= x, jnp.int32(step), zero)
                    o_v[sl] = lo

        in_copy(0, xa, in_sa).start()
        in_copy(1, xb, in_sb).start()

        def body(ct, carry):
            ca = 2 * ct
            cb = 2 * ct + 1
            in_copy(ca, xa, in_sa).wait()

            @pl.when(ct > 0)
            def _():
                out_copy(ca - 2, oa, out_sa).wait()

            compute(xa, oa)
            out_copy(ca, oa, out_sa).start()

            @pl.when(ct + 1 < n_chunks // 2)
            def _():
                in_copy(ca + 2, xa, in_sa).start()

            in_copy(cb, xb, in_sb).wait()

            @pl.when(ct > 0)
            def _():
                out_copy(cb - 2, ob, out_sb).wait()

            compute(xb, ob)
            out_copy(cb, ob, out_sb).start()

            @pl.when(ct + 1 < n_chunks // 2)
            def _():
                in_copy(cb + 2, xb, in_sb).start()

            return carry

        lax.fori_loop(0, n_chunks // 2, body, 0)
        out_copy(n_chunks - 2, oa, out_sa).wait()
        out_copy(n_chunks - 1, ob, out_sb).wait()

    return run


def kernel(inputs, boundaries):
    n = inputs.shape[0]
    tfull = jnp.concatenate(
        [boundaries, jnp.full((_TBL + 3 - _NB,), jnp.inf, dtype=jnp.float32)]
    )
    t0 = tfull[0:_TBL]
    t1 = tfull[1:_TBL + 1]
    t2 = tfull[2:_TBL + 2]
    t3 = tfull[3:_TBL + 3]
    bpad = jnp.concatenate([boundaries, jnp.zeros((1,), dtype=jnp.float32)])
    lut = _lut_pallas(bpad)
    return _make_sc_call(n)(inputs, t0, t1, t2, t3, lut)

# --- scband reference (transcript-rebuilt; emitter-appended) ---
"""Pipeline reference for scband-histogram-binning-57148834841078 (READ-ONLY COPY).

The authoritative reference and input builder live on the scoring server;
editing this copy changes nothing except your own understanding.
"""

import jax, jax.numpy as jnp
import numpy as np

NUM_BINS = 256
N = 16777216

def setup_inputs(seed: int = 0) -> dict:
    key = jax.random.key(seed)
    k1, k2 = jax.random.split(key)
    inputs = jax.random.normal(k1, (N,), dtype=jnp.float32)
    # Learned bin boundaries (Keras Discretization learns num_bins-1 quantile
    # boundaries via adapt()); modeled here as a sorted parameter vector.
    boundaries = jnp.sort(jax.random.normal(k2, (NUM_BINS - 1,), dtype=jnp.float32))
    return {"inputs": inputs, "boundaries": boundaries}

def reference(inputs, boundaries):
    # TF Bucketize semantics: value < b[0] -> 0; b[i-1] <= value < b[i] -> i;
    # value >= b[-1] -> num_bins-1. Equivalent to searchsorted side='right'.
    bins = jnp.searchsorted(boundaries, inputs, side='right')
    return bins.astype(jnp.int64)

if __name__ == "__main__":
    import jax
    _d = setup_inputs()
    print(jax.jit(kernel)(*tuple(_d.values())))

</pallas_src>

<mosaic_0001>
#map = affine_map<(d0, d1) -> (0)>
module attributes {stable_mosaic.version = 14 : i64} {
  func.func @run(%arg0: i32, %arg1: i32, %arg2: memref<16777216xf32, #tpu.memory_space<hbm>>, %arg3: memref<264xf32, #tpu.memory_space<hbm>>, %arg4: memref<264xf32, #tpu.memory_space<hbm>>, %arg5: memref<264xf32, #tpu.memory_space<hbm>>, %arg6: memref<264xf32, #tpu.memory_space<hbm>>, %arg7: memref<65536xi32, #tpu.memory_space<hbm>>, %arg8: memref<16777216xi32, #tpu.memory_space<hbm>>, %arg9: memref<264xf32, #tpu.memory_space<vmem>>, %arg10: memref<264xf32, #tpu.memory_space<vmem>>, %arg11: memref<264xf32, #tpu.memory_space<vmem>>, %arg12: memref<264xf32, #tpu.memory_space<vmem>>, %arg13: memref<65536xi32, #tpu.memory_space<vmem>>, %arg14: memref<8192xf32, #tpu.memory_space<vmem>>, %arg15: memref<8192xf32, #tpu.memory_space<vmem>>, %arg16: memref<8192xi32, #tpu.memory_space<vmem>>, %arg17: memref<8192xi32, #tpu.memory_space<vmem>>, %arg18: memref<!tpu.dma_semaphore, #tpu.memory_space<semaphore_mem>>, %arg19: memref<!tpu.dma_semaphore, #tpu.memory_space<semaphore_mem>>, %arg20: memref<!tpu.dma_semaphore, #tpu.memory_space<semaphore_mem>>, %arg21: memref<!tpu.dma_semaphore, #tpu.memory_space<semaphore_mem>>) attributes {dimension_semantics = [#tpu.dimension_semantics<core_parallel>, #tpu.dimension_semantics<subcore_parallel>], iteration_bounds = array<i64: 2, 16>, scalar_prefetch = 0 : i64, scratch_operands = 13 : i64, tpu.core_type = #tpu.core_type<sc_vector_subcore>, window_params = [{transform_indices = #map}, {transform_indices = #map}, {transform_indices = #map}, {transform_indices = #map}, {transform_indices = #map}, {transform_indices = #map}, {transform_indices = #map}]} {
    %mul3A = arith.constant 2 : i32
    %mul3A_0 = arith.muli %arg1, %mul3A : i32
    %add3A = arith.addi %mul3A_0, %arg0 : i32
    %mul3A_1 = arith.constant 524288 : i32
    %mul3A_2 = arith.muli %add3A, %mul3A_1 : i32
    "tpu.region"() ({
      %run_scoped3A = tpu.sem_alloc : memref<!tpu.dma_semaphore, #tpu.memory_space<semaphore_mem>>
      tpu.enqueue_dma source(%arg3 : memref<264xf32, #tpu.memory_space<hbm>>) target(%arg9 : memref<264xf32, #tpu.memory_space<vmem>>) target_semaphore(%run_scoped3A : memref<!tpu.dma_semaphore, #tpu.memory_space<semaphore_mem>>)
      tpu.wait_dma2 semaphore(%run_scoped3A : memref<!tpu.dma_semaphore, #tpu.memory_space<semaphore_mem>>) src(%arg3 : memref<264xf32, #tpu.memory_space<hbm>>) dst(%arg9 : memref<264xf32, #tpu.memory_space<vmem>>)
      tpu.yield
    }) : () -> ()
    "tpu.region"() ({
      %run_scoped3A = tpu.sem_alloc : memref<!tpu.dma_semaphore, #tpu.memory_space<semaphore_mem>>
      tpu.enqueue_dma source(%arg4 : memref<264xf32, #tpu.memory_space<hbm>>) target(%arg10 : memref<264xf32, #tpu.memory_space<vmem>>) target_semaphore(%run_scoped3A : memref<!tpu.dma_semaphore, #tpu.memory_space<semaphore_mem>>)
      tpu.wait_dma2 semaphore(%run_scoped3A : memref<!tpu.dma_semaphore, #tpu.memory_space<semaphore_mem>>) src(%arg4 : memref<264xf32, #tpu.memory_space<hbm>>) dst(%arg10 : memref<264xf32, #tpu.memory_space<vmem>>)
      tpu.yield
    }) : () -> ()
    "tpu.region"() ({
      %run_scoped3A = tpu.sem_alloc : memref<!tpu.dma_semaphore, #tpu.memory_space<semaphore_mem>>
      tpu.enqueue_dma source(%arg5 : memref<264xf32, #tpu.memory_space<hbm>>) target(%arg11 : memref<264xf32, #tpu.memory_space<vmem>>) target_semaphore(%run_scoped3A : memref<!tpu.dma_semaphore, #tpu.memory_space<semaphore_mem>>)
      tpu.wait_dma2 semaphore(%run_scoped3A : memref<!tpu.dma_semaphore, #tpu.memory_space<semaphore_mem>>) src(%arg5 : memref<264xf32, #tpu.memory_space<hbm>>) dst(%arg11 : memref<264xf32, #tpu.memory_space<vmem>>)
      tpu.yield
    }) : () -> ()
    "tpu.region"() ({
      %run_scoped3A = tpu.sem_alloc : memref<!tpu.dma_semaphore, #tpu.memory_space<semaphore_mem>>
      tpu.enqueue_dma source(%arg6 : memref<264xf32, #tpu.memory_space<hbm>>) target(%arg12 : memref<264xf32, #tpu.memory_space<vmem>>) target_semaphore(%run_scoped3A : memref<!tpu.dma_semaphore, #tpu.memory_space<semaphore_mem>>)
      tpu.wait_dma2 semaphore(%run_scoped3A : memref<!tpu.dma_semaphore, #tpu.memory_space<semaphore_mem>>) src(%arg6 : memref<264xf32, #tpu.memory_space<hbm>>) dst(%arg12 : memref<264xf32, #tpu.memory_space<vmem>>)
      tpu.yield
    }) : () -> ()
    "tpu.region"() ({
      %run_scoped3A = tpu.sem_alloc : memref<!tpu.dma_semaphore, #tpu.memory_space<semaphore_mem>>
      tpu.enqueue_dma source(%arg7 : memref<65536xi32, #tpu.memory_space<hbm>>) target(%arg13 : memref<65536xi32, #tpu.memory_space<vmem>>) target_semaphore(%run_scoped3A : memref<!tpu.dma_semaphore, #tpu.memory_space<semaphore_mem>>)
      tpu.wait_dma2 semaphore(%run_scoped3A : memref<!tpu.dma_semaphore, #tpu.memory_space<semaphore_mem>>) src(%arg7 : memref<65536xi32, #tpu.memory_space<hbm>>) dst(%arg13 : memref<65536xi32, #tpu.memory_space<vmem>>)
      tpu.yield
    }) : () -> ()
    %add3A_3 = arith.constant 0 : i32
    %add3A_4 = arith.addi %mul3A_2, %add3A_3 : i32
    %dma_start3A = tpu.memref_slice %arg2[%add3A_4] : memref<16777216xf32, #tpu.memory_space<hbm>> -> memref<8192xf32, #tpu.memory_space<hbm>>
    %dma_start3A_5 = tpu.memref_slice %arg2[%add3A_4] : memref<16777216xf32, #tpu.memory_space<hbm>> -> memref<8192xf32, #tpu.memory_space<hbm>>
    tpu.enqueue_dma source(%dma_start3A_5 : memref<8192xf32, #tpu.memory_space<hbm>>) target(%arg14 : memref<8192xf32, #tpu.memory_space<vmem>>) target_semaphore(%arg18 : memref<!tpu.dma_semaphore, #tpu.memory_space<semaphore_mem>>)
    %add3A_6 = arith.constant 8192 : i32
    %add3A_7 = arith.addi %mul3A_2, %add3A_6 : i32
    %dma_start3A_8 = tpu.memref_slice %arg2[%add3A_7] : memref<16777216xf32, #tpu.memory_space<hbm>> -> memref<8192xf32, #tpu.memory_space<hbm>>
    %dma_start3A_9 = tpu.memref_slice %arg2[%add3A_7] : memref<16777216xf32, #tpu.memory_space<hbm>> -> memref<8192xf32, #tpu.memory_space<hbm>>
    tpu.enqueue_dma source(%dma_start3A_9 : memref<8192xf32, #tpu.memory_space<hbm>>) target(%arg15 : memref<8192xf32, #tpu.memory_space<vmem>>) target_semaphore(%arg19 : memref<!tpu.dma_semaphore, #tpu.memory_space<semaphore_mem>>)
    %scan3A = arith.constant 0 : i32
    %scan3A_10 = arith.constant 0 : i32
    %scan3A_11 = arith.constant 32 : i32
    %scan3A_12 = arith.addi %scan3A_10, %scan3A_11 : i32
    %scan3A_13 = arith.constant 1 : i32
    scf.for %scan3A_22 = %scan3A_10 to %scan3A_12 step %scan3A_13  : i32 {
      %mul3A_23 = arith.constant 2 : i32
      %mul3A_24 = arith.muli %mul3A_23, %scan3A_22 : i32
      %mul3A_25 = arith.constant 2 : i32
      %mul3A_26 = arith.muli %mul3A_25, %scan3A_22 : i32
      %add3A_27 = arith.constant 1 : i32
      %add3A_28 = arith.addi %mul3A_26, %add3A_27 : i32
      %mul3A_29 = arith.constant 8192 : i32
      %mul3A_30 = arith.muli %mul3A_24, %mul3A_29 : i32
      %add3A_31 = arith.addi %mul3A_2, %mul3A_30 : i32
      %dma_wait3A_32 = tpu.memref_slice %arg2[%add3A_31] : memref<16777216xf32, #tpu.memory_space<hbm>> -> memref<8192xf32, #tpu.memory_space<hbm>>
      %dma_wait3A_33 = tpu.memref_slice %arg2[%add3A_31] : memref<16777216xf32, #tpu.memory_space<hbm>> -> memref<8192xf32, #tpu.memory_space<hbm>>
      tpu.wait_dma2 semaphore(%arg18 : memref<!tpu.dma_semaphore, #tpu.memory_space<semaphore_mem>>) src(%dma_wait3A_33 : memref<8192xf32, #tpu.memory_space<hbm>>) dst(%arg14 : memref<8192xf32, #tpu.memory_space<vmem>>)
      %gt3A = arith.constant 0 : i32
      %gt3A_34 = arith.cmpi sgt, %scan3A_22, %gt3A : i32
      %convert_element_type3A = arith.extui %gt3A_34 : i1 to i32
      %cond3A = arith.constant 0 : i32
      %cond3A_35 = arith.cmpi ne, %convert_element_type3A, %cond3A : i32
      scf.if %cond3A_35 {
        %sub3A = arith.constant 2 : i32
        %sub3A_117 = arith.subi %mul3A_24, %sub3A : i32
        %mul3A_118 = arith.constant 8192 : i32
        %mul3A_119 = arith.muli %sub3A_117, %mul3A_118 : i32
        %add3A_120 = arith.addi %mul3A_2, %mul3A_119 : i32
        %dma_wait3A_121 = tpu.memref_slice %arg8[%add3A_120] : memref<16777216xi32, #tpu.memory_space<hbm>> -> memref<8192xi32, #tpu.memory_space<hbm>>
        %dma_wait3A_122 = tpu.memref_slice %arg8[%add3A_120] : memref<16777216xi32, #tpu.memory_space<hbm>> -> memref<8192xi32, #tpu.memory_space<hbm>>
        tpu.wait_dma2 semaphore(%arg20 : memref<!tpu.dma_semaphore, #tpu.memory_space<semaphore_mem>>) src(%arg16 : memref<8192xi32, #tpu.memory_space<vmem>>) dst(%dma_wait3A_122 : memref<8192xi32, #tpu.memory_space<hbm>>)
      } else {
      }
      %broadcast_in_dim3A = arith.constant 0 : i32
      %broadcast_in_dim3A_36 = vector.broadcast %broadcast_in_dim3A : i32 to vector<16xi32>
      %parallel_loop3A = arith.constant 0 : i32
      %parallel_loop3A_37 = arith.constant 512 : i32
      %parallel_loop3A_38 = arith.constant 1 : i32
      %parallel_loop3A_39 = arith.constant 1 : i32
      %parallel_loop3A_40 = arith.constant 0 : i32
      %parallel_loop3A_41 = scf.for %parallel_loop3A_117 = %parallel_loop3A to %parallel_loop3A_37 step %parallel_loop3A_38 iter_args(%parallel_loop3A_118 = %broadcast_in_dim3A_36) -> (vector<16xi32>)  : i32 {
        %parallel_loop3A_119 = arith.constant 16 : i32
        %parallel_loop3A_120 = arith.muli %parallel_loop3A_117, %parallel_loop3A_119 : i32
        %parallel_loop3A_121 = arith.index_cast %parallel_loop3A_120 : i32 to index
        %parallel_loop3A_122 = tpu.vector_load %arg14[%parallel_loop3A_121] {strides = array<i32>} : memref<8192xf32, #tpu.memory_space<vmem>>, vector<16xf32>,
        %parallel_loop3A_123 = arith.constant 0.000000e+00 : f32
        %parallel_loop3A_124 = vector.broadcast %parallel_loop3A_123 : f32 to vector<16xf32>
        %parallel_loop3A_125 = arith.addf %parallel_loop3A_122, %parallel_loop3A_124 : vector<16xf32>
        %parallel_loop3A_126 = vector.bitcast %parallel_loop3A_125 : vector<16xf32> to vector<16xi32>
        %parallel_loop3A_127 = arith.constant 31 : i32
        %parallel_loop3A_128 = vector.broadcast %parallel_loop3A_127 : i32 to vector<16xi32>
        %parallel_loop3A_129 = arith.shrsi %parallel_loop3A_126, %parallel_loop3A_128 : vector<16xi32>
        %parallel_loop3A_130 = arith.constant -2147483648 : i32
        %parallel_loop3A_131 = vector.broadcast %parallel_loop3A_130 : i32 to vector<16xi32>
        %parallel_loop3A_132 = arith.ori %parallel_loop3A_129, %parallel_loop3A_131 : vector<16xi32>
        %parallel_loop3A_133 = arith.xori %parallel_loop3A_126, %parallel_loop3A_132 : vector<16xi32>
        %parallel_loop3A_134 = arith.constant 15 : i32
        %parallel_loop3A_135 = vector.broadcast %parallel_loop3A_134 : i32 to vector<16xi32>
        %parallel_loop3A_136 = arith.shrui %parallel_loop3A_133, %parallel_loop3A_135 : vector<16xi32>
        %parallel_loop3A_137 = arith.constant 65535 : i32
        %parallel_loop3A_138 = vector.broadcast %parallel_loop3A_137 : i32 to vector<16xi32>
        %parallel_loop3A_139 = arith.andi %parallel_loop3A_136, %parallel_loop3A_138 : vector<16xi32>
        %parallel_loop3A_140 = arith.constant 16 : i32
        %parallel_loop3A_141 = vector.broadcast %parallel_loop3A_140 : i32 to vector<16xi32>
        %parallel_loop3A_142 = arith.shrui %parallel_loop3A_136, %parallel_loop3A_141 : vector<16xi32>
        %parallel_loop3A_143 = arith.constant 4 : i32
        %parallel_loop3A_144 = vector.broadcast %parallel_loop3A_143 : i32 to vector<16xi32>
        %parallel_loop3A_145 = arith.shli %parallel_loop3A_142, %parallel_loop3A_144 : vector<16xi32>
        %parallel_loop3A_146 = tpu.vector_load_idx %arg13[%parallel_loop3A_139] : memref<65536xi32, #tpu.memory_space<vmem>>[vector<16xi32>], vector<16xi32>,
        %parallel_loop3A_147 = arith.shrui %parallel_loop3A_146, %parallel_loop3A_145 : vector<16xi32>
        %parallel_loop3A_148 = arith.constant 65535 : i32
        %parallel_loop3A_149 = vector.broadcast %parallel_loop3A_148 : i32 to vector<16xi32>
        %parallel_loop3A_150 = arith.andi %parallel_loop3A_147, %parallel_loop3A_149 : vector<16xi32>
        %parallel_loop3A_151 = tpu.vector_load_idx %arg9[%parallel_loop3A_150] : memref<264xf32, #tpu.memory_space<vmem>>[vector<16xi32>], vector<16xf32>,
        %parallel_loop3A_152 = tpu.vector_load_idx %arg10[%parallel_loop3A_150] : memref<264xf32, #tpu.memory_space<vmem>>[vector<16xi32>], vector<16xf32>,
        %parallel_loop3A_153 = tpu.vector_load_idx %arg11[%parallel_loop3A_150] : memref<264xf32, #tpu.memory_space<vmem>>[vector<16xi32>], vector<16xf32>,
        %parallel_loop3A_154 = tpu.vector_load_idx %arg12[%parallel_loop3A_150] : memref<264xf32, #tpu.memory_space<vmem>>[vector<16xi32>], vector<16xf32>,
        %parallel_loop3A_155 = arith.cmpf ole, %parallel_loop3A_154, %parallel_loop3A_125 : vector<16xf32>
        %parallel_loop3A_156 = vector.broadcast %parallel_loop3A_39 : i32 to vector<16xi32>
        %parallel_loop3A_157 = vector.broadcast %parallel_loop3A_40 : i32 to vector<16xi32>
        %parallel_loop3A_158 = arith.select %parallel_loop3A_155, %parallel_loop3A_156, %parallel_loop3A_157 : vector<16xi1>, vector<16xi32>
        %parallel_loop3A_159 = arith.cmpf ole, %parallel_loop3A_151, %parallel_loop3A_125 : vector<16xf32>
        %parallel_loop3A_160 = vector.broadcast %parallel_loop3A_39 : i32 to vector<16xi32>
        %parallel_loop3A_161 = vector.broadcast %parallel_loop3A_40 : i32 to vector<16xi32>
        %parallel_loop3A_162 = arith.select %parallel_loop3A_159, %parallel_loop3A_160, %parallel_loop3A_161 : vector<16xi1>, vector<16xi32>
        %parallel_loop3A_163 = arith.cmpf ole, %parallel_loop3A_152, %parallel_loop3A_125 : vector<16xf32>
        %parallel_loop3A_164 = vector.broadcast %parallel_loop3A_39 : i32 to vector<16xi32>
        %parallel_loop3A_165 = vector.broadcast %parallel_loop3A_40 : i32 to vector<16xi32>
        %parallel_loop3A_166 = arith.select %parallel_loop3A_163, %parallel_loop3A_164, %parallel_loop3A_165 : vector<16xi1>, vector<16xi32>
        %parallel_loop3A_167 = arith.addi %parallel_loop3A_162, %parallel_loop3A_166 : vector<16xi32>
        %parallel_loop3A_168 = arith.cmpf ole, %parallel_loop3A_153, %parallel_loop3A_125 : vector<16xf32>
        %parallel_loop3A_169 = vector.broadcast %parallel_loop3A_39 : i32 to vector<16xi32>
        %parallel_loop3A_170 = vector.broadcast %parallel_loop3A_40 : i32 to vector<16xi32>
        %parallel_loop3A_171 = arith.select %parallel_loop3A_168, %parallel_loop3A_169, %parallel_loop3A_170 : vector<16xi1>, vector<16xi32>
        %parallel_loop3A_172 = arith.addi %parallel_loop3A_167, %parallel_loop3A_171 : vector<16xi32>
        %parallel_loop3A_173 = arith.addi %parallel_loop3A_172, %parallel_loop3A_158 : vector<16xi32>
        %parallel_loop3A_174 = arith.addi %parallel_loop3A_150, %parallel_loop3A_173 : vector<16xi32>
        %parallel_loop3A_175 = arith.index_cast %parallel_loop3A_120 : i32 to index
        %parallel_loop3A_176 = tpu.vector_load %arg16[%parallel_loop3A_175] {strides = array<i32>} : memref<8192xi32, #tpu.memory_space<vmem>>, vector<16xi32>,
        tpu.vector_store %arg16[%parallel_loop3A_175], %parallel_loop3A_174 {strides = array<i32>} : memref<8192xi32, #tpu.memory_space<vmem>>, vector<16xi32>,
        %parallel_loop3A_177 = arith.ori %parallel_loop3A_118, %parallel_loop3A_158 : vector<16xi32>
        scf.yield %parallel_loop3A_177 : vector<16xi32>
      } {sc.loop_unroll_factor = 8 : i64, sc.parallel_access}
      %ne3A = arith.constant 0 : i32
      %ne3A_42 = vector.broadcast %ne3A : i32 to vector<16xi32>
      %ne3A_43 = arith.cmpi ne, %parallel_loop3A_41, %ne3A_42 : vector<16xi32>
      %reduce_or3A = arith.constant 1.000000e+00 : f32
      %reduce_or3A_44 = arith.constant 0.000000e+00 : f32
      %reduce_or3A_45 = vector.broadcast %reduce_or3A : f32 to vector<16xf32>
      %reduce_or3A_46 = vector.broadcast %reduce_or3A_44 : f32 to vector<16xf32>
      %reduce_or3A_47 = arith.select %ne3A_43, %reduce_or3A_45, %reduce_or3A_46 : vector<16xi1>, vector<16xf32>
      %reduce_or3A_48 = arith.constant true
      %reduce_or3A_49 = vector.broadcast %reduce_or3A_48 : i1 to vector<16xi1>
      %reduce_or3A_50 = tpu.scan <max>, %reduce_or3A_47 masked %reduce_or3A_49 : vector<16xf32>, vector<16xi1> -> vector<16xf32>
      %reduce_or3A_51 = vector.extract %reduce_or3A_50[15] : f32 from vector<16xf32>
      %reduce_or3A_52 = arith.constant 0.000000e+00 : f32
      %reduce_or3A_53 = arith.cmpf ogt, %reduce_or3A_51, %reduce_or3A_52 : f32
      %convert_element_type3A_54 = arith.extui %reduce_or3A_53 : i1 to i32
      %cond3A_55 = arith.constant 0 : i32
      %cond3A_56 = arith.constant 0 : i32
      %cond3A_57 = arith.cmpi ne, %convert_element_type3A_54, %cond3A_56 : i32
      scf.if %cond3A_57 {
        %parallel_loop3A_117 = arith.constant 0 : i32
        %parallel_loop3A_118 = arith.constant 512 : i32
        %parallel_loop3A_119 = arith.constant 1 : i32
        scf.for %parallel_loop3A_120 = %parallel_loop3A_117 to %parallel_loop3A_118 step %parallel_loop3A_119  : i32 {
          %parallel_loop3A_121 = arith.constant 16 : i32
          %parallel_loop3A_122 = arith.muli %parallel_loop3A_120, %parallel_loop3A_121 : i32
          %parallel_loop3A_123 = arith.index_cast %parallel_loop3A_122 : i32 to index
          %parallel_loop3A_124 = tpu.vector_load %arg14[%parallel_loop3A_123] {strides = array<i32>} : memref<8192xf32, #tpu.memory_space<vmem>>, vector<16xf32>,
          %parallel_loop3A_125 = arith.constant 0 : i32
          %parallel_loop3A_126 = vector.broadcast %parallel_loop3A_125 : i32 to vector<16xi32>
          %parallel_loop3A_127 = arith.constant 127 : i32
          %parallel_loop3A_128 = vector.broadcast %parallel_loop3A_127 : i32 to vector<16xi32>
          %parallel_loop3A_129 = arith.addi %parallel_loop3A_126, %parallel_loop3A_128 : vector<16xi32>
          %parallel_loop3A_130 = tpu.vector_load_idx %arg9[%parallel_loop3A_129] : memref<264xf32, #tpu.memory_space<vmem>>[vector<16xi32>], vector<16xf32>,
          %parallel_loop3A_131 = arith.cmpf ole, %parallel_loop3A_130, %parallel_loop3A_124 : vector<16xf32>
          %parallel_loop3A_132 = arith.constant 128 : i32
          %parallel_loop3A_133 = vector.broadcast %parallel_loop3A_132 : i32 to vector<16xi32>
          %parallel_loop3A_134 = vector.broadcast %cond3A_55 : i32 to vector<16xi32>
          %parallel_loop3A_135 = arith.select %parallel_loop3A_131, %parallel_loop3A_133, %parallel_loop3A_134 : vector<16xi1>, vector<16xi32>
          %parallel_loop3A_136 = arith.addi %parallel_loop3A_126, %parallel_loop3A_135 : vector<16xi32>
          %parallel_loop3A_137 = arith.constant 63 : i32
          %parallel_loop3A_138 = vector.broadcast %parallel_loop3A_137 : i32 to vector<16xi32>
          %parallel_loop3A_139 = arith.addi %parallel_loop3A_136, %parallel_loop3A_138 : vector<16xi32>
          %parallel_loop3A_140 = tpu.vector_load_idx %arg9[%parallel_loop3A_139] : memref<264xf32, #tpu.memory_space<vmem>>[vector<16xi32>], vector<16xf32>,
          %parallel_loop3A_141 = arith.cmpf ole, %parallel_loop3A_140, %parallel_loop3A_124 : vector<16xf32>
          %parallel_loop3A_142 = arith.constant 64 : i32
          %parallel_loop3A_143 = vector.broadcast %parallel_loop3A_142 : i32 to vector<16xi32>
          %parallel_loop3A_144 = vector.broadcast %cond3A_55 : i32 to vector<16xi32>
          %parallel_loop3A_145 = arith.select %parallel_loop3A_141, %parallel_loop3A_143, %parallel_loop3A_144 : vector<16xi1>, vector<16xi32>
          %parallel_loop3A_146 = arith.addi %parallel_loop3A_136, %parallel_loop3A_145 : vector<16xi32>
          %parallel_loop3A_147 = arith.constant 31 : i32
          %parallel_loop3A_148 = vector.broadcast %parallel_loop3A_147 : i32 to vector<16xi32>
          %parallel_loop3A_149 = arith.addi %parallel_loop3A_146, %parallel_loop3A_148 : vector<16xi32>
          %parallel_loop3A_150 = tpu.vector_load_idx %arg9[%parallel_loop3A_149] : memref<264xf32, #tpu.memory_space<vmem>>[vector<16xi32>], vector<16xf32>,
          %parallel_loop3A_151 = arith.cmpf ole, %parallel_loop3A_150, %parallel_loop3A_124 : vector<16xf32>
          %parallel_loop3A_152 = arith.constant 32 : i32
          %parallel_loop3A_153 = vector.broadcast %parallel_loop3A_152 : i32 to vector<16xi32>
          %parallel_loop3A_154 = vector.broadcast %cond3A_55 : i32 to vector<16xi32>
          %parallel_loop3A_155 = arith.select %parallel_loop3A_151, %parallel_loop3A_153, %parallel_loop3A_154 : vector<16xi1>, vector<16xi32>
          %parallel_loop3A_156 = arith.addi %parallel_loop3A_146, %parallel_loop3A_155 : vector<16xi32>
          %parallel_loop3A_157 = arith.constant 15 : i32
          %parallel_loop3A_158 = vector.broadcast %parallel_loop3A_157 : i32 to vector<16xi32>
          %parallel_loop3A_159 = arith.addi %parallel_loop3A_156, %parallel_loop3A_158 : vector<16xi32>
          %parallel_loop3A_160 = tpu.vector_load_idx %arg9[%parallel_loop3A_159] : memref<264xf32, #tpu.memory_space<vmem>>[vector<16xi32>], vector<16xf32>,
          %parallel_loop3A_161 = arith.cmpf ole, %parallel_loop3A_160, %parallel_loop3A_124 : vector<16xf32>
          %parallel_loop3A_162 = arith.constant 16 : i32
          %parallel_loop3A_163 = vector.broadcast %parallel_loop3A_162 : i32 to vector<16xi32>
          %parallel_loop3A_164 = vector.broadcast %cond3A_55 : i32 to vector<16xi32>
          %parallel_loop3A_165 = arith.select %parallel_loop3A_161, %parallel_loop3A_163, %parallel_loop3A_164 : vector<16xi1>, vector<16xi32>
          %parallel_loop3A_166 = arith.addi %parallel_loop3A_156, %parallel_loop3A_165 : vector<16xi32>
          %parallel_loop3A_167 = arith.constant 7 : i32
          %parallel_loop3A_168 = vector.broadcast %parallel_loop3A_167 : i32 to vector<16xi32>
          %parallel_loop3A_169 = arith.addi %parallel_loop3A_166, %parallel_loop3A_168 : vector<16xi32>
          %parallel_loop3A_170 = tpu.vector_load_idx %arg9[%parallel_loop3A_169] : memref<264xf32, #tpu.memory_space<vmem>>[vector<16xi32>], vector<16xf32>,
          %parallel_loop3A_171 = arith.cmpf ole, %parallel_loop3A_170, %parallel_loop3A_124 : vector<16xf32>
          %parallel_loop3A_172 = arith.constant 8 : i32
          %parallel_loop3A_173 = vector.broadcast %parallel_loop3A_172 : i32 to vector<16xi32>
          %parallel_loop3A_174 = vector.broadcast %cond3A_55 : i32 to vector<16xi32>
          %parallel_loop3A_175 = arith.select %parallel_loop3A_171, %parallel_loop3A_173, %parallel_loop3A_174 : vector<16xi1>, vector<16xi32>
          %parallel_loop3A_176 = arith.addi %parallel_loop3A_166, %parallel_loop3A_175 : vector<16xi32>
          %parallel_loop3A_177 = arith.constant 3 : i32
          %parallel_loop3A_178 = vector.broadcast %parallel_loop3A_177 : i32 to vector<16xi32>
          %parallel_loop3A_179 = arith.addi %parallel_loop3A_176, %parallel_loop3A_178 : vector<16xi32>
          %parallel_loop3A_180 = tpu.vector_load_idx %arg9[%parallel_loop3A_179] : memref<264xf32, #tpu.memory_space<vmem>>[vector<16xi32>], vector<16xf32>,
          %parallel_loop3A_181 = arith.cmpf ole, %parallel_loop3A_180, %parallel_loop3A_124 : vector<16xf32>
          %parallel_loop3A_182 = arith.constant 4 : i32
          %parallel_loop3A_183 = vector.broadcast %parallel_loop3A_182 : i32 to vector<16xi32>
          %parallel_loop3A_184 = vector.broadcast %cond3A_55 : i32 to vector<16xi32>
          %parallel_loop3A_185 = arith.select %parallel_loop3A_181, %parallel_loop3A_183, %parallel_loop3A_184 : vector<16xi1>, vector<16xi32>
          %parallel_loop3A_186 = arith.addi %parallel_loop3A_176, %parallel_loop3A_185 : vector<16xi32>
          %parallel_loop3A_187 = arith.constant 1 : i32
          %parallel_loop3A_188 = vector.broadcast %parallel_loop3A_187 : i32 to vector<16xi32>
          %parallel_loop3A_189 = arith.addi %parallel_loop3A_186, %parallel_loop3A_188 : vector<16xi32>
          %parallel_loop3A_190 = tpu.vector_load_idx %arg9[%parallel_loop3A_189] : memref<264xf32, #tpu.memory_space<vmem>>[vector<16xi32>], vector<16xf32>,
          %parallel_loop3A_191 = arith.cmpf ole, %parallel_loop3A_190, %parallel_loop3A_124 : vector<16xf32>
          %parallel_loop3A_192 = arith.constant 2 : i32
          %parallel_loop3A_193 = vector.broadcast %parallel_loop3A_192 : i32 to vector<16xi32>
          %parallel_loop3A_194 = vector.broadcast %cond3A_55 : i32 to vector<16xi32>
          %parallel_loop3A_195 = arith.select %parallel_loop3A_191, %parallel_loop3A_193, %parallel_loop3A_194 : vector<16xi1>, vector<16xi32>
          %parallel_loop3A_196 = arith.addi %parallel_loop3A_186, %parallel_loop3A_195 : vector<16xi32>
          %parallel_loop3A_197 = arith.constant 0 : i32
          %parallel_loop3A_198 = vector.broadcast %parallel_loop3A_197 : i32 to vector<16xi32>
          %parallel_loop3A_199 = arith.addi %parallel_loop3A_196, %parallel_loop3A_198 : vector<16xi32>
          %parallel_loop3A_200 = tpu.vector_load_idx %arg9[%parallel_loop3A_199] : memref<264xf32, #tpu.memory_space<vmem>>[vector<16xi32>], vector<16xf32>,
          %parallel_loop3A_201 = arith.cmpf ole, %parallel_loop3A_200, %parallel_loop3A_124 : vector<16xf32>
          %parallel_loop3A_202 = arith.constant 1 : i32
          %parallel_loop3A_203 = vector.broadcast %parallel_loop3A_202 : i32 to vector<16xi32>
          %parallel_loop3A_204 = vector.broadcast %cond3A_55 : i32 to vector<16xi32>
          %parallel_loop3A_205 = arith.select %parallel_loop3A_201, %parallel_loop3A_203, %parallel_loop3A_204 : vector<16xi1>, vector<16xi32>
          %parallel_loop3A_206 = arith.addi %parallel_loop3A_196, %parallel_loop3A_205 : vector<16xi32>
          %parallel_loop3A_207 = arith.index_cast %parallel_loop3A_122 : i32 to index
          %parallel_loop3A_208 = tpu.vector_load %arg16[%parallel_loop3A_207] {strides = array<i32>} : memref<8192xi32, #tpu.memory_space<vmem>>, vector<16xi32>,
          tpu.vector_store %arg16[%parallel_loop3A_207], %parallel_loop3A_206 {strides = array<i32>} : memref<8192xi32, #tpu.memory_space<vmem>>, vector<16xi32>,
        } {sc.loop_unroll_factor = 4 : i64, sc.parallel_access}
      } else {
      }
      %mul3A_58 = arith.constant 8192 : i32
      %mul3A_59 = arith.muli %mul3A_24, %mul3A_58 : i32
      %add3A_60 = arith.addi %mul3A_2, %mul3A_59 : i32
      %dma_start3A_61 = tpu.memref_slice %arg8[%add3A_60] : memref<16777216xi32, #tpu.memory_space<hbm>> -> memref<8192xi32, #tpu.memory_space<hbm>>
      %dma_start3A_62 = tpu.memref_slice %arg8[%add3A_60] : memref<16777216xi32, #tpu.memory_space<hbm>> -> memref<8192xi32, #tpu.memory_space<hbm>>
      tpu.enqueue_dma source(%arg16 : memref<8192xi32, #tpu.memory_space<vmem>>) target(%dma_start3A_62 : memref<8192xi32, #tpu.memory_space<hbm>>) target_semaphore(%arg20 : memref<!tpu.dma_semaphore, #tpu.memory_space<semaphore_mem>>)
      %add3A_63 = arith.constant 1 : i32
      %add3A_64 = arith.addi %scan3A_22, %add3A_63 : i32
      %lt3A = arith.constant 32 : i32
      %lt3A_65 = arith.cmpi slt, %add3A_64, %lt3A : i32
      %convert_element_type3A_66 = arith.extui %lt3A_65 : i1 to i32
      %cond3A_67 = arith.constant 0 : i32
      %cond3A_68 = arith.cmpi ne, %convert_element_type3A_66, %cond3A_67 : i32
      scf.if %cond3A_68 {
        %add3A_117 = arith.constant 2 : i32
        %add3A_118 = arith.addi %mul3A_24, %add3A_117 : i32
        %mul3A_119 = arith.constant 8192 : i32
        %mul3A_120 = arith.muli %add3A_118, %mul3A_119 : i32
        %add3A_121 = arith.addi %mul3A_2, %mul3A_120 : i32
        %dma_start3A_122 = tpu.memref_slice %arg2[%add3A_121] : memref<16777216xf32, #tpu.memory_space<hbm>> -> memref<8192xf32, #tpu.memory_space<hbm>>
        %dma_start3A_123 = tpu.memref_slice %arg2[%add3A_121] : memref<16777216xf32, #tpu.memory_space<hbm>> -> memref<8192xf32, #tpu.memory_space<hbm>>
        tpu.enqueue_dma source(%dma_start3A_123 : memref<8192xf32, #tpu.memory_space<hbm>>) target(%arg14 : memref<8192xf32, #tpu.memory_space<vmem>>) target_semaphore(%arg18 : memref<!tpu.dma_semaphore, #tpu.memory_space<semaphore_mem>>)
      } else {
      }
      %mul3A_69 = arith.constant 8192 : i32
      %mul3A_70 = arith.muli %add3A_28, %mul3A_69 : i32
      %add3A_71 = arith.addi %mul3A_2, %mul3A_70 : i32
      %dma_wait3A_72 = tpu.memref_slice %arg2[%add3A_71] : memref<16777216xf32, #tpu.memory_space<hbm>> -> memref<8192xf32, #tpu.memory_space<hbm>>
      %dma_wait3A_73 = tpu.memref_slice %arg2[%add3A_71] : memref<16777216xf32, #tpu.memory_space<hbm>> -> memref<8192xf32, #tpu.memory_space<hbm>>
      tpu.wait_dma2 semaphore(%arg19 : memref<!tpu.dma_semaphore, #tpu.memory_space<semaphore_mem>>) src(%dma_wait3A_73 : memref<8192xf32, #tpu.memory_space<hbm>>) dst(%arg15 : memref<8192xf32, #tpu.memory_space<vmem>>)
      %gt3A_74 = arith.constant 0 : i32
      %gt3A_75 = arith.cmpi sgt, %scan3A_22, %gt3A_74 : i32
      %convert_element_type3A_76 = arith.extui %gt3A_75 : i1 to i32
      %cond3A_77 = arith.constant 0 : i32
      %cond3A_78 = arith.cmpi ne, %convert_element_type3A_76, %cond3A_77 : i32
      scf.if %cond3A_78 {
        %sub3A = arith.constant 2 : i32
        %sub3A_117 = arith.subi %add3A_28, %sub3A : i32
        %mul3A_118 = arith.constant 8192 : i32
        %mul3A_119 = arith.muli %sub3A_117, %mul3A_118 : i32
        %add3A_120 = arith.addi %mul3A_2, %mul3A_119 : i32
        %dma_wait3A_121 = tpu.memref_slice %arg8[%add3A_120] : memref<16777216xi32, #tpu.memory_space<hbm>> -> memref<8192xi32, #tpu.memory_space<hbm>>
        %dma_wait3A_122 = tpu.memref_slice %arg8[%add3A_120] : memref<16777216xi32, #tpu.memory_space<hbm>> -> memref<8192xi32, #tpu.memory_space<hbm>>
        tpu.wait_dma2 semaphore(%arg21 : memref<!tpu.dma_semaphore, #tpu.memory_space<semaphore_mem>>) src(%arg17 : memref<8192xi32, #tpu.memory_space<vmem>>) dst(%dma_wait3A_122 : memref<8192xi32, #tpu.memory_space<hbm>>)
      } else {
      }
      %broadcast_in_dim3A_79 = arith.constant 0 : i32
      %broadcast_in_dim3A_80 = vector.broadcast %broadcast_in_dim3A_79 : i32 to vector<16xi32>
      %parallel_loop3A_81 = arith.constant 0 : i32
      %parallel_loop3A_82 = arith.constant 512 : i32
      %parallel_loop3A_83 = arith.constant 1 : i32
      %parallel_loop3A_84 = arith.constant 1 : i32
      %parallel_loop3A_85 = arith.constant 0 : i32
      %parallel_loop3A_86 = scf.for %parallel_loop3A_117 = %parallel_loop3A_81 to %parallel_loop3A_82 step %parallel_loop3A_83 iter_args(%parallel_loop3A_118 = %broadcast_in_dim3A_80) -> (vector<16xi32>)  : i32 {
        %parallel_loop3A_119 = arith.constant 16 : i32
        %parallel_loop3A_120 = arith.muli %parallel_loop3A_117, %parallel_loop3A_119 : i32
        %parallel_loop3A_121 = arith.index_cast %parallel_loop3A_120 : i32 to index
        %parallel_loop3A_122 = tpu.vector_load %arg15[%parallel_loop3A_121] {strides = array<i32>} : memref<8192xf32, #tpu.memory_space<vmem>>, vector<16xf32>,
        %parallel_loop3A_123 = arith.constant 0.000000e+00 : f32
        %parallel_loop3A_124 = vector.broadcast %parallel_loop3A_123 : f32 to vector<16xf32>
        %parallel_loop3A_125 = arith.addf %parallel_loop3A_122, %parallel_loop3A_124 : vector<16xf32>
        %parallel_loop3A_126 = vector.bitcast %parallel_loop3A_125 : vector<16xf32> to vector<16xi32>
        %parallel_loop3A_127 = arith.constant 31 : i32
        %parallel_loop3A_128 = vector.broadcast %parallel_loop3A_127 : i32 to vector<16xi32>
        %parallel_loop3A_129 = arith.shrsi %parallel_loop3A_126, %parallel_loop3A_128 : vector<16xi32>
        %parallel_loop3A_130 = arith.constant -2147483648 : i32
        %parallel_loop3A_131 = vector.broadcast %parallel_loop3A_130 : i32 to vector<16xi32>
        %parallel_loop3A_132 = arith.ori %parallel_loop3A_129, %parallel_loop3A_131 : vector<16xi32>
        %parallel_loop3A_133 = arith.xori %parallel_loop3A_126, %parallel_loop3A_132 : vector<16xi32>
        %parallel_loop3A_134 = arith.constant 15 : i32
        %parallel_loop3A_135 = vector.broadcast %parallel_loop3A_134 : i32 to vector<16xi32>
        %parallel_loop3A_136 = arith.shrui %parallel_loop3A_133, %parallel_loop3A_135 : vector<16xi32>
        %parallel_loop3A_137 = arith.constant 65535 : i32
        %parallel_loop3A_138 = vector.broadcast %parallel_loop3A_137 : i32 to vector<16xi32>
        %parallel_loop3A_139 = arith.andi %parallel_loop3A_136, %parallel_loop3A_138 : vector<16xi32>
        %parallel_loop3A_140 = arith.constant 16 : i32
        %parallel_loop3A_141 = vector.broadcast %parallel_loop3A_140 : i32 to vector<16xi32>
        %parallel_loop3A_142 = arith.shrui %parallel_loop3A_136, %parallel_loop3A_141 : vector<16xi32>
        %parallel_loop3A_143 = arith.constant 4 : i32
        %parallel_loop3A_144 = vector.broadcast %parallel_loop3A_143 : i32 to vector<16xi32>
        %parallel_loop3A_145 = arith.shli %parallel_loop3A_142, %parallel_loop3A_144 : vector<16xi32>
        %parallel_loop3A_146 = tpu.vector_load_idx %arg13[%parallel_loop3A_139] : memref<65536xi32, #tpu.memory_space<vmem>>[vector<16xi32>], vector<16xi32>,
        %parallel_loop3A_147 = arith.shrui %parallel_loop3A_146, %parallel_loop3A_145 : vector<16xi32>
        %parallel_loop3A_148 = arith.constant 65535 : i32
        %parallel_loop3A_149 = vector.broadcast %parallel_loop3A_148 : i32 to vector<16xi32>
        %parallel_loop3A_150 = arith.andi %parallel_loop3A_147, %parallel_loop3A_149 : vector<16xi32>
        %parallel_loop3A_151 = tpu.vector_load_idx %arg9[%parallel_loop3A_150] : memref<264xf32, #tpu.memory_space<vmem>>[vector<16xi32>], vector<16xf32>,
        %parallel_loop3A_152 = tpu.vector_load_idx %arg10[%parallel_loop3A_150] : memref<264xf32, #tpu.memory_space<vmem>>[vector<16xi32>], vector<16xf32>,
        %parallel_loop3A_153 = tpu.vector_load_idx %arg11[%parallel_loop3A_150] : memref<264xf32, #tpu.memory_space<vmem>>[vector<16xi32>], vector<16xf32>,
        %parallel_loop3A_154 = tpu.vector_load_idx %arg12[%parallel_loop3A_150] : memref<264xf32, #tpu.memory_space<vmem>>[vector<16xi32>], vector<16xf32>,
        %parallel_loop3A_155 = arith.cmpf ole, %parallel_loop3A_154, %parallel_loop3A_125 : vector<16xf32>
        %parallel_loop3A_156 = vector.broadcast %parallel_loop3A_84 : i32 to vector<16xi32>
        %parallel_loop3A_157 = vector.broadcast %parallel_loop3A_85 : i32 to vector<16xi32>
        %parallel_loop3A_158 = arith.select %parallel_loop3A_155, %parallel_loop3A_156, %parallel_loop3A_157 : vector<16xi1>, vector<16xi32>
        %parallel_loop3A_159 = arith.cmpf ole, %parallel_loop3A_151, %parallel_loop3A_125 : vector<16xf32>
        %parallel_loop3A_160 = vector.broadcast %parallel_loop3A_84 : i32 to vector<16xi32>
        %parallel_loop3A_161 = vector.broadcast %parallel_loop3A_85 : i32 to vector<16xi32>
        %parallel_loop3A_162 = arith.select %parallel_loop3A_159, %parallel_loop3A_160, %parallel_loop3A_161 : vector<16xi1>, vector<16xi32>
        %parallel_loop3A_163 = arith.cmpf ole, %parallel_loop3A_152, %parallel_loop3A_125 : vector<16xf32>
        %parallel_loop3A_164 = vector.broadcast %parallel_loop3A_84 : i32 to vector<16xi32>
        %parallel_loop3A_165 = vector.broadcast %parallel_loop3A_85 : i32 to vector<16xi32>
        %parallel_loop3A_166 = arith.select %parallel_loop3A_163, %parallel_loop3A_164, %parallel_loop3A_165 : vector<16xi1>, vector<16xi32>
        %parallel_loop3A_167 = arith.addi %parallel_loop3A_162, %parallel_loop3A_166 : vector<16xi32>
        %parallel_loop3A_168 = arith.cmpf ole, %parallel_loop3A_153, %parallel_loop3A_125 : vector<16xf32>
        %parallel_loop3A_169 = vector.broadcast %parallel_loop3A_84 : i32 to vector<16xi32>
        %parallel_loop3A_170 = vector.broadcast %parallel_loop3A_85 : i32 to vector<16xi32>
        %parallel_loop3A_171 = arith.select %parallel_loop3A_168, %parallel_loop3A_169, %parallel_loop3A_170 : vector<16xi1>, vector<16xi32>
        %parallel_loop3A_172 = arith.addi %parallel_loop3A_167, %parallel_loop3A_171 : vector<16xi32>
        %parallel_loop3A_173 = arith.addi %parallel_loop3A_172, %parallel_loop3A_158 : vector<16xi32>
        %parallel_loop3A_174 = arith.addi %parallel_loop3A_150, %parallel_loop3A_173 : vector<16xi32>
        %parallel_loop3A_175 = arith.index_cast %parallel_loop3A_120 : i32 to index
        %parallel_loop3A_176 = tpu.vector_load %arg17[%parallel_loop3A_175] {strides = array<i32>} : memref<8192xi32, #tpu.memory_space<vmem>>, vector<16xi32>,
        tpu.vector_store %arg17[%parallel_loop3A_175], %parallel_loop3A_174 {strides = array<i32>} : memref<8192xi32, #tpu.memory_space<vmem>>, vector<16xi32>,
        %parallel_loop3A_177 = arith.ori %parallel_loop3A_118, %parallel_loop3A_158 : vector<16xi32>
        scf.yield %parallel_loop3A_177 : vector<16xi32>
      } {sc.loop_unroll_factor = 8 : i64, sc.parallel_access}
      %ne3A_87 = arith.constant 0 : i32
      %ne3A_88 = vector.broadcast %ne3A_87 : i32 to vector<16xi32>
      %ne3A_89 = arith.cmpi ne, %parallel_loop3A_86, %ne3A_88 : vector<16xi32>
      %reduce_or3A_90 = arith.constant 1.000000e+00 : f32
      %reduce_or3A_91 = arith.constant 0.000000e+00 : f32
      %reduce_or3A_92 = vector.broadcast %reduce_or3A_90 : f32 to vector<16xf32>
      %reduce_or3A_93 = vector.broadcast %reduce_or3A_91 : f32 to vector<16xf32>
      %reduce_or3A_94 = arith.select %ne3A_89, %reduce_or3A_92, %reduce_or3A_93 : vector<16xi1>, vector<16xf32>
      %reduce_or3A_95 = arith.constant true
      %reduce_or3A_96 = vector.broadcast %reduce_or3A_95 : i1 to vector<16xi1>
      %reduce_or3A_97 = tpu.scan <max>, %reduce_or3A_94 masked %reduce_or3A_96 : vector<16xf32>, vector<16xi1> -> vector<16xf32>
      %reduce_or3A_98 = vector.extract %reduce_or3A_97[15] : f32 from vector<16xf32>
      %reduce_or3A_99 = arith.constant 0.000000e+00 : f32
      %reduce_or3A_100 = arith.cmpf ogt, %reduce_or3A_98, %reduce_or3A_99 : f32
      %convert_element_type3A_101 = arith.extui %reduce_or3A_100 : i1 to i32
      %cond3A_102 = arith.constant 0 : i32
      %cond3A_103 = arith.constant 0 : i32
      %cond3A_104 = arith.cmpi ne, %convert_element_type3A_101, %cond3A_103 : i32
      scf.if %cond3A_104 {
        %parallel_loop3A_117 = arith.constant 0 : i32
        %parallel_loop3A_118 = arith.constant 512 : i32
        %parallel_loop3A_119 = arith.constant 1 : i32
        scf.for %parallel_loop3A_120 = %parallel_loop3A_117 to %parallel_loop3A_118 step %parallel_loop3A_119  : i32 {
          %parallel_loop3A_121 = arith.constant 16 : i32
          %parallel_loop3A_122 = arith.muli %parallel_loop3A_120, %parallel_loop3A_121 : i32
          %parallel_loop3A_123 = arith.index_cast %parallel_loop3A_122 : i32 to index
          %parallel_loop3A_124 = tpu.vector_load %arg15[%parallel_loop3A_123] {strides = array<i32>} : memref<8192xf32, #tpu.memory_space<vmem>>, vector<16xf32>,
          %parallel_loop3A_125 = arith.constant 0 : i32
          %parallel_loop3A_126 = vector.broadcast %parallel_loop3A_125 : i32 to vector<16xi32>
          %parallel_loop3A_127 = arith.constant 127 : i32
          %parallel_loop3A_128 = vector.broadcast %parallel_loop3A_127 : i32 to vector<16xi32>
          %parallel_loop3A_129 = arith.addi %parallel_loop3A_126, %parallel_loop3A_128 : vector<16xi32>
          %parallel_loop3A_130 = tpu.vector_load_idx %arg9[%parallel_loop3A_129] : memref<264xf32, #tpu.memory_space<vmem>>[vector<16xi32>], vector<16xf32>,
          %parallel_loop3A_131 = arith.cmpf ole, %parallel_loop3A_130, %parallel_loop3A_124 : vector<16xf32>
          %parallel_loop3A_132 = arith.constant 128 : i32
          %parallel_loop3A_133 = vector.broadcast %parallel_loop3A_132 : i32 to vector<16xi32>
          %parallel_loop3A_134 = vector.broadcast %cond3A_102 : i32 to vector<16xi32>
          %parallel_loop3A_135 = arith.select %parallel_loop3A_131, %parallel_loop3A_133, %parallel_loop3A_134 : vector<16xi1>, vector<16xi32>
          %parallel_loop3A_136 = arith.addi %parallel_loop3A_126, %parallel_loop3A_135 : vector<16xi32>
          %parallel_loop3A_137 = arith.constant 63 : i32
          %parallel_loop3A_138 = vector.broadcast %parallel_loop3A_137 : i32 to vector<16xi32>
          %parallel_loop3A_139 = arith.addi %parallel_loop3A_136, %parallel_loop3A_138 : vector<16xi32>
          %parallel_loop3A_140 = tpu.vector_load_idx %arg9[%parallel_loop3A_139] : memref<264xf32, #tpu.memory_space<vmem>>[vector<16xi32>], vector<16xf32>,
          %parallel_loop3A_141 = arith.cmpf ole, %parallel_loop3A_140, %parallel_loop3A_124 : vector<16xf32>
          %parallel_loop3A_142 = arith.constant 64 : i32
          %parallel_loop3A_143 = vector.broadcast %parallel_loop3A_142 : i32 to vector<16xi32>
          %parallel_loop3A_144 = vector.broadcast %cond3A_102 : i32 to vector<16xi32>
          %parallel_loop3A_145 = arith.select %parallel_loop3A_141, %parallel_loop3A_143, %parallel_loop3A_144 : vector<16xi1>, vector<16xi32>
          %parallel_loop3A_146 = arith.addi %parallel_loop3A_136, %parallel_loop3A_145 : vector<16xi32>
          %parallel_loop3A_147 = arith.constant 31 : i32
          %parallel_loop3A_148 = vector.broadcast %parallel_loop3A_147 : i32 to vector<16xi32>
          %parallel_loop3A_149 = arith.addi %parallel_loop3A_146, %parallel_loop3A_148 : vector<16xi32>
          %parallel_loop3A_150 = tpu.vector_load_idx %arg9[%parallel_loop3A_149] : memref<264xf32, #tpu.memory_space<vmem>>[vector<16xi32>], vector<16xf32>,
          %parallel_loop3A_151 = arith.cmpf ole, %parallel_loop3A_150, %parallel_loop3A_124 : vector<16xf32>
          %parallel_loop3A_152 = arith.constant 32 : i32
          %parallel_loop3A_153 = vector.broadcast %parallel_loop3A_152 : i32 to vector<16xi32>
          %parallel_loop3A_154 = vector.broadcast %cond3A_102 : i32 to vector<16xi32>
          %parallel_loop3A_155 = arith.select %parallel_loop3A_151, %parallel_loop3A_153, %parallel_loop3A_154 : vector<16xi1>, vector<16xi32>
          %parallel_loop3A_156 = arith.addi %parallel_loop3A_146, %parallel_loop3A_155 : vector<16xi32>
          %parallel_loop3A_157 = arith.constant 15 : i32
          %parallel_loop3A_158 = vector.broadcast %parallel_loop3A_157 : i32 to vector<16xi32>
          %parallel_loop3A_159 = arith.addi %parallel_loop3A_156, %parallel_loop3A_158 : vector<16xi32>
          %parallel_loop3A_160 = tpu.vector_load_idx %arg9[%parallel_loop3A_159] : memref<264xf32, #tpu.memory_space<vmem>>[vector<16xi32>], vector<16xf32>,
          %parallel_loop3A_161 = arith.cmpf ole, %parallel_loop3A_160, %parallel_loop3A_124 : vector<16xf32>
          %parallel_loop3A_162 = arith.constant 16 : i32
          %parallel_loop3A_163 = vector.broadcast %parallel_loop3A_162 : i32 to vector<16xi32>
          %parallel_loop3A_164 = vector.broadcast %cond3A_102 : i32 to vector<16xi32>
          %parallel_loop3A_165 = arith.select %parallel_loop3A_161, %parallel_loop3A_163, %parallel_loop3A_164 : vector<16xi1>, vector<16xi32>
          %parallel_loop3A_166 = arith.addi %parallel_loop3A_156, %parallel_loop3A_165 : vector<16xi32>
          %parallel_loop3A_167 = arith.constant 7 : i32
          %parallel_loop3A_168 = vector.broadcast %parallel_loop3A_167 : i32 to vector<16xi32>
          %parallel_loop3A_169 = arith.addi %parallel_loop3A_166, %parallel_loop3A_168 : vector<16xi32>
          %parallel_loop3A_170 = tpu.vector_load_idx %arg9[%parallel_loop3A_169] : memref<264xf32, #tpu.memory_space<vmem>>[vector<16xi32>], vector<16xf32>,
          %parallel_loop3A_171 = arith.cmpf ole, %parallel_loop3A_170, %parallel_loop3A_124 : vector<16xf32>
          %parallel_loop3A_172 = arith.constant 8 : i32
          %parallel_loop3A_173 = vector.broadcast %parallel_loop3A_172 : i32 to vector<16xi32>
          %parallel_loop3A_174 = vector.broadcast %cond3A_102 : i32 to vector<16xi32>
          %parallel_loop3A_175 = arith.select %parallel_loop3A_171, %parallel_loop3A_173, %parallel_loop3A_174 : vector<16xi1>, vector<16xi32>
          %parallel_loop3A_176 = arith.addi %parallel_loop3A_166, %parallel_loop3A_175 : vector<16xi32>
          %parallel_loop3A_177 = arith.constant 3 : i32
          %parallel_loop3A_178 = vector.broadcast %parallel_loop3A_177 : i32 to vector<16xi32>
          %parallel_loop3A_179 = arith.addi %parallel_loop3A_176, %parallel_loop3A_178 : vector<16xi32>
          %parallel_loop3A_180 = tpu.vector_load_idx %arg9[%parallel_loop3A_179] : memref<264xf32, #tpu.memory_space<vmem>>[vector<16xi32>], vector<16xf32>,
          %parallel_loop3A_181 = arith.cmpf ole, %parallel_loop3A_180, %parallel_loop3A_124 : vector<16xf32>
          %parallel_loop3A_182 = arith.constant 4 : i32
          %parallel_loop3A_183 = vector.broadcast %parallel_loop3A_182 : i32 to vector<16xi32>
          %parallel_loop3A_184 = vector.broadcast %cond3A_102 : i32 to vector<16xi32>
          %parallel_loop3A_185 = arith.select %parallel_loop3A_181, %parallel_loop3A_183, %parallel_loop3A_184 : vector<16xi1>, vector<16xi32>
          %parallel_loop3A_186 = arith.addi %parallel_loop3A_176, %parallel_loop3A_185 : vector<16xi32>
          %parallel_loop3A_187 = arith.constant 1 : i32
          %parallel_loop3A_188 = vector.broadcast %parallel_loop3A_187 : i32 to vector<16xi32>
          %parallel_loop3A_189 = arith.addi %parallel_loop3A_186, %parallel_loop3A_188 : vector<16xi32>
          %parallel_loop3A_190 = tpu.vector_load_idx %arg9[%parallel_loop3A_189] : memref<264xf32, #tpu.memory_space<vmem>>[vector<16xi32>], vector<16xf32>,
          %parallel_loop3A_191 = arith.cmpf ole, %parallel_loop3A_190, %parallel_loop3A_124 : vector<16xf32>
          %parallel_loop3A_192 = arith.constant 2 : i32
          %parallel_loop3A_193 = vector.broadcast %parallel_loop3A_192 : i32 to vector<16xi32>
          %parallel_loop3A_194 = vector.broadcast %cond3A_102 : i32 to vector<16xi32>
          %parallel_loop3A_195 = arith.select %parallel_loop3A_191, %parallel_loop3A_193, %parallel_loop3A_194 : vector<16xi1>, vector<16xi32>
          %parallel_loop3A_196 = arith.addi %parallel_loop3A_186, %parallel_loop3A_195 : vector<16xi32>
          %parallel_loop3A_197 = arith.constant 0 : i32
          %parallel_loop3A_198 = vector.broadcast %parallel_loop3A_197 : i32 to vector<16xi32>
          %parallel_loop3A_199 = arith.addi %parallel_loop3A_196, %parallel_loop3A_198 : vector<16xi32>
          %parallel_loop3A_200 = tpu.vector_load_idx %arg9[%parallel_loop3A_199] : memref<264xf32, #tpu.memory_space<vmem>>[vector<16xi32>], vector<16xf32>,
          %parallel_loop3A_201 = arith.cmpf ole, %parallel_loop3A_200, %parallel_loop3A_124 : vector<16xf32>
          %parallel_loop3A_202 = arith.constant 1 : i32
          %parallel_loop3A_203 = vector.broadcast %parallel_loop3A_202 : i32 to vector<16xi32>
          %parallel_loop3A_204 = vector.broadcast %cond3A_102 : i32 to vector<16xi32>
          %parallel_loop3A_205 = arith.select %parallel_loop3A_201, %parallel_loop3A_203, %parallel_loop3A_204 : vector<16xi1>, vector<16xi32>
          %parallel_loop3A_206 = arith.addi %parallel_loop3A_196, %parallel_loop3A_205 : vector<16xi32>
          %parallel_loop3A_207 = arith.index_cast %parallel_loop3A_122 : i32 to index
          %parallel_loop3A_208 = tpu.vector_load %arg17[%parallel_loop3A_207] {strides = array<i32>} : memref<8192xi32, #tpu.memory_space<vmem>>, vector<16xi32>,
          tpu.vector_store %arg17[%parallel_loop3A_207], %parallel_loop3A_206 {strides = array<i32>} : memref<8192xi32, #tpu.memory_space<vmem>>, vector<16xi32>,
        } {sc.loop_unroll_factor = 4 : i64, sc.parallel_access}
      } else {
      }
      %mul3A_105 = arith.constant 8192 : i32
      %mul3A_106 = arith.muli %add3A_28, %mul3A_105 : i32
      %add3A_107 = arith.addi %mul3A_2, %mul3A_106 : i32
      %dma_start3A_108 = tpu.memref_slice %arg8[%add3A_107] : memref<16777216xi32, #tpu.memory_space<hbm>> -> memref<8192xi32, #tpu.memory_space<hbm>>
      %dma_start3A_109 = tpu.memref_slice %arg8[%add3A_107] : memref<16777216xi32, #tpu.memory_space<hbm>> -> memref<8192xi32, #tpu.memory_space<hbm>>
      tpu.enqueue_dma source(%arg17 : memref<8192xi32, #tpu.memory_space<vmem>>) target(%dma_start3A_109 : memref<8192xi32, #tpu.memory_space<hbm>>) target_semaphore(%arg21 : memref<!tpu.dma_semaphore, #tpu.memory_space<semaphore_mem>>)
      %add3A_110 = arith.constant 1 : i32
      %add3A_111 = arith.addi %scan3A_22, %add3A_110 : i32
      %lt3A_112 = arith.constant 32 : i32
      %lt3A_113 = arith.cmpi slt, %add3A_111, %lt3A_112 : i32
      %convert_element_type3A_114 = arith.extui %lt3A_113 : i1 to i32
      %cond3A_115 = arith.constant 0 : i32
      %cond3A_116 = arith.cmpi ne, %convert_element_type3A_114, %cond3A_115 : i32
      scf.if %cond3A_116 {
        %add3A_117 = arith.constant 2 : i32
        %add3A_118 = arith.addi %add3A_28, %add3A_117 : i32
        %mul3A_119 = arith.constant 8192 : i32
        %mul3A_120 = arith.muli %add3A_118, %mul3A_119 : i32
        %add3A_121 = arith.addi %mul3A_2, %mul3A_120 : i32
        %dma_start3A_122 = tpu.memref_slice %arg2[%add3A_121] : memref<16777216xf32, #tpu.memory_space<hbm>> -> memref<8192xf32, #tpu.memory_space<hbm>>
        %dma_start3A_123 = tpu.memref_slice %arg2[%add3A_121] : memref<16777216xf32, #tpu.memory_space<hbm>> -> memref<8192xf32, #tpu.memory_space<hbm>>
        tpu.enqueue_dma source(%dma_start3A_123 : memref<8192xf32, #tpu.memory_space<hbm>>) target(%arg15 : memref<8192xf32, #tpu.memory_space<vmem>>) target_semaphore(%arg19 : memref<!tpu.dma_semaphore, #tpu.memory_space<semaphore_mem>>)
      } else {
      }
    }
    %scan3A_14 = arith.constant 32 : i32
    %add3A_15 = arith.constant 507904 : i32
    %add3A_16 = arith.addi %mul3A_2, %add3A_15 : i32
    %dma_wait3A = tpu.memref_slice %arg8[%add3A_16] : memref<16777216xi32, #tpu.memory_space<hbm>> -> memref<8192xi32, #tpu.memory_space<hbm>>
    %dma_wait3A_17 = tpu.memref_slice %arg8[%add3A_16] : memref<16777216xi32, #tpu.memory_space<hbm>> -> memref<8192xi32, #tpu.memory_space<hbm>>
    tpu.wait_dma2 semaphore(%arg20 : memref<!tpu.dma_semaphore, #tpu.memory_space<semaphore_mem>>) src(%arg16 : memref<8192xi32, #tpu.memory_space<vmem>>) dst(%dma_wait3A_17 : memref<8192xi32, #tpu.memory_space<hbm>>)
    %add3A_18 = arith.constant 516096 : i32
    %add3A_19 = arith.addi %mul3A_2, %add3A_18 : i32
    %dma_wait3A_20 = tpu.memref_slice %arg8[%add3A_19] : memref<16777216xi32, #tpu.memory_space<hbm>> -> memref<8192xi32, #tpu.memory_space<hbm>>
    %dma_wait3A_21 = tpu.memref_slice %arg8[%add3A_19] : memref<16777216xi32, #tpu.memory_space<hbm>> -> memref<8192xi32, #tpu.memory_space<hbm>>
    tpu.wait_dma2 semaphore(%arg21 : memref<!tpu.dma_semaphore, #tpu.memory_space<semaphore_mem>>) src(%arg17 : memref<8192xi32, #tpu.memory_space<vmem>>) dst(%dma_wait3A_21 : memref<8192xi32, #tpu.memory_space<hbm>>)
    return
  }
}

module attributes {stable_mosaic.version = 14 : i64} {
  func.func @body(%arg0: memref<256xf32, #tpu.memory_space<smem>>, %arg1: memref<512x128xi32, #tpu.memory_space<vmem>>) attributes {dimension_semantics = [], scalar_prefetch = 0 : i64, scratch_operands = 0 : i64, tpu.core_type = #tpu.core_type<tc>} {
    %iota3A = tpu.iota {dimensions = array<i32: 0>} : vector<512x128xi32>
    %mul3A = arith.constant 128 : i32
    %mul3A_0 = vector.broadcast %mul3A : i32 to vector<512x128xi32>
    %mul3A_1 = arith.muli %iota3A, %mul3A_0 : vector<512x128xi32>
    %iota3A_2 = tpu.iota {dimensions = array<i32: 1>} : vector<512x128xi32>
    %add3A = arith.addi %mul3A_1, %iota3A_2 : vector<512x128xi32>
    %add3A_3 = arith.constant 65536 : i32
    %add3A_4 = vector.broadcast %add3A_3 : i32 to vector<512x128xi32>
    %add3A_5 = arith.addi %add3A, %add3A_4 : vector<512x128xi32>
    %broadcast_in_dim3A = arith.constant 0 : i32
    %broadcast_in_dim3A_6 = vector.broadcast %broadcast_in_dim3A : i32 to vector<512x128xi32>
    %scan3A = arith.constant 0 : i32
    %scan3A_7 = arith.constant 255 : i32
    %scan3A_8 = arith.addi %scan3A, %scan3A_7 : i32
    %scan3A_9 = arith.constant 1 : i32
    %scan3A_10:2 = scf.for %scan3A_16 = %scan3A to %scan3A_8 step %scan3A_9 iter_args(%scan3A_17 = %broadcast_in_dim3A_6, %scan3A_18 = %broadcast_in_dim3A_6) -> (vector<512x128xi32>, vector<512x128xi32>)  : i32 {
      %get3A = arith.index_cast %scan3A_16 : i32 to index
      %get3A_19 = memref.load %arg0[%get3A] : memref<256xf32, #tpu.memory_space<smem>>
      %add3A_20 = arith.constant 0.000000e+00 : f32
      %add3A_21 = arith.addf %get3A_19, %add3A_20 : f32
      %bitcast_convert_type3A = arith.bitcast %add3A_21 : f32 to i32
      %shift_right_arithmetic3A = arith.constant 31 : i32
      %shift_right_arithmetic3A_22 = arith.shrsi %bitcast_convert_type3A, %shift_right_arithmetic3A : i32
      %or3A_23 = arith.constant -2147483648 : i32
      %or3A_24 = arith.ori %shift_right_arithmetic3A_22, %or3A_23 : i32
      %xor3A = arith.xori %bitcast_convert_type3A, %or3A_24 : i32
      %shift_right_logical3A = arith.constant 15 : i32
      %shift_right_logical3A_25 = arith.shrui %xor3A, %shift_right_logical3A : i32
      %lt3A = vector.broadcast %shift_right_logical3A_25 : i32 to vector<512x128xi32>
      %lt3A_26 = arith.cmpi slt, %lt3A, %add3A : vector<512x128xi32>
      %jit3A = arith.constant 1 : i32
      %jit3A_27 = arith.constant 0 : i32
      %broadcast_in_dim3A_28 = vector.broadcast %jit3A : i32 to vector<512x128xi32>
      %broadcast_in_dim3A_29 = vector.broadcast %jit3A_27 : i32 to vector<512x128xi32>
      %select_n3A = arith.select %lt3A_26, %broadcast_in_dim3A_28, %broadcast_in_dim3A_29 : vector<512x128xi1>, vector<512x128xi32>
      %add3A_30 = arith.addi %scan3A_17, %select_n3A : vector<512x128xi32>
      %lt3A_31 = vector.broadcast %shift_right_logical3A_25 : i32 to vector<512x128xi32>
      %lt3A_32 = arith.cmpi slt, %lt3A_31, %add3A_5 : vector<512x128xi32>
      %jit3A_33 = arith.constant 1 : i32
      %jit3A_34 = arith.constant 0 : i32
      %broadcast_in_dim3A_35 = vector.broadcast %jit3A_33 : i32 to vector<512x128xi32>
      %broadcast_in_dim3A_36 = vector.broadcast %jit3A_34 : i32 to vector<512x128xi32>
      %select_n3A_37 = arith.select %lt3A_32, %broadcast_in_dim3A_35, %broadcast_in_dim3A_36 : vector<512x128xi1>, vector<512x128xi32>
      %add3A_38 = arith.addi %scan3A_18, %select_n3A_37 : vector<512x128xi32>
      scf.yield %add3A_30, %add3A_38 : vector<512x128xi32>, vector<512x128xi32>
    }
    %scan3A_11 = arith.constant 255 : i32
    %shift_left3A = arith.constant 16 : i32
    %shift_left3A_12 = vector.broadcast %shift_left3A : i32 to vector<512x128xi32>
    %shift_left3A_13 = arith.shli %scan3A_10#1, %shift_left3A_12 : vector<512x128xi32>
    %or3A = arith.ori %scan3A_10#0, %shift_left3A_13 : vector<512x128xi32>
    %swap3A = arith.constant 0 : index
    %swap3A_14 = arith.constant 0 : index
    %swap3A_15 = vector.load %arg1[%swap3A, %swap3A_14] : memref<512x128xi32, #tpu.memory_space<vmem>>, vector<512x128xi32>
    tpu.vector_store %arg1[%swap3A, %swap3A_14], %or3A {strides = array<i32>} : memref<512x128xi32, #tpu.memory_space<vmem>>, vector<512x128xi32>,
    return
  }
}

</mosaic_0001>

<sc_bundles>
// kernel: kernel.4.cloned.1.call-start
scs
__scs_entry_jumppad:
0x0: {  	(pc) =	sbr.rel $0x88, $3  }
0x1: {  	(tag) =	ssettag $0x0;
	lr =	simm.s32 $0x1  }
0x2: {  	[smem:$0x3F9F] =	sst lr;
	_ =	strace $0xD0000000  }
0x3: {  	_ = 	snop  }
0x4: {  	_ = 	snop  }
0x5: {  	_ = 	snop  }
0x6: {  	_ = 	snop  }
0x7: {  	_ = 	snop  }
__scs_overlays_trampoline_lowered:
0x8: {  	[smem:$0x3FAE] =	sst s0  }
0x9: {  	[smem:$0x3FAF] =	sst s1  }
0xa: {  	[smem:$0x3FB0] =	sst s2  }
0xb: {  	[smem:$0x3FB1] =	sst s3  }
0xc: {  	[smem:$0x3FB2] =	sst s4  }
0xd: {  	[smem:$0x3FB3] =	sst s5  }
0xe: {  	[smem:$0x3FB4] =	sst s6  }
0xf: {  	[smem:$0x3FB5] =	sst s7  }
0x10: {  	[smem:$0x3FB6] =	sst s8  }
0x11: {  	[smem:$0x3FB7] =	sst s9;
	s0 =	simm.s32 @!p0 $0x0  }
0x12: {  	s1 =	sld [smem:$0x3F9D];
	s0 =	simm.s32 @p0 $0x1  }
0x13: {  	[smem:$0x3FB8] =	sst s0;
	s0 =	simm.s32 @!p1 $0x0  }
0x14: {  	s2 =	sld [smem:$0x3F9C];
	s0 =	simm.s32 @p1 $0x1  }
0x15: {  	[smem:$0x3FB9] =	sst s0;
	s0 =	simm.s32 @!p2 $0x0  }
0x16: {  	s3 =	sld [smem:$0x3FDB];
	s0 =	simm.s32 @p2 $0x1  }
0x17: {  	s4 =	simm.s32 $0x1BF5;
	[smem:$0x3FBB] =	sst s0  }
0x18: {  	s0 =	sld [smem:$0x3F9E];
	_ =	swait.ge [sflag:s4], $0x0  }
0x19: {  	s7 =	sld [smem:$0x3F9F]  }
0x1a: {  	s8 =	sadd.s32 $0xFFFFE003, lr  }
0x1b: {  	s9 =	sadd.s32 $0xFFFFFEF7, lr;
	s5 =	simm.s32 $0xFFFFFFFF;
	p2 =	slt.u32 s8, $0xFFFFF086  }
0x1c: {  	p1 =	slt.u32 s9, $0xF7A;
	s5 =	simm.s32 @!p2 $0x0  }
0x1d: {  	s5 =	simm.s32 @p1 $0x1;
	p0 =	seq.s32 s7, s2  }
0x1e: {  	s7 =	smul.u32 @!p0 $0xF7A, s2;
	p2 =	seq.s32 @!p0 s5, $0x0  }
0x1f: {  	s9 =	smul.u32 $0xF7A, s1;
	s8 =	simm.s32 @!p0 $0x1BF5;
	p2 =	por !p2, p0  }
0x20: {  	[sflag:s8] =	ssyncset.s32 @!p0 $0xFFFFF086;
	s6 =	sadd.s32 @!p0 s3, s7;
	s7 =	simm.s32 @!p0 $0x108  }
0x21: {  	s3 =	sadd.s32 s3, s9;
	s6 =	sadd.s32 @!p0 $0x88, s6;
	s7 =	simm.s32 @p2 $0x1082  }
0x22: {  	[simem:s7], [sflag:s8] =	dma.local @!p0 [hbm:s6], $0xF7A  }
0x23: {  	s9 =	sor.u32 $0xD0000000, s2;
	s6 =	simm.s32 $0x108;
	_ =	swait.ge @!p0 [sflag:s8], $0x0  }
0x24: {  	s3 =	sadd.s32 $0x88, s3;
	s6 =	simm.s32 @!p1 $0x1082;
	[sflag:s4] =	ssyncset.s32 $0xFFFFF086  }
0x25: {  	[simem:s6], [sflag:s4] =	dma.local [hbm:s3], $0xF7A  }
0x26: {  	[smem:$0x3F9F] =	sst s1;
	(tag) =	ssettag s2;
	_ =	strace s9  }
0x27: {  	s1 =	sld [smem:$0x3FAF]  }
0x28: {  	s2 =	sld [smem:$0x3FB0]  }
0x29: {  	s4 =	sld [smem:$0x3FB2]  }
0x2a: {  	p0 =	seq.s32 s5, $0x0;
	s5 =	sld [smem:$0x3FB3]  }
0x2b: {  	s6 =	sld [smem:$0x3FB4]  }
0x2c: {  	s7 =	sld [smem:$0x3FB5]  }
0x2d: {  	s3 =	simm.s32 $0x108;
	s8 =	sld [smem:$0x3FB6]  }
0x2e: {  	s3 =	simm.s32 @!p0 $0x1082;
	s9 =	sld [smem:$0x3FB7]  }
0x2f: {  	lr =	sadd.s32 s0, s3;
	s0 =	sld [smem:$0x3FAE]  }
0x30: {  	s3 =	sld [smem:$0x3FB1]  }
0x31: {  	[smem:$0x3FBA] =	sst s10  }
0x32: {  	s10 =	sld [smem:$0x3FB8];
	_ =	sdelay $0x3  }
0x33: {  	p0 =	seq.s32 s10, $0x1;
	s10 =	sld [smem:$0x3FBA];
	_ =	sdelay $0x3  }
0x34: {  	[smem:$0x3FBA] =	sst s10  }
0x35: {  	s10 =	sld [smem:$0x3FB9];
	_ =	sdelay $0x3  }
0x36: {  	p1 =	seq.s32 s10, $0x1;
	s10 =	sld [smem:$0x3FBA];
	_ =	sdelay $0x3  }
0x37: {  	[smem:$0x3FBA] =	sst s10  }
0x38: {  	s10 =	sld [smem:$0x3FBB]  }
0x39: {  	_ = 	snop;
	(pc) =	sbr.ind lr, $3  }
0x3a: {  	_ = 	snop  }
0x3b: {  	_ = 	snop  }
0x3c: {  	p2 =	seq.s32 s10, $0x1;
	s10 =	sld [smem:$0x3FBA]  }
0x3d: {  	_ =	shalt  }
0x3e: {  	_ =	shalt  }
0x3f: {  	_ =	shalt  }
0x40: {  	_ =	shalt  }
0x41: {  	_ =	shalt  }
0x42: {  	_ =	shalt  }
0x43: {  	_ =	shalt  }
0x44: {  	_ =	shalt  }
0x45: {  	_ =	shalt  }
0x46: {  	_ =	shalt  }
0x47: {  	_ =	shalt  }
0x48: {  	_ =	shalt  }
0x49: {  	_ =	shalt  }
0x4a: {  	_ =	shalt  }
0x4b: {  	_ =	shalt  }
0x4c: {  	_ =	shalt  }
0x4d: {  	_ =	shalt  }
0x4e: {  	_ =	shalt  }
0x4f: {  	_ =	shalt  }
0x50: {  	_ =	shalt  }
0x51: {  	_ =	shalt  }
0x52: {  	_ =	shalt  }
0x53: {  	_ =	shalt  }
0x54: {  	_ =	shalt  }
0x55: {  	_ =	shalt  }
0x56: {  	_ =	shalt  }
0x57: {  	_ =	shalt  }
0x58: {  	_ =	shalt  }
0x59: {  	_ =	shalt  }
0x5a: {  	_ =	shalt  }
0x5b: {  	_ =	shalt  }
0x5c: {  	_ =	shalt  }
0x5d: {  	_ =	shalt  }
0x5e: {  	_ =	shalt  }
0x5f: {  	_ =	shalt  }
0x60: {  	_ =	shalt  }
0x61: {  	_ =	shalt  }
0x62: {  	_ =	shalt  }
0x63: {  	_ =	shalt  }
0x64: {  	_ =	shalt  }
0x65: {  	_ =	shalt  }
0x66: {  	_ =	shalt  }
0x67: {  	_ =	shalt  }
0x68: {  	_ =	shalt  }
0x69: {  	_ =	shalt  }
0x6a: {  	_ =	shalt  }
0x6b: {  	_ =	shalt  }
0x6c: {  	_ =	shalt  }
0x6d: {  	_ =	shalt  }
0x6e: {  	_ =	shalt  }
0x6f: {  	_ =	shalt  }
0x70: {  	_ =	shalt  }
0x71: {  	_ =	shalt  }
0x72: {  	_ =	shalt  }
0x73: {  	_ =	shalt  }
0x74: {  	_ =	shalt  }
0x75: {  	_ =	shalt  }
0x76: {  	_ =	shalt  }
0x77: {  	_ =	shalt  }
0x78: {  	_ =	shalt  }
0x79: {  	_ =	shalt  }
0x7a: {  	_ =	shalt  }
0x7b: {  	_ =	shalt  }
0x7c: {  	_ =	shalt  }
0x7d: {  	_ =	shalt  }
0x7e: {  	_ =	shalt  }
0x7f: {  	_ =	shalt  }
0x80: {  	_ =	shalt  }
0x81: {  	_ =	shalt  }
0x82: {  	_ =	shalt  }
0x83: {  	_ =	shalt  }
0x84: {  	_ =	shalt  }
0x85: {  	_ =	shalt  }
0x86: {  	_ =	shalt  }
0x87: {  	_ =	shalt  }
.Lfunc_end0:
.L_simem_size_0:
called_computation_lowered:
.L_overlay_start_0:
0x88: {  	s2 =	sld [smem:$0x3FD9]  }
0x89: {  	s3 =	sld [smem:$0x3FFE];
	_ =	sdelay $0x1  }
0x8a: {  	s1 =	srdreg.scid  }
0x8b: {  	s0 =	sand.u32 $0x1, s1  }
0x8c: {  	s17 =	sshll.u32 s0, $0xA;
	s2 =	sadd.s32 s3, s2  }
0x8d: {  	s2 =	sadd.s32 s2, s17  }
0x8e: {  	[smem:$0x3FC6] =	sst s2  }
0x8f: {  	_ = 	snop  }
0x90: {  	s2 =	sld [smem:$0x3FC9]  }
0x91: {  	s18 =	sld [smem:$0x3FD0];
	(tm) =	ssettm $0x1  }
0x92: {  	s4 =	sld [smem:$0x3FFB];
	_ =	sdelay $0x3  }
0x93: {  	_ =	strace s4  }
0x94: {  	s4 =	sld [smem:$0x3FFC];
	_ =	sdelay $0x3  }
0x95: {  	_ =	strace s4  }
0x96: {  	s4 =	sld [smem:$0x3FFD];
	_ =	sdelay $0x3  }
0x97: {  	_ =	strace s4  }
0x98: {  	_ =	strace $0x8FFFFFFF  }
0x99: {  	s19 =	sld [smem:$0x3FDB];
	_ =	sdelay $0x1  }
0x9a: {  	s5 =	simm.s32 $_scs_section_size  }
0x9b: {  	s6 =	simm.s32 $_size__tile_overlayer_lowered;
	s7 =	simm.s32 $_tile_overlayer_lowered  }
0x9c: {  	s22 =	simm.s32 $0x1BFF;
	s21 =	sshll.u32 s7, $0x1;
	s4 =	sadd.s32 s5, s19  }
0x9d: {  	s8 =	simm.s32 $0x0;
	s20 =	sshll.u32 s6, $0x1;
	s6 =	sadd.s32 s21, s4  }
0x9e: {  	[timem:s8], [sflag:s22] =	dma.local [hbm:s6], s20  }
0x9f: {  	_ =	swait.ge [sflag:s22], s20  }
0xa0: {  	s5 =	ssub.s32 $0x0, s20;
	[sflag:s22] =	ssyncset.done $0x0  }
0xa1: {  	[sflag:s22] =	ssyncadd.s32 s5;
	_ =	sdelay $0x1  }
0xa2: {  	s23 =	simm.s32 $0x1B8B  }
0xa3: {  	_ =	swait.ge [sflag:s23], $0x1  }
0xa4: {  	[sflag:s23] =	ssyncset.done $0x0  }
0xa5: {  	s25 =	simm.s32 $0x1B8E;
	s24 =	sld [smem:$0x3FFE];
	[sflag:s23] =	ssyncadd.s32 $0xFFFFFFFF  }
0xa6: {  	s26 =	simm.s32 $execute0_lowered;
	[smem:$0x3FD2] =	sst s25  }
0xa7: {  	s6 =	sshll.u32 s26, $0x1;
	_ =	strace $0x80000046;
	[dreg:$0x1] =	wrdreg $0xFFFFFFFF  }
0xa8: {  	s28 =	simm.s32 $_size_execute0_lowered;
	s4 =	sadd.s32 s4, s6;
	[dreg:$0x0] =	wrdreg $0x0  }
0xa9: {  	s6 =	sshll.u32 s28, $0x1;
	[dreg:$0x2] =	wrdreg s4  }
0xaa: {  	[dreg:$0x3] =	wrdreg s6  }
0xab: {  	[dreg:$0x4] =	wrdreg $0xC0  }
0xac: {  	_ =	task [dreg:s8], $0x5FFFF  }
0xad: {  	[dreg:$0x1] =	wrdreg $0xFFFFFFFF  }
0xae: {  	[dreg:$0x0] =	wrdreg $0x60  }
0xaf: {  	[dreg:$0x2] =	wrdreg s2  }
0xb0: {  	[dreg:$0x3] =	wrdreg s24  }
0xb1: {  	[dreg:$0x4] =	wrdreg s18  }
0xb2: {  	[dreg:$0x5] =	wrdreg $0x9  }
0xb3: {  	_ =	task.clear_ibuf [dreg:s8], $0x6FFFF;
	_ =	strace $0x90000046  }
0xb4: {  	s29 =	simm.s32 $0x9;
	_ =	strace $0x80000048  }
0xb5: {  	_ =	swait.ge [sflag:s29], $0x1  }
0xb6: {  	[sflag:s29] =	ssyncadd.s32 $0xFFFFFFFF  }
0xb7: {  	_ =	strace $0x90000048  }
0xb8: {  	_ =	sfence  }
0xb9: {  	s30 =	sld [smem:$0x0];
	_ =	sdelay $0x2  }
0xba: {  	s31 =	sshll.u32 s1, $0xD;
	s1 =	sshrl.u32 s1, $0x2  }
0xbb: {  	s3 =	sand.u32 $0x4000, s31;
	s1 =	sadd.s32 s1, s30  }
0xbc: {  	s0 =	sor.u32 s3, s0;
	s1 =	sshll.u32 s1, $0x11  }
0xbd: {  	s0 =	sor.u32 s1, s0  }
0xbe: {  	s0 =	sadd.s32 $0x8F2B, s0  }
0xbf: {  	[sflag:s0] =	ssyncadd.remote.s32 $0x1  }
0xc0: {  	_ =	sfence.sel $0xFFFF  }
0xc1: {  	[dreg:$0x0] =	wrdreg $0xFFFFFFFF;
	(pc) =	sbr.abs _section_cstart, $3  }
0xc2: {  	[dreg:$0x1] =	wrdreg $0xFFFFFFFF  }
0xc3: {  	_ =	task.clear_ibuf [dreg:s8], $0x2FFFF;
	_ =	strace $0x9FFFFFFF  }
0xc4: {  	(tm) =	ssettm $0x7FFFFFFF  }
0xc5: {  	_ =	shalt  }
tec
execute0_lowered:
.L_overlay_start_1:
0x0: {  	(tag) =	ssettag $0x1  }
0x1: {  	s1 =	rddreg [dreg:$0x0]  }
0x2: {  	s0 =	rddreg [dreg:$0x1]  }
0x3: {  	s2 =	rddreg [dreg:$0x2];
	s3 =	simm.s32 $0x0;
	s4 =	srdreg.scid  }
0x4: {  	s23 =	stileid.u32;
	s16 =	simm.s32 $0x5;
	s17 =	simm.s32 $0x180  }
0x5: {  	s18 =	simm.s32 $0x300;
	s19 =	simm.s32 $0x480;
	s20 =	simm.s32 $0x600  }
0x6: {  	s21 =	simm.s32 $0x10600;
	s28 =	simm.s32 $0x16600;
	s29 =	simm.s32 $0x3  }
0x7: {  	s30 =	simm.s32 $0x0;
	[smem:$0x7FF] =	sst s3;
	s5 =	sadd.s32 $0xE00, s0  }
0x8: {  	s4 =	sand.u32 $0x1, s4;
	s6 =	sadd.s32 $0xA00, s0;
	s7 =	sadd.s32 $0xC00, s0  }
0x9: {  	s25 =	sadd.s32 $0x800, s0;
	_ =	strace $0x80000047;
	[dreg:$0x4] =	wrdreg s5  }
0xa: {  	s10 =	sadd.s32 $0x1000, s0;
	[dreg:$0x5] =	wrdreg s6;
	s5 =	sshll.u32 s23, $0x14  }
0xb: {  	s24 =	sshll.u32 s4, $0x13;
	[dreg:$0x6] =	wrdreg s7;
	s4 =	ssub.s32 $0x2, s4  }
.Ltmp0:
0xc: {  	v2 =	vimm.s32 $0x7F;
	[dreg:$0x7] =	wrdreg s25;
	s23 =	simm.s32 $0x1;
	(pc) =	sbr.rel .LBB2_1-.Ltmp0, $4  }
0xd: {  	s25 =	simm.s32 $0x2;
	s8 =	sor.u32 s24, s5;
	s26 =	sshrl.u32 s4, $0x1  }
0xe: {  	s24 =	simm.s32 $0x14600;
	s6 =	sshrl.u32 s8, $0x3;
	s31 =	ssub.s32 s4, s26  }
0xf: {  	s13 =	sor.u32 $0x4000, s8;
	s14 =	sor.u32 $0x6000, s8;
	s11 =	sadd.s32 s1, s6  }
0x10: {  	v0 =	vimm.s32 $0x0;
	v1 =	vimm.f32 $1.000000000e+00;
	s26 =	simm.s32 $0x4;
	s15 =	smax.u32 s31, $0x1;
	s12 =	sadd.s32 $0x400, s11  }
.LBB2_19:
0x11: {  	s30 =	sadd.s32 $0x1, s30  }
0x12: {  	_ =	swait.ge [sflag:s29], $0x2000;
	p0 =	sne.s32 s30, s15  }
.Ltmp1:
0x13: {  	[sflag:s29] =	ssyncset.done $0x0;
	(pc) =	sbr.rel @!p0 .LBB2_20-.Ltmp1, $4  }
0x14: {  	[sflag:s29] =	ssyncadd.s32 $0xFFFFE000  }
0x15: {  	_ =	swait.ge [sflag:s26], $0x2000  }
0x16: {  	[sflag:s26] =	ssyncset.done $0x0  }
0x17: {  	[sflag:s26] =	ssyncadd.s32 $0xFFFFE000  }
.LBB2_1:
0x18: {  	s0 =	rddreg [dreg:$0x4]  }
0x19: {  	[tilespmem:s3], [sflag:$0x5] =	stream.linear.gather [hbm4b:s0+s3], $0x180, $0x38;
	[tilespmem:$0x18600] =	vst v63  }
0x1a: {  	_ =	swait.ge [sflag:s16], $0x180  }
0x1b: {  	[sflag:s16] =	ssyncset.done $0x0  }
0x1c: {  	s6 =	rddreg [dreg:$0x5];
	[sflag:s16] =	ssyncadd.s32 $0xFFFFFE80  }
0x1d: {  	[tilespmem:s17], [sflag:$0x5] =	stream.linear.gather [hbm4b:s6+s3], $0x180, $0x38;
	[tilespmem:$0x18600] =	vst v63  }
0x1e: {  	_ =	swait.ge [sflag:s16], $0x180  }
0x1f: {  	[sflag:s16] =	ssyncset.done $0x0  }
0x20: {  	s7 =	rddreg [dreg:$0x6];
	[sflag:s16] =	ssyncadd.s32 $0xFFFFFE80  }
0x21: {  	[tilespmem:s18], [sflag:$0x5] =	stream.linear.gather [hbm4b:s7+s3], $0x180, $0x38;
	[tilespmem:$0x18600] =	vst v63  }
0x22: {  	_ =	swait.ge [sflag:s16], $0x180  }
0x23: {  	[sflag:s16] =	ssyncset.done $0x0  }
0x24: {  	s9 =	rddreg [dreg:$0x7];
	[sflag:s16] =	ssyncadd.s32 $0xFFFFFE80  }
0x25: {  	[tilespmem:s19], [sflag:$0x5] =	stream.linear.gather [hbm4b:s9+s3], $0x180, $0x38;
	[tilespmem:$0x18600] =	vst v63  }
0x26: {  	_ =	swait.ge [sflag:s16], $0x180  }
0x27: {  	[sflag:s16] =	ssyncset.done $0x0  }
0x28: {  	[sflag:s16] =	ssyncadd.s32 $0xFFFFFE80  }
0x29: {  	[tilespmem:s20], [sflag:$0x5] =	stream.linear.gather [hbm4b:s10+s3], $0x10000, $0x38;
	[tilespmem:$0x18600] =	vst v63  }
0x2a: {  	_ =	swait.ge [sflag:s16], $0x10000  }
.Ltmp2:
0x2b: {  	[sflag:s16] =	ssyncset.done $0x0;
	(pc) =	sbr.rel .LBB2_2-.Ltmp2, $4  }
0x2c: {  	[sflag:s16] =	ssyncadd.s32 $0xFFFF0000  }
0x2d: {  	[tilespmem:s21], [sflag:$0x1] =	stream.linear.gather [hbm4b:s11+s3], $0x2000, $0x38;
	[tilespmem:$0x18600] =	vst v63  }
0x2e: {  	s22 =	simm.s32 $0x12600;
	s31 =	simm.s32 $0x0  }
0x2f: {  	[tilespmem:s22], [sflag:$0x2] =	stream.linear.gather [hbm4b:s12+s3], $0x2000, $0x38;
	[tilespmem:$0x18600] =	vst v63  }
.LBB2_18:
0x30: {  	s4 =	sadd.s32 s4, s2;
	p0 =	seq.s32 s22, $0x1F  }
0x31: {  	s4 =	sadd.s32 $0x400, s4;
	s0 =	sadd.s32 @!p0 s0, s14  }
0x32: {  	[hbm4b:s4+s3] =	stream.linear.scatter [tilespmem:s28], [sflag:$0x4], $0x2000, $0x38;
	[tilespmem:$0x18600] =	vst v63  }
0x33: {  	s5 =	simm.s32 @!p0 $0x12600;
	s0 =	sshrl.u32 @!p0 s0, $0x3  }
0x34: {  	p1 =	sne.s32 @!p0 s31, $0x20;
	s4 =	simm.s32 @!p0 $0x0;
	s0 =	sadd.s32 @!p0 s1, s0  }
0x35: {  	[tilespmem:s5], [sflag:$0x2] =	stream.linear.gather @!p0 [hbm4b:s0+s4], $0x2000, $0x38;
	[tilespmem:$0x18600] =	vst v63  }
0x36: {  	p0 =	por p0, !p1  }
.Ltmp3:
0x37: {  	_ = 	snop;
	(pc) =	sbr.rel @p0 .LBB2_19-.Ltmp3, $1  }
0x38: {  	_ =	sdelay $0x3  }
.LBB2_2:
0x39: {  	_ =	swait.ge [sflag:s23], $0x2000  }
0x3a: {  	p0 =	seq.s32 s31, $0x0;
	[sflag:s23] =	ssyncset.done $0x0  }
0x3b: {  	s0 =	simm.s32 @!p0 $0x3;
	[sflag:s23] =	ssyncadd.s32 $0xFFFFE000  }
0x3c: {  	_ =	swait.ge @!p0 [sflag:s0], $0x2000  }
0x3d: {  	[sflag:s0] =	ssyncset.done @!p0 $0x0  }
0x3e: {  	s7 =	simm.s32 $0x10640;
	[sflag:s0] =	ssyncadd.s32 @!p0 $0xFFFFE000  }
0x3f: {  	v20 =	vld [tilespmem:s7+$0xFFFFFFF0]  }
0x40: {  	v21 =	vld [tilespmem:s7+$0x0]  }
0x41: {  	v19 =	vld [tilespmem:s7+$0x10]  }
0x42: {  	v18 =	vld [tilespmem:s7+$0x20]  }
0x43: {  	v17 =	vld [tilespmem:s7+$0x30]  }
0x44: {  	v22 =	vld [tilespmem:s7+$0xFFFFFFE0]  }
0x45: {  	v15 =	vld [tilespmem:s7+$0xFFFFFFD0]  }
0x46: {  	v14 =	vld [tilespmem:s7+$0xFFFFFFC0];
	_ =	sdelay $0x1  }
0x47: {  	v3 =	vadd.f32 $0.0e+00, v20;
	v4 =	vadd.f32 $0.0e+00, v21  }
0x48: {  	v5 =	vadd.f32 $0.0e+00, v19;
	v6 =	vadd.f32 $0.0e+00, v18  }
0x49: {  	v7 =	vadd.f32 $0.0e+00, v22;
	v8 =	vadd.f32 $0.0e+00, v17  }
0x4a: {  	v9 =	vadd.f32 $0.0e+00, v14;
	v10 =	vadd.f32 $0.0e+00, v15  }
0x4b: {  	v11 =	vshra.s32 v3, $0x1F;
	v12 =	vshra.s32 v4, $0x1F;
	v13 =	vshra.s32 v5, $0x1F  }
0x4c: {  	v16 =	vshra.s32 v6, $0x1F;
	v23 =	vshra.s32 v10, $0x1F;
	v26 =	vshra.s32 v9, $0x1F  }
0x4d: {  	v24 =	vshra.s32 v7, $0x1F;
	v25 =	vshra.s32 v8, $0x1F;
	v26 =	vor.u32 $0x80000000, v26  }
0x4e: {  	v11 =	vor.u32 $0x80000000, v11;
	v12 =	vor.u32 $0x80000000, v12;
	v9 =	vxor.u32 v9, v26  }
0x4f: {  	v13 =	vor.u32 $0x80000000, v13;
	v23 =	vor.u32 $0x80000000, v23;
	v26 =	vshrl.u32 v9, $0xF  }
0x50: {  	v10 =	vxor.u32 v10, v23;
	v23 =	vor.u32 $0x80000000, v24;
	v24 =	vand.u32 $0xFFFF, v26  }
0x51: {  	v16 =	vor.u32 $0x80000000, v16;
	v7 =	vxor.u32 v7, v23;
	v26 =	vshrl.u32 v10, $0xF  }
0x52: {  	v3 =	vxor.u32 v3, v11;
	v23 =	vand.u32 $0xFFFF, v26;
	v26 =	vshrl.u32 v7, $0xF  }
0x53: {  	v4 =	vxor.u32 v4, v12;
	v11 =	vand.u32 $0xFFFF, v26;
	v26 =	vshrl.u32 v3, $0xF  }
0x54: {  	v5 =	vxor.u32 v5, v13;
	v12 =	vand.u32 $0xFFFF, v26;
	v26 =	vshrl.u32 v4, $0xF  }
0x55: {  	v6 =	vxor.u32 v6, v16;
	v13 =	vand.u32 $0xFFFF, v26;
	v26 =	vshrl.u32 v5, $0xF;
	v16 =	vld.idx.msk [tilespmem:v24+s20+$0x0], $0xffff  }
0x56: {  	v25 =	vor.u32 $0x80000000, v25;
	v24 =	vand.u32 $0xFFFF, v26  }
0x57: {  	v8 =	vxor.u32 v8, v25  }
0x58: {  	v9 =	vshrl.u32 v9, $0x1B;
	v27 =	vshrl.u32 v5, $0x1B;
	v26 =	vshrl.u32 v6, $0xF;
	v23 =	vld.idx.msk [tilespmem:v23+s20+$0x0], $0xffff  }
0x59: {  	v5 =	vand.u32 $0x10, v9;
	v25 =	vand.u32 $0xFFFF, v26;
	v26 =	vshrl.u32 v8, $0xF;
	v11 =	vld.idx.msk [tilespmem:v11+s20+$0x0], $0xffff  }
0x5a: {  	v26 =	vand.u32 $0xFFFF, v26;
	v12 =	vld.idx.msk [tilespmem:v12+s20+$0x0], $0xffff;
	v5 =	vshrl.u32 v16, v5  }
0x5b: {  	v9 =	vshrl.u32 v10, $0x1B;
	v28 =	vld.idx.msk [tilespmem:v24+s20+$0x0], $0xffff;
	v24 =	vand.u32 $0xFFFF, v5  }
0x5c: {  	v7 =	vshrl.u32 v7, $0x1B;
	v10 =	vshrl.u32 v8, $0x1B;
	v8 =	vand.u32 $0x10, v9;
	v13 =	vld.idx.msk [tilespmem:v13+s20+$0x0], $0xffff  }
0x5d: {  	v7 =	vand.u32 $0x10, v7;
	v5 =	vshrl.u32 v23, v8  }
0x5e: {  	v3 =	vshrl.u32 v3, $0x1B;
	v9 =	vld.idx.msk [tilespmem:v25+s20+$0x0], $0xffff;
	v23 =	vand.u32 $0xFFFF, v5;
	v5 =	vshrl.u32 v11, v7  }
0x5f: {  	v4 =	vshrl.u32 v4, $0x1B;
	v3 =	vand.u32 $0x10, v3;
	v16 =	vld.idx.msk [tilespmem:v26+s20+$0x0], $0xffff;
	v8 =	vand.u32 $0xFFFF, v5  }
0x60: {  	v4 =	vand.u32 $0x10, v4;
	v6 =	vshrl.u32 v6, $0x1B;
	v3 =	vshrl.u32 v12, v3;
	v11 =	vld.idx.msk [tilespmem:v24+s19+$0x0], $0xffff  }
0x61: {  	v7 =	vand.u32 $0x10, v27;
	v5 =	vand.u32 $0xFFFF, v3;
	v3 =	vshrl.u32 v13, v4;
	v27 =	vld.idx.msk [tilespmem:v24+s3+$0x0], $0xffff  }
0x62: {  	v6 =	vand.u32 $0x10, v6;
	v4 =	vand.u32 $0xFFFF, v3;
	v3 =	vshrl.u32 v28, v7;
	v28 =	vld.idx.msk [tilespmem:v24+s17+$0x0], $0xffff  }
0x63: {  	v6 =	vshrl.u32 v9, v6;
	v9 =	vand.u32 $0x10, v10;
	v10 =	vld.idx.msk [tilespmem:v23+s19+$0x0], $0xffff  }
0x64: {  	v3 =	vand.u32 $0xFFFF, v3;
	v7 =	vand.u32 $0xFFFF, v6;
	v6 =	vshrl.u32 v16, v9;
	v9 =	vld.idx.msk [tilespmem:v8+s19+$0x0], $0xffff  }
0x65: {  	v61 =	vld.idx.msk [tilespmem:v8+s18+$0x0], $0xffff  }
0x66: {  	v12 =	vld.idx.msk [tilespmem:v5+s19+$0x0], $0xffff  }
0x67: {  	v13 =	vld.idx.msk [tilespmem:v4+s19+$0x0], $0xffff  }
0x68: {  	v6 =	vand.u32 $0xFFFF, v6;
	v39 =	vld.idx.msk [tilespmem:v4+s17+$0x0], $0xffff  }
0x69: {  	v16 =	vld.idx.msk [tilespmem:v3+s19+$0x0], $0xffff  }
0x6a: {  	v29 =	vimm.s32 $0x0;
	vm0 =	vle.f32 v11, v14;
	v11 =	vld.idx.msk [tilespmem:v23+s3+$0x0], $0xffff  }
0x6b: {  	vm1 =	vle.f32 v27, v14;
	v25 =	vld.idx.msk [tilespmem:v7+s19+$0x0], $0xffff;
	v30 =	vsel vm0, $0x1, v0;
	vm0 =	vle.f32 v10, v15  }
0x6c: {  	v27 =	vld.idx.msk [tilespmem:v3+s3+$0x0], $0xffff;
	v29 =	vor.u32 v30, v29;
	v40 =	vsel vm0, $0x1, v0;
	vm0 =	vle.f32 v9, v22  }
0x6d: {  	v26 =	vld.idx.msk [tilespmem:v6+s19+$0x0], $0xffff;
	v29 =	vor.u32 v40, v29;
	v31 =	vsel vm0, $0x1, v0;
	vm0 =	vle.f32 v12, v20  }
0x6e: {  	v62 =	vld.idx.msk [tilespmem:v3+s18+$0x0], $0xffff;
	v29 =	vor.u32 v31, v29;
	v38 =	vsel vm0, $0x1, v0;
	vm0 =	vle.f32 v13, v21  }
0x6f: {  	v10 =	vld.idx.msk [tilespmem:v23+s17+$0x0], $0xffff;
	v29 =	vor.u32 v38, v29;
	v37 =	vsel vm0, $0x1, v0;
	vm0 =	vle.f32 v16, v19  }
0x70: {  	v9 =	vld.idx.msk [tilespmem:v8+s3+$0x0], $0xffff;
	v29 =	vor.u32 v37, v29;
	v32 =	vsel vm0, $0x1, v0;
	vm0 =	vle.f32 v25, v18  }
0x71: {  	v12 =	vld.idx.msk [tilespmem:v8+s17+$0x0], $0xffff;
	v29 =	vor.u32 v32, v29;
	v33 =	vsel vm0, $0x1, v0  }
0x72: {  	v13 =	vld.idx.msk [tilespmem:v5+s3+$0x0], $0xffff;
	vm0 =	vle.f32 v26, v17;
	v26 =	vor.u32 v33, v29  }
0x73: {  	v16 =	vld.idx.msk [tilespmem:v5+s17+$0x0], $0xffff;
	v34 =	vsel vm0, $0x1, v0;
	v29 =	vsel vm1, $0x1, v0;
	vm0 =	vle.f32 v28, v14  }
0x74: {  	v25 =	vld.idx.msk [tilespmem:v4+s3+$0x0], $0xffff;
	v36 =	vor.u32 v34, v26;
	v26 =	vsel vm0, $0x1, v0;
	vm0 =	vle.f32 v11, v15  }
0x75: {  	v44 =	vld.idx.msk [tilespmem:v7+s17+$0x0], $0xffff;
	v26 =	vadd.s32 v29, v26;
	v29 =	vsel vm0, $0x1, v0;
	vm0 =	vle.f32 v10, v15  }
0x76: {  	v28 =	vld.idx.msk [tilespmem:v3+s17+$0x0], $0xffff;
	vm1 =	vle.f32 v12, v22;
	v10 =	vsel vm0, $0x1, v0;
	vm0 =	vle.f32 v9, v22  }
0x77: {  	v45 =	vld.idx.msk [tilespmem:v6+s17+$0x0], $0xffff;
	v29 =	vadd.s32 v29, v10;
	v9 =	vsel vm0, $0x1, v0;
	v10 =	vsel vm1, $0x1, v0  }
0x78: {  	v11 =	vld.idx.msk [tilespmem:v7+s3+$0x0], $0xffff;
	vm0 =	vle.f32 v13, v20;
	vm1 =	vle.f32 v16, v20;
	v35 =	vadd.s32 v9, v10  }
0x79: {  	v12 =	vld.idx.msk [tilespmem:v6+s3+$0x0], $0xffff;
	v9 =	vsel vm0, $0x1, v0;
	v10 =	vsel vm1, $0x1, v0;
	vm0 =	vle.f32 v25, v21  }
0x7a: {  	s9 =	simm.s32 $0x106C0;
	v16 =	vld.idx.msk [tilespmem:v24+s18+$0x0], $0xffff;
	v41 =	vadd.s32 v9, v10;
	v10 =	vsel vm0, $0x1, v0;
	vm0 =	vle.f32 v39, v21  }
0x7b: {  	v13 =	vld [tilespmem:s9+$0x0];
	vm1 =	vle.f32 v28, v19;
	v39 =	vsel vm0, $0x1, v0;
	vm0 =	vle.f32 v27, v19  }
0x7c: {  	v25 =	vld.idx.msk [tilespmem:v23+s18+$0x0], $0xffff;
	v28 =	vsel vm1, $0x1, v0;
	vm1 =	vle.f32 v44, v18;
	v27 =	vsel vm0, $0x1, v0  }
0x7d: {  	v9 =	vld [tilespmem:s9+$0xFFFFFFF0];
	v42 =	vadd.s32 v10, v39;
	vm0 =	vle.f32 v11, v18;
	v43 =	vadd.s32 v27, v28  }
0x7e: {  	v10 =	vld [tilespmem:s9+$0x10];
	v27 =	vsel vm0, $0x1, v0;
	v28 =	vsel vm1, $0x1, v0;
	vm0 =	vle.f32 v12, v17  }
0x7f: {  	v11 =	vld [tilespmem:s9+$0x20];
	v44 =	vadd.s32 v27, v28;
	v27 =	vsel vm0, $0x1, v0;
	vm0 =	vle.f32 v16, v14  }
0x80: {  	vm3 =	vle.f32 v62, v19;
	v12 =	vld [tilespmem:s9+$0x30];
	vm1 =	vle.f32 v45, v17;
	v16 =	vsel vm0, $0x1, v0  }
0x81: {  	v14 =	vld [tilespmem:s9+$0xFFFFFFE0];
	vm0 =	vle.f32 v25, v15;
	v25 =	vsel vm1, $0x1, v0;
	v26 =	vadd.s32 v16, v26  }
0x82: {  	v15 =	vld [tilespmem:s9+$0xFFFFFFD0];
	v28 =	vsel vm0, $0x1, v0;
	v45 =	vadd.s32 v27, v25;
	vm0 =	vle.f32 v61, v22  }
0x83: {  	v25 =	vadd.s32 v30, v26;
	v26 =	vadd.s32 v28, v29;
	v27 =	vadd.f32 $0.0e+00, v10  }
0x84: {  	v16 =	vld [tilespmem:s9+$0xFFFFFFC0];
	v28 =	vadd.f32 $0.0e+00, v11;
	v39 =	vadd.s32 v24, v25;
	v26 =	vadd.s32 v40, v26  }
0x85: {  	v24 =	vadd.f32 $0.0e+00, v9;
	v25 =	vadd.f32 $0.0e+00, v13;
	v40 =	vadd.s32 v23, v26  }
0x86: {  	v23 =	vadd.f32 $0.0e+00, v14;
	v26 =	vadd.f32 $0.0e+00, v12;
	v48 =	vshra.s32 v27, $0x1F  }
0x87: {  	v49 =	vshra.s32 v28, $0x1F;
	v30 =	vadd.f32 $0.0e+00, v15;
	v46 =	vshra.s32 v24, $0x1F  }
0x88: {  	v47 =	vshra.s32 v25, $0x1F;
	v48 =	vor.u32 $0x80000000, v48;
	v49 =	vor.u32 $0x80000000, v49  }
0x89: {  	v29 =	vadd.f32 $0.0e+00, v16;
	v51 =	vshra.s32 v23, $0x1F;
	v52 =	vshra.s32 v26, $0x1F  }
0x8a: {  	v46 =	vor.u32 $0x80000000, v46;
	v47 =	vor.u32 $0x80000000, v47;
	v27 =	vxor.u32 v27, v48  }
0x8b: {  	v28 =	vxor.u32 v28, v49;
	v50 =	vshra.s32 v30, $0x1F;
	v60 =	vor.u32 $0x80000000, v51  }
0x8c: {  	v24 =	vxor.u32 v24, v46;
	v53 =	vshra.s32 v29, $0x1F;
	v50 =	vor.u32 $0x80000000, v50  }
0x8d: {  	v23 =	vxor.u32 v23, v60;
	v56 =	vshrl.u32 v24, $0xF;
	v53 =	vor.u32 $0x80000000, v53  }
0x8e: {  	v55 =	vshrl.u32 v23, $0xF;
	v56 =	vand.u32 $0xFFFF, v56;
	v29 =	vxor.u32 v29, v53  }
0x8f: {  	v30 =	vxor.u32 v30, v50;
	v50 =	vld.idx.msk [tilespmem:v5+s18+$0x0], $0xffff;
	v55 =	vand.u32 $0xFFFF, v55;
	v53 =	vshrl.u32 v29, $0xF  }
0x90: {  	v25 =	vxor.u32 v25, v47;
	v54 =	vshrl.u32 v30, $0xF;
	v53 =	vand.u32 $0xFFFF, v53  }
0x91: {  	v52 =	vor.u32 $0x80000000, v52;
	v46 =	vld.idx.msk [tilespmem:v4+s18+$0x0], $0xffff;
	v57 =	vshrl.u32 v25, $0xF;
	v54 =	vand.u32 $0xFFFF, v54  }
0x92: {  	v49 =	vld.idx.msk [tilespmem:v7+s18+$0x0], $0xffff;
	v63 =	vshrl.u32 v27, $0xF;
	v27 =	vshrl.u32 v27, $0x1B;
	v48 =	vand.u32 $0xFFFF, v57  }
0x93: {  	v26 =	vxor.u32 v26, v52;
	v60 =	vshrl.u32 v28, $0xF;
	v57 =	vand.u32 $0xFFFF, v63;
	v19 =	vld.idx.msk [tilespmem:v56+s20+$0x0], $0xffff  }
0x94: {  	v52 =	vand.u32 $0xFFFF, v60;
	v22 =	vshrl.u32 v26, $0xF;
	vm1 =	vle.f32 v50, v20;
	v20 =	vld.idx.msk [tilespmem:v55+s20+$0x0], $0xffff  }
0x95: {  	v62 =	vshrl.u32 v28, $0x1B;
	v23 =	vshrl.u32 v23, $0x1B;
	v22 =	vand.u32 $0xFFFF, v22;
	v53 =	vld.idx.msk [tilespmem:v53+s20+$0x0], $0xffff  }
0x96: {  	v63 =	vshrl.u32 v26, $0x1B;
	v23 =	vand.u32 $0x10, v23;
	vm2 =	vle.f32 v46, v21;
	v61 =	vld.idx.msk [tilespmem:v54+s20+$0x0], $0xffff  }
0x97: {  	v21 =	vshrl.u32 v24, $0x1B;
	v24 =	vshrl.u32 v25, $0x1B;
	v25 =	vshrl.u32 v29, $0x1B;
	v28 =	vld.idx.msk [tilespmem:v48+s20+$0x0], $0xffff  }
0x98: {  	v29 =	vshrl.u32 v30, $0x1B;
	v25 =	vand.u32 $0x10, v25;
	v21 =	vand.u32 $0x10, v21;
	v54 =	vld.idx.msk [tilespmem:v57+s20+$0x0], $0xffff  }
0x99: {  	v29 =	vand.u32 $0x10, v29;
	v55 =	vld.idx.msk [tilespmem:v52+s20+$0x0], $0xffff;
	v19 =	vshrl.u32 v19, v21;
	v20 =	vshrl.u32 v20, v23  }
0x9a: {  	v22 =	vld.idx.msk [tilespmem:v22+s20+$0x0], $0xffff;
	v30 =	vand.u32 $0xFFFF, v20;
	v20 =	vand.u32 $0x10, v24;
	v25 =	vshrl.u32 v53, v25  }
0x9b: {  	v26 =	vand.u32 $0xFFFF, v25;
	v25 =	vshrl.u32 v61, v29;
	v29 =	vand.u32 $0xFFFF, v19  }
0x9c: {  	v19 =	vshrl.u32 v28, v20;
	v20 =	vand.u32 $0x10, v27;
	v25 =	vand.u32 $0xFFFF, v25  }
0x9d: {  	v28 =	vand.u32 $0xFFFF, v19;
	v19 =	vshrl.u32 v54, v20;
	v20 =	vand.u32 $0x10, v62  }
0x9e: {  	v56 =	vld.idx.msk [tilespmem:v6+s18+$0x0], $0xffff;
	v27 =	vand.u32 $0xFFFF, v19;
	v19 =	vshrl.u32 v55, v20;
	v20 =	vand.u32 $0x10, v63  }
0x9f: {  	vm4 =	vle.f32 v49, v18;
	v23 =	vand.u32 $0xFFFF, v19;
	v19 =	vshrl.u32 v22, v20;
	v18 =	vld.idx.msk [tilespmem:v30+s19+$0x0], $0xffff  }
0xa0: {  	v24 =	vand.u32 $0xFFFF, v19;
	v19 =	vsel vm0, $0x1, v0;
	v21 =	vld.idx.msk [tilespmem:v26+s19+$0x0], $0xffff  }
0xa1: {  	v20 =	vsel vm1, $0x1, v0;
	v19 =	vadd.s32 v19, v35;
	v57 =	vld.idx.msk [tilespmem:v25+s19+$0x0], $0xffff  }
0xa2: {  	v63 =	vadd.s32 v20, v41;
	v41 =	vadd.s32 v31, v19;
	v31 =	vld.idx.msk [tilespmem:v26+s3+$0x0], $0xffff  }
0xa3: {  	v58 =	vsel vm3, $0x1, v0;
	v60 =	vsel vm4, $0x1, v0;
	v46 =	vld.idx.msk [tilespmem:v30+s3+$0x0], $0xffff;
	vm0 =	vle.f32 v56, v17  }
0xa4: {  	v44 =	vadd.s32 v60, v44;
	v22 =	vsel vm2, $0x1, v0;
	v17 =	vld.idx.msk [tilespmem:v29+s19+$0x0], $0xffff;
	v61 =	vsel vm0, $0x1, v0  }
0xa5: {  	v53 =	vadd.s32 v58, v43;
	v52 =	vadd.s32 v22, v42;
	v59 =	vld.idx.msk [tilespmem:v28+s19+$0x0], $0xffff;
	v49 =	vadd.s32 v61, v45  }
0xa6: {  	v38 =	vadd.s32 v38, v63;
	v62 =	vld.idx.msk [tilespmem:v27+s19+$0x0], $0xffff;
	v49 =	vadd.s32 v34, v49;
	vm0 =	vle.f32 v21, v16  }
0xa7: {  	v20 =	vld.idx.msk [tilespmem:v23+s19+$0x0], $0xffff;
	v35 =	vsel vm0, $0x1, v0;
	vm0 =	vle.f32 v57, v15;
	vm1 =	vle.f32 v31, v16  }
0xa8: {  	v21 =	vld.idx.msk [tilespmem:v24+s19+$0x0], $0xffff;
	v19 =	vor.u32 v35, v36;
	v36 =	vsel vm0, $0x1, v0;
	vm0 =	vle.f32 v18, v14  }
0xa9: {  	v56 =	vld.idx.msk [tilespmem:v26+s17+$0x0], $0xffff;
	v18 =	vor.u32 v36, v19;
	v22 =	vsel vm0, $0x1, v0;
	vm0 =	vle.f32 v17, v9  }
0xaa: {  	v57 =	vld.idx.msk [tilespmem:v25+s3+$0x0], $0xffff;
	v18 =	vor.u32 v22, v18;
	v17 =	vsel vm0, $0x1, v0;
	vm0 =	vle.f32 v59, v13  }
0xab: {  	v58 =	vld.idx.msk [tilespmem:v25+s17+$0x0], $0xffff;
	v19 =	vor.u32 v17, v18;
	v18 =	vsel vm0, $0x1, v0;
	vm0 =	vle.f32 v62, v10  }
0xac: {  	v48 =	vld.idx.msk [tilespmem:v30+s17+$0x0], $0xffff;
	v59 =	vor.u32 v18, v19;
	v19 =	vsel vm0, $0x1, v0;
	vm0 =	vle.f32 v20, v11  }
0xad: {  	s5 =	simm.s32 $0x14640;
	v50 =	vld.idx.msk [tilespmem:v29+s3+$0x0], $0xffff;
	v60 =	vsel vm1, $0x1, v0;
	v20 =	vsel vm0, $0x1, v0;
	vm0 =	vle.f32 v21, v12  }
0xae: {  	[tilespmem:s5+$0xFFFFFFC0] =	vst v39;
	v39 =	vld.idx.msk [tilespmem:v26+s18+$0x0], $0xffff;
	v47 =	vor.u32 v19, v59;
	v21 =	vsel vm0, $0x1, v0;
	vm0 =	vle.f32 v56, v16  }
0xaf: {  	v61 =	vld.idx.msk [tilespmem:v29+s17+$0x0], $0xffff;
	v31 =	vor.u32 v20, v47;
	v42 =	vsel vm0, $0x1, v0;
	vm0 =	vle.f32 v57, v15  }
0xb0: {  	v62 =	vld.idx.msk [tilespmem:v28+s3+$0x0], $0xffff;
	v47 =	vadd.s32 v37, v52;
	v43 =	vsel vm0, $0x1, v0;
	vm0 =	vle.f32 v58, v15  }
0xb1: {  	v63 =	vld.idx.msk [tilespmem:v28+s17+$0x0], $0xffff;
	v31 =	vor.u32 v21, v31;
	v45 =	vsel vm0, $0x1, v0;
	vm0 =	vle.f32 v46, v14  }
0xb2: {  	v57 =	vld.idx.msk [tilespmem:v27+s3+$0x0], $0xffff;
	v42 =	vadd.s32 v60, v42;
	v60 =	vsel vm0, $0x1, v0;
	vm0 =	vle.f32 v48, v14  }
0xb3: {  	v58 =	vld.idx.msk [tilespmem:v27+s17+$0x0], $0xffff;
	v46 =	vadd.s32 v32, v53;
	v48 =	vsel vm0, $0x1, v0;
	vm0 =	vle.f32 v50, v9  }
0xb4: {  	v37 =	vld.idx.msk [tilespmem:v23+s3+$0x0], $0xffff;
	v43 =	vadd.s32 v43, v45;
	v50 =	vsel vm0, $0x1, v0;
	vm0 =	vle.f32 v61, v9  }
0xb5: {  	v45 =	vld.idx.msk [tilespmem:v23+s17+$0x0], $0xffff;
	v32 =	vadd.s32 v60, v48;
	v61 =	vsel vm0, $0x1, v0;
	vm0 =	vle.f32 v62, v13  }
0xb6: {  	v51 =	vld.idx.msk [tilespmem:v24+s3+$0x0], $0xffff;
	v48 =	vadd.s32 v33, v44;
	v62 =	vsel vm0, $0x1, v0;
	vm0 =	vle.f32 v63, v13  }
0xb7: {  	s22 =	smov.u32 s31;
	s6 =	simm.s32 $0x14640;
	s0 =	sshll.u32 s31, $0xE;
	v33 =	vadd.s32 v50, v61;
	v50 =	vld.idx.msk [tilespmem:v24+s17+$0x0], $0xffff;
	v63 =	vsel vm0, $0x1, v0;
	vm0 =	vle.f32 v57, v10  }
0xb8: {  	s31 =	simm.s32 $0x10740;
	s4 =	sor.u32 s8, s0;
	s7 =	simm.s32 $0x8;
	[tilespmem:s5+$0xFFFFFFD0] =	vst v40;
	v52 =	vld.idx.msk [tilespmem:v25+s18+$0x0], $0xffff;
	v34 =	vadd.s32 v62, v63;
	v40 =	vsel vm0, $0x1, v0;
	vm0 =	vle.f32 v58, v10  }
.LBB2_3:
0xb9: {  	v44 =	vld [tilespmem:s31+$0xFFFFFFF0];
	v53 =	vsel vm0, $0x1, v0;
	vm0 =	vle.f32 v37, v11;
	v41 =	vadd.s32 v8, v41;
	v8 =	vmovc v30  }
0xba: {  	v30 =	vld [tilespmem:s31+$0x0];
	v37 =	vadd.s32 v40, v53;
	v53 =	vsel vm0, $0x1, v0;
	vm0 =	vle.f32 v45, v11;
	[tilespmem:s5+$0xFFFFFFE0] =	vst v41  }
0xbb: {  	v45 =	vld [tilespmem:s31+$0x10];
	v41 =	vsel vm0, $0x1, v0;
	vm0 =	vle.f32 v51, v12;
	v51 =	vadd.s32 v5, v38;
	v5 =	vmovc v29  }
0xbc: {  	v40 =	vld [tilespmem:s31+$0x20];
	v38 =	vadd.s32 v53, v41;
	v29 =	vsel vm0, $0x1, v0;
	vm0 =	vle.f32 v50, v12;
	[tilespmem:s5+$0xFFFFFFF0] =	vst v51  }
0xbd: {  	v47 =	vadd.s32 v4, v47;
	v4 =	vmovc v28;
	vm1 =	vle.f32 v39, v16;
	v41 =	vld [tilespmem:s31+$0x30];
	v16 =	vsel vm0, $0x1, v0  }
0xbe: {  	v50 =	vsel vm1, $0x1, v0;
	vm0 =	vle.f32 v52, v15;
	v28 =	vld [tilespmem:s31+$0xFFFFFFE0];
	v39 =	vadd.s32 v29, v16;
	[tilespmem:s5+$0x0] =	vst v47  }
0xbf: {  	v46 =	vadd.s32 v3, v46;
	v3 =	vmovc v27;
	v29 =	vadd.s32 v50, v42;
	v42 =	vsel vm0, $0x1, v0;
	v15 =	vld [tilespmem:s31+$0xFFFFFFD0]  }
0xc0: {  	v27 =	vadd.s32 v35, v29;
	v29 =	vadd.s32 v42, v43;
	v35 =	vadd.s32 v7, v48;
	v16 =	vld [tilespmem:s31+$0xFFFFFFC0];
	[tilespmem:s5+$0x10] =	vst v46  }
0xc1: {  	s7 =	sadd.s32 $0x8, s7;
	v43 =	vadd.s32 v26, v27;
	v26 =	vadd.s32 v36, v29;
	v29 =	vadd.s32 v6, v49;
	s5 =	sadd.s32 $0x80, s5;
	v27 =	vld.idx.msk [tilespmem:v8+s18+$0x0], $0xffff  }
0xc2: {  	p1 =	slt.u32 s7, $0x1F8;
	v42 =	vadd.f32 $0.0e+00, v30;
	v7 =	vmovc v23;
	v36 =	vadd.f32 $0.0e+00, v44;
	v47 =	vadd.s32 v25, v26;
	[tilespmem:s5+$0xFFFFFFC0] =	vst v43;
	v25 =	vld.idx.msk [tilespmem:v5+s18+$0x0], $0xffff  }
0xc3: {  	v6 =	vmov v24;
	v26 =	vadd.f32 $0.0e+00, v45;
	v43 =	vadd.f32 $0.0e+00, v40;
	[tilespmem:s5+$0xFFFFFFD0] =	vst v47;
	v46 =	vld.idx.msk [tilespmem:v4+s18+$0x0], $0xffff  }
0xc4: {  	v48 =	vadd.f32 $0.0e+00, v41;
	v47 =	vadd.f32 $0.0e+00, v28;
	v49 =	vld.idx.msk [tilespmem:v3+s18+$0x0], $0xffff;
	[tilespmem:s6+$0x20] =	vst v35  }
0xc5: {  	v51 =	vshra.s32 v36, $0x1F;
	v50 =	vadd.f32 $0.0e+00, v15;
	v35 =	vadd.f32 $0.0e+00, v16;
	v52 =	vld.idx.msk [tilespmem:v23+s18+$0x0], $0xffff;
	[tilespmem:s6+$0x30] =	vst v29;
	s6 =	smov.u32 s5  }
0xc6: {  	v53 =	vshra.s32 v43, $0x1F;
	v23 =	vshra.s32 v42, $0x1F;
	v29 =	vshra.s32 v26, $0x1F;
	v54 =	vld.idx.msk [tilespmem:v24+s18+$0x0], $0xffff  }
0xc7: {  	v56 =	vshra.s32 v48, $0x1F;
	v55 =	vshra.s32 v47, $0x1F;
	v24 =	vshra.s32 v50, $0x1F  }
0xc8: {  	v51 =	vor.u32 $0x80000000, v51;
	v23 =	vor.u32 $0x80000000, v23;
	v57 =	vshra.s32 v35, $0x1F  }
0xc9: {  	v53 =	vor.u32 $0x80000000, v53;
	v29 =	vor.u32 $0x80000000, v29;
	v57 =	vor.u32 $0x80000000, v57  }
0xca: {  	v56 =	vor.u32 $0x80000000, v56;
	v24 =	vor.u32 $0x80000000, v24;
	v35 =	vxor.u32 v35, v57  }
0xcb: {  	v24 =	vxor.u32 v50, v24;
	v50 =	vor.u32 $0x80000000, v55;
	v57 =	vshrl.u32 v35, $0xF  }
0xcc: {  	v47 =	vxor.u32 v47, v50;
	v55 =	vand.u32 $0xFFFF, v57;
	v57 =	vshrl.u32 v24, $0xF  }
0xcd: {  	v36 =	vxor.u32 v36, v51;
	v50 =	vand.u32 $0xFFFF, v57;
	v57 =	vshrl.u32 v47, $0xF  }
0xce: {  	v23 =	vxor.u32 v42, v23;
	v51 =	vand.u32 $0xFFFF, v57;
	v57 =	vshrl.u32 v36, $0xF  }
0xcf: {  	v26 =	vxor.u32 v26, v29;
	v42 =	vand.u32 $0xFFFF, v57;
	v57 =	vshrl.u32 v23, $0xF  }
0xd0: {  	v43 =	vxor.u32 v43, v53;
	v29 =	vand.u32 $0xFFFF, v57;
	v57 =	vshrl.u32 v26, $0xF  }
0xd1: {  	v48 =	vxor.u32 v48, v56;
	v53 =	vld.idx.msk [tilespmem:v55+s20+$0x0], $0xffff;
	v55 =	vand.u32 $0xFFFF, v57;
	v57 =	vshrl.u32 v43, $0xF  }
0xd2: {  	vm0 =	vle.f32 v27, v14;
	v14 =	vmovc v28;
	v50 =	vld.idx.msk [tilespmem:v50+s20+$0x0], $0xffff;
	v56 =	vand.u32 $0xFFFF, v57;
	v57 =	vshrl.u32 v48, $0xF  }
0xd3: {  	vm1 =	vle.f32 v25, v9;
	v9 =	vmovc v44;
	vm2 =	vle.f32 v46, v13;
	v27 =	vld.idx.msk [tilespmem:v51+s20+$0x0], $0xffff;
	v28 =	vand.u32 $0xFFFF, v57  }
0xd4: {  	v13 =	vmovc v30;
	vm3 =	vle.f32 v49, v10;
	v10 =	vmovc v45;
	v36 =	vshrl.u32 v36, $0x1B;
	v23 =	vshrl.u32 v23, $0x1B;
	v42 =	vld.idx.msk [tilespmem:v42+s20+$0x0], $0xffff  }
0xd5: {  	v44 =	vshrl.u32 v26, $0x1B;
	v25 =	vshrl.u32 v35, $0x1B;
	v43 =	vshrl.u32 v43, $0x1B;
	v35 =	vld.idx.msk [tilespmem:v29+s20+$0x0], $0xffff  }
0xd6: {  	v46 =	vshrl.u32 v48, $0x1B;
	v25 =	vand.u32 $0x10, v25;
	v24 =	vshrl.u32 v24, $0x1B;
	v45 =	vld.idx.msk [tilespmem:v55+s20+$0x0], $0xffff  }
0xd7: {  	v24 =	vand.u32 $0x10, v24;
	v29 =	vshrl.u32 v47, $0x1B;
	v25 =	vshrl.u32 v53, v25;
	v47 =	vld.idx.msk [tilespmem:v56+s20+$0x0], $0xffff  }
0xd8: {  	v29 =	vand.u32 $0x10, v29;
	v26 =	vand.u32 $0xFFFF, v25;
	v24 =	vshrl.u32 v50, v24;
	v48 =	vld.idx.msk [tilespmem:v28+s20+$0x0], $0xffff  }
0xd9: {  	v25 =	vand.u32 $0xFFFF, v24;
	v24 =	vshrl.u32 v27, v29;
	v27 =	vand.u32 $0x10, v36  }
0xda: {  	v23 =	vand.u32 $0x10, v23;
	v30 =	vand.u32 $0xFFFF, v24;
	v24 =	vshrl.u32 v42, v27  }
0xdb: {  	v29 =	vand.u32 $0xFFFF, v24;
	v23 =	vshrl.u32 v35, v23;
	v24 =	vand.u32 $0x10, v44  }
0xdc: {  	v28 =	vand.u32 $0xFFFF, v23;
	v23 =	vshrl.u32 v45, v24;
	v24 =	vand.u32 $0x10, v43  }
0xdd: {  	v27 =	vand.u32 $0xFFFF, v23;
	v23 =	vshrl.u32 v47, v24;
	v24 =	vand.u32 $0x10, v46;
	v35 =	vld.idx.msk [tilespmem:v26+s19+$0x0], $0xffff  }
0xde: {  	vm4 =	vle.f32 v52, v11;
	v11 =	vmovc v40;
	v23 =	vand.u32 $0xFFFF, v23;
	v24 =	vshrl.u32 v48, v24;
	v36 =	vld.idx.msk [tilespmem:v25+s19+$0x0], $0xffff  }
0xdf: {  	v42 =	vsel vm0, $0x1, v0;
	vm0 =	vle.f32 v54, v12;
	v12 =	vmovc v41;
	v24 =	vand.u32 $0xFFFF, v24;
	v40 =	vld.idx.msk [tilespmem:v30+s19+$0x0], $0xffff  }
0xe0: {  	v41 =	vsel vm1, $0x1, v0;
	v44 =	vsel vm2, $0x1, v0;
	v45 =	vsel vm3, $0x1, v0;
	v43 =	vld.idx.msk [tilespmem:v29+s19+$0x0], $0xffff  }
0xe1: {  	v32 =	vadd.s32 v42, v32;
	v42 =	vsel vm4, $0x1, v0;
	v47 =	vsel vm0, $0x1, v0;
	v46 =	vld.idx.msk [tilespmem:v28+s19+$0x0], $0xffff  }
0xe2: {  	v33 =	vadd.s32 v41, v33;
	v34 =	vadd.s32 v44, v34;
	v44 =	vadd.s32 v45, v37;
	v48 =	vld.idx.msk [tilespmem:v27+s19+$0x0], $0xffff  }
0xe3: {  	v49 =	vadd.s32 v42, v38;
	v52 =	vadd.s32 v47, v39;
	vm0 =	vle.f32 v35, v16;
	v37 =	vld.idx.msk [tilespmem:v23+s19+$0x0], $0xffff  }
0xe4: {  	v41 =	vadd.s32 v22, v32;
	v35 =	vsel vm0, $0x1, v0;
	vm0 =	vle.f32 v36, v15;
	v38 =	vld.idx.msk [tilespmem:v24+s19+$0x0], $0xffff  }
0xe5: {  	v22 =	vor.u32 v35, v31;
	v36 =	vsel vm0, $0x1, v0;
	vm0 =	vle.f32 v40, v14;
	v32 =	vld.idx.msk [tilespmem:v26+s3+$0x0], $0xffff  }
0xe6: {  	v39 =	vor.u32 v36, v22;
	v22 =	vsel vm0, $0x1, v0;
	vm0 =	vle.f32 v43, v9;
	v31 =	vld.idx.msk [tilespmem:v26+s17+$0x0], $0xffff  }
0xe7: {  	v39 =	vor.u32 v22, v39;
	v42 =	vsel vm0, $0x1, v0;
	vm0 =	vle.f32 v46, v13;
	v40 =	vld.idx.msk [tilespmem:v25+s3+$0x0], $0xffff  }
0xe8: {  	v39 =	vor.u32 v42, v39;
	v45 =	vsel vm0, $0x1, v0;
	vm0 =	vle.f32 v48, v10;
	v43 =	vld.idx.msk [tilespmem:v25+s17+$0x0], $0xffff  }
0xe9: {  	v39 =	vor.u32 v45, v39;
	v48 =	vsel vm0, $0x1, v0;
	vm0 =	vle.f32 v37, v11;
	v46 =	vld.idx.msk [tilespmem:v30+s3+$0x0], $0xffff  }
0xea: {  	v39 =	vor.u32 v48, v39;
	v50 =	vsel vm0, $0x1, v0;
	vm0 =	vle.f32 v38, v12;
	v37 =	vld.idx.msk [tilespmem:v30+s17+$0x0], $0xffff  }
0xeb: {  	vm1 =	vle.f32 v32, v16;
	v38 =	vor.u32 v50, v39;
	v53 =	vsel vm0, $0x1, v0;
	v32 =	vld.idx.msk [tilespmem:v29+s3+$0x0], $0xffff  }
0xec: {  	v39 =	vsel vm1, $0x1, v0;
	vm0 =	vle.f32 v31, v16;
	v31 =	vor.u32 v53, v38;
	v51 =	vld.idx.msk [tilespmem:v29+s17+$0x0], $0xffff  }
0xed: {  	v38 =	vadd.s32 v17, v33;
	v17 =	vmovc v42;
	v47 =	vsel vm0, $0x1, v0;
	vm0 =	vle.f32 v40, v15;
	v40 =	vld.idx.msk [tilespmem:v28+s3+$0x0], $0xffff  }
0xee: {  	v42 =	vadd.s32 v39, v47;
	v33 =	vsel vm0, $0x1, v0;
	vm0 =	vle.f32 v43, v15;
	v39 =	vld.idx.msk [tilespmem:v28+s17+$0x0], $0xffff  }
0xef: {  	v47 =	vadd.s32 v18, v34;
	v18 =	vmovc v45;
	v43 =	vsel vm0, $0x1, v0;
	vm0 =	vle.f32 v46, v14;
	v54 =	vld.idx.msk [tilespmem:v27+s3+$0x0], $0xffff  }
0xf0: {  	v43 =	vadd.s32 v33, v43;
	v33 =	vsel vm0, $0x1, v0;
	vm0 =	vle.f32 v37, v14;
	v55 =	vld.idx.msk [tilespmem:v27+s17+$0x0], $0xffff  }
0xf1: {  	v46 =	vadd.s32 v19, v44;
	v19 =	vmovc v48;
	v34 =	vsel vm0, $0x1, v0;
	vm0 =	vle.f32 v32, v9;
	v37 =	vld.idx.msk [tilespmem:v23+s3+$0x0], $0xffff  }
.Ltmp4:
0xf2: {  	v32 =	vadd.s32 v33, v34;
	v33 =	vsel vm0, $0x1, v0;
	vm0 =	vle.f32 v51, v9;
	v45 =	vld.idx.msk [tilespmem:v23+s17+$0x0], $0xffff;
	(pc) =	sbr.rel @p1 .LBB2_3-.Ltmp4, $4  }
0xf3: {  	v48 =	vadd.s32 v20, v49;
	v20 =	vmovc v50;
	v34 =	vsel vm0, $0x1, v0;
	vm0 =	vle.f32 v40, v13;
	v51 =	vld.idx.msk [tilespmem:v24+s3+$0x0], $0xffff  }
0xf4: {  	v33 =	vadd.s32 v33, v34;
	v34 =	vsel vm0, $0x1, v0;
	vm0 =	vle.f32 v39, v13;
	v50 =	vld.idx.msk [tilespmem:v24+s17+$0x0], $0xffff  }
0xf5: {  	v49 =	vadd.s32 v21, v52;
	v21 =	vmovc v53;
	v40 =	vsel vm0, $0x1, v0;
	vm0 =	vle.f32 v54, v10;
	v39 =	vld.idx.msk [tilespmem:v26+s18+$0x0], $0xffff  }
0xf6: {  	s31 =	sadd.s32 $0x80, s31;
	v34 =	vadd.s32 v34, v40;
	v40 =	vsel vm0, $0x1, v0;
	vm0 =	vle.f32 v55, v10;
	v52 =	vld.idx.msk [tilespmem:v25+s18+$0x0], $0xffff  }
0xf7: {  	vm1 =	veq.s32 v31, $0x0  }
0xf8: {  	v31 =	vsel vm1, $0x0, v1  }
0xf9: {  	(xrf0) =	vmax.scan.msk.f32 $0xffff, v31;
	_ =	sdelay $0x5  }
0xfa: {  	v44, _, _ =	vpop (xrf0)  }
0xfb: {  	v53 =	vsel vm0, $0x1, v0;
	v55 =	vld.idx.msk [tilespmem:v30+s18+$0x0], $0xffff;
	(v2sf) =	vpush v44, $0xF  }
0xfc: {  	vm7 =	vle.f32 v37, v11;
	v8 =	vadd.s32 v8, v41;
	vm8 =	vle.f32 v45, v11;
	v56 =	vld.idx.msk [tilespmem:v29+s18+$0x0], $0xffff  }
0xfd: {  	v5 =	vadd.s32 v5, v38;
	v58 =	vld.idx.msk [tilespmem:v28+s18+$0x0], $0xffff;
	v4 =	vadd.s32 v4, v47;
	v3 =	vadd.s32 v3, v46  }
0xfe: {  	v60 =	vld.idx.msk [tilespmem:v27+s18+$0x0], $0xffff;
	v7 =	vadd.s32 v7, v48;
	v6 =	vadd.s32 v6, v49;
	v37 =	vsel vm7, $0x1, v0  }
0xff: {  	v63 =	vld.idx.msk [tilespmem:v23+s18+$0x0], $0xffff;
	v54 =	vsel vm8, $0x1, v0;
	vm9 =	vle.f32 v51, v12;
	v31 =	vadd.s32 v40, v53  }
0x100: {  	v37 =	vadd.s32 v37, v54;
	v57 =	vsel vm9, $0x1, v0;
	vm10 =	vle.f32 v50, v12  }
0x101: {  	vm11 =	vle.f32 v39, v16;
	v59 =	vsel vm10, $0x1, v0;
	vm12 =	vle.f32 v52, v15  }
0x102: {  	[tilespmem:s5+$0xFFFFFFE0] =	vst v8;
	v61 =	vsel vm11, $0x1, v0;
	v39 =	vadd.s32 v57, v59;
	v62 =	vsel vm12, $0x1, v0  }
0x103: {  	v50 =	vld.idx.msk [tilespmem:v24+s18+$0x0], $0xffff;
	v42 =	vadd.s32 v61, v42;
	vm13 =	vle.f32 v55, v14;
	vm14 =	vle.f32 v56, v9  }
0x104: {  	[tilespmem:s5+$0xFFFFFFF0] =	vst v5;
	vm2 =	vle.f32 v58, v13;
	vm3 =	vle.f32 v60, v10;
	vm4 =	vle.f32 v63, v11  }
0x105: {  	[tilespmem:s5+$0x10] =	vst v3;
	v40 =	vadd.s32 v62, v43;
	v51 =	vadd.s32 v35, v42;
	v3 =	vsel vm13, $0x1, v0  }
0x106: {  	[tilespmem:s5+$0x0] =	vst v4;
	v55 =	vsel vm14, $0x1, v0;
	v56 =	vsel vm2, $0x1, v0;
	v57 =	vsel vm3, $0x1, v0  }
0x107: {  	[tilespmem:s6+$0x20] =	vst v7;
	v58 =	vsel vm4, $0x1, v0;
	v52 =	vadd.s32 v36, v40;
	v53 =	vadd.s32 v26, v51  }
0x108: {  	s9 =	sadd.s32 $0x80, s5;
	[tilespmem:s6+$0x30] =	vst v6;
	vm15 =	vle.f32 v50, v12;
	v3 =	vadd.s32 v3, v32;
	v4 =	vadd.s32 v55, v33  }
0x109: {  	v5 =	vadd.s32 v56, v34;
	v54 =	vadd.s32 v25, v52;
	[tilespmem:s9+$0xFFFFFFC0] =	vst v53;
	v3 =	vadd.s32 v22, v3  }
0x10a: {  	v60 =	vadd.s32 v57, v31;
	v4 =	vadd.s32 v17, v4;
	[tilespmem:s9+$0xFFFFFFD0] =	vst v54;
	v3 =	vadd.s32 v30, v3;
	s31 =	spop (v2sf)  }
0x10b: {  	v59 =	vsel vm15, $0x1, v0;
	v5 =	vadd.s32 v18, v5;
	[tilespmem:s9+$0xFFFFFFE0] =	vst v3;
	v3 =	vadd.s32 v29, v4;
	p1 =	sgt.f32 s31, $0.0e+00  }
.Ltmp5:
0x10c: {  	v6 =	vadd.s32 v19, v60;
	v62 =	vadd.s32 v59, v39;
	[tilespmem:s9+$0xFFFFFFF0] =	vst v3;
	v3 =	vadd.s32 v28, v5;
	(pc) =	sbr.rel @!p1 .LBB2_8-.Ltmp5, $4  }
0x10d: {  	v61 =	vadd.s32 v58, v37;
	v5 =	vadd.s32 v21, v62;
	[tilespmem:s9+$0x0] =	vst v3;
	v3 =	vadd.s32 v27, v6  }
0x10e: {  	v4 =	vadd.s32 v20, v61;
	v63 =	vadd.s32 v24, v5;
	[tilespmem:s9+$0x10] =	vst v3  }
0x10f: {  	v3 =	vadd.s32 v23, v4;
	[tilespmem:s9+$0x30] =	vst v63  }
0x110: {  	[tilespmem:s9+$0x20] =	vst v3  }
0x111: {  	_ =	sdelay $0x3  }
0x112: {  	s5 =	simm.s32 $0x10620;
	v5 =	vld.idx.msk [tilespmem:v2+s3+$0x0], $0xffff  }
0x113: {  	v13 =	vld [tilespmem:s5+$0x10];
	_ =	sdelay $0x4  }
0x114: {  	v4 =	vld [tilespmem:s5+$0xFFFFFFF0];
	vm0 =	vle.f32 v5, v13  }
0x115: {  	v3 =	vld [tilespmem:s5+$0x0];
	v7 =	vsel vm0, $0x80, v0  }
0x116: {  	v6 =	vor.u32 $0x3F, v7;
	_ =	sdelay $0x2  }
0x117: {  	v19 =	vld [tilespmem:s5+$0xFFFFFFE0];
	vm0 =	vle.f32 v5, v4  }
0x118: {  	v16 =	vsel vm0, $0x80, v0;
	vm0 =	vle.f32 v5, v3  }
0x119: {  	v8 =	vor.u32 $0x3F, v16;
	v20 =	vsel vm0, $0x80, v0;
	v6 =	vld.idx.msk [tilespmem:v6+s3+$0x0], $0xffff  }
0x11a: {  	v9 =	vor.u32 $0x3F, v20;
	_ =	sdelay $0x1  }
0x11b: {  	vm0 =	vle.f32 v5, v19  }
0x11c: {  	v17 =	vsel vm0, $0x80, v0  }
0x11d: {  	v5 =	vor.u32 $0x3F, v17;
	v8 =	vld.idx.msk [tilespmem:v8+s3+$0x0], $0xffff;
	vm0 =	vle.f32 v6, v13  }
0x11e: {  	v6 =	vld.idx.msk [tilespmem:v9+s3+$0x0], $0xffff;
	v9 =	vsel vm0, $0x40, v0  }
0x11f: {  	v10 =	vor.u32 v9, v7  }
0x120: {  	v10 =	vor.u32 $0x1F, v10;
	_ =	sdelay $0x1  }
0x121: {  	v5 =	vld.idx.msk [tilespmem:v5+s3+$0x0], $0xffff;
	vm0 =	vle.f32 v8, v4  }
0x122: {  	v8 =	vsel vm0, $0x40, v0;
	vm0 =	vle.f32 v6, v3  }
0x123: {  	v6 =	vor.u32 v8, v16;
	v11 =	vsel vm0, $0x40, v0  }
0x124: {  	v6 =	vor.u32 $0x1F, v6;
	v12 =	vor.u32 v11, v20;
	v10 =	vld.idx.msk [tilespmem:v10+s3+$0x0], $0xffff  }
0x125: {  	v12 =	vor.u32 $0x1F, v12  }
0x126: {  	vm0 =	vle.f32 v5, v19  }
0x127: {  	v5 =	vsel vm0, $0x40, v0  }
0x128: {  	v14 =	vor.u32 v5, v17  }
0x129: {  	v14 =	vor.u32 $0x1F, v14;
	v6 =	vld.idx.msk [tilespmem:v6+s3+$0x0], $0xffff;
	vm0 =	vle.f32 v10, v13  }
0x12a: {  	v10 =	vld.idx.msk [tilespmem:v12+s3+$0x0], $0xffff;
	v12 =	vsel vm0, $0x20, v0  }
0x12b: {  	v9 =	vor.u32 v9, v12  }
0x12c: {  	v12 =	vor.u32 v7, v9  }
0x12d: {  	v15 =	vor.u32 $0xF, v12  }
0x12e: {  	v14 =	vld.idx.msk [tilespmem:v14+s3+$0x0], $0xffff  }
0x12f: {  	vm0 =	vle.f32 v6, v4  }
0x130: {  	v6 =	vsel vm0, $0x20, v0;
	vm0 =	vle.f32 v10, v3  }
0x131: {  	v8 =	vor.u32 v8, v6;
	v6 =	vsel vm0, $0x20, v0  }
0x132: {  	v10 =	vor.u32 v11, v6;
	v11 =	vor.u32 v16, v8;
	v15 =	vld.idx.msk [tilespmem:v15+s3+$0x0], $0xffff  }
0x133: {  	vm0 =	vle.f32 v14, v19;
	v6 =	vor.u32 $0xF, v11  }
0x134: {  	v18 =	vsel vm0, $0x20, v0;
	v22 =	vor.u32 v20, v10  }
0x135: {  	v28 =	vor.u32 v5, v18;
	v14 =	vor.u32 $0xF, v22  }
0x136: {  	v27 =	vld.idx.msk [tilespmem:v2+s3+$0x0], $0xffff;
	s7 =	simm.s32 $0x10660;
	v23 =	vor.u32 v17, v28  }
0x137: {  	v21 =	vld [tilespmem:s7+$0x10];
	v18 =	vor.u32 $0xF, v23;
	vm0 =	vle.f32 v15, v13  }
0x138: {  	v6 =	vld.idx.msk [tilespmem:v6+s3+$0x0], $0xffff;
	v15 =	vsel vm0, $0x10, v0  }
0x139: {  	v5 =	vor.u32 v15, v12  }
0x13a: {  	v14 =	vld.idx.msk [tilespmem:v14+s3+$0x0], $0xffff;
	v25 =	vor.u32 $0x7, v5  }
0x13b: {  	v5 =	vld [tilespmem:s7+$0xFFFFFFF0]  }
0x13c: {  	v26 =	vld.idx.msk [tilespmem:v18+s3+$0x0], $0xffff  }
0x13d: {  	vm1 =	vle.f32 v27, v21;
	vm0 =	vle.f32 v6, v4;
	v6 =	vld [tilespmem:s7+$0x0]  }
0x13e: {  	v24 =	vld [tilespmem:s7+$0xFFFFFFE0];
	v18 =	vsel vm1, $0x80, v0;
	v30 =	vsel vm0, $0x10, v0  }
0x13f: {  	v32 =	vor.u32 $0x3F, v18;
	vm0 =	vle.f32 v14, v3;
	v14 =	vor.u32 v30, v11;
	v31 =	vld.idx.msk [tilespmem:v25+s3+$0x0], $0xffff  }
0x140: {  	v14 =	vor.u32 $0x7, v14;
	vm2 =	vle.f32 v27, v5  }
0x141: {  	vm1 =	vle.f32 v26, v19;
	v25 =	vsel vm2, $0x80, v0  }
0x142: {  	v33 =	vsel vm0, $0x10, v0;
	vm0 =	vle.f32 v27, v6;
	v34 =	vor.u32 $0x3F, v25  }
0x143: {  	v35 =	vsel vm1, $0x10, v0;
	v26 =	vsel vm0, $0x80, v0;
	vm0 =	vle.f32 v27, v24  }
0x144: {  	v32 =	vld.idx.msk [tilespmem:v32+s3+$0x0], $0xffff;
	v27 =	vor.u32 $0x3F, v26;
	v29 =	vsel vm0, $0x80, v0;
	vm0 =	vle.f32 v31, v13  }
0x145: {  	v14 =	vld.idx.msk [tilespmem:v14+s3+$0x0], $0xffff;
	v36 =	vor.u32 $0x3F, v29;
	v31 =	vor.u32 v33, v22;
	v37 =	vsel vm0, $0x8, v0  }
0x146: {  	v38 =	vor.u32 v35, v23;
	v31 =	vor.u32 $0x7, v31;
	v15 =	vor.u32 v15, v37  }
0x147: {  	v60 =	vor.u32 $0x7, v38;
	v34 =	vld.idx.msk [tilespmem:v34+s3+$0x0], $0xffff;
	v12 =	vor.u32 v15, v12  }
0x148: {  	v12 =	vor.u32 $0x3, v12  }
0x149: {  	v27 =	vld.idx.msk [tilespmem:v27+s3+$0x0], $0xffff  }
0x14a: {  	vm0 =	vle.f32 v32, v21;
	v36 =	vld.idx.msk [tilespmem:v36+s3+$0x0], $0xffff;
	vm1 =	vle.f32 v14, v4  }
0x14b: {  	v14 =	vsel vm0, $0x40, v0;
	v62 =	vsel vm1, $0x8, v0;
	v31 =	vld.idx.msk [tilespmem:v31+s3+$0x0], $0xffff  }
0x14c: {  	v61 =	vld.idx.msk [tilespmem:v60+s3+$0x0], $0xffff;
	v44 =	vor.u32 v14, v18;
	v30 =	vor.u32 v30, v62;
	vm2 =	vle.f32 v34, v5  }
0x14d: {  	v38 =	vor.u32 $0x1F, v44;
	v11 =	vor.u32 v30, v11;
	v63 =	vsel vm2, $0x40, v0;
	v12 =	vld.idx.msk [tilespmem:v12+s3+$0x0], $0xffff  }
0x14e: {  	vm0 =	vle.f32 v27, v6;
	v11 =	vor.u32 $0x3, v11;
	v27 =	vor.u32 v63, v25  }
0x14f: {  	v39 =	vsel vm0, $0x40, v0;
	vm0 =	vle.f32 v36, v24;
	v27 =	vor.u32 $0x1F, v27  }
0x150: {  	v36 =	vsel vm0, $0x40, v0;
	vm1 =	vle.f32 v31, v3;
	v31 =	vor.u32 v39, v26  }
0x151: {  	vm0 =	vle.f32 v61, v19;
	v45 =	vor.u32 v36, v29;
	v31 =	vor.u32 $0x1F, v31  }
0x152: {  	v40 =	vsel vm0, $0x8, v0;
	v32 =	vor.u32 $0x1F, v45;
	vm0 =	vle.f32 v12, v13  }
0x153: {  	v38 =	vld.idx.msk [tilespmem:v38+s3+$0x0], $0xffff;
	v35 =	vor.u32 v35, v40;
	v46 =	vsel vm0, $0x4, v0  }
0x154: {  	v23 =	vor.u32 v35, v23;
	v27 =	vld.idx.msk [tilespmem:v27+s3+$0x0], $0xffff;
	v47 =	vor.u32 v46, v7  }
0x155: {  	v11 =	vld.idx.msk [tilespmem:v11+s3+$0x0], $0xffff;
	v12 =	vsel vm1, $0x8, v0;
	v23 =	vor.u32 $0x3, v23;
	v9 =	vor.u32 v9, v47  }
0x156: {  	v12 =	vor.u32 v33, v12;
	v31 =	vld.idx.msk [tilespmem:v31+s3+$0x0], $0xffff;
	v9 =	vor.u32 v15, v9  }
0x157: {  	v15 =	vor.u32 v12, v22;
	v22 =	vld.idx.msk [tilespmem:v32+s3+$0x0], $0xffff;
	v48 =	vand.u32 $0x7C, v9  }
0x158: {  	vm0 =	vle.f32 v38, v21;
	v15 =	vor.u32 $0x3, v15;
	v32 =	vor.u32 v48, v7  }
0x159: {  	vm1 =	vle.f32 v27, v5;
	v27 =	vsel vm0, $0x20, v0;
	v32 =	vor.u32 $0x1, v32  }
0x15a: {  	v49 =	vld.idx.msk [tilespmem:v23+s3+$0x0], $0xffff;
	v23 =	vsel vm1, $0x20, v0;
	v14 =	vor.u32 v14, v27;
	vm1 =	vle.f32 v11, v4  }
0x15b: {  	vm0 =	vle.f32 v31, v6;
	v23 =	vor.u32 v63, v23;
	v31 =	vor.u32 v18, v14  }
0x15c: {  	v27 =	vsel vm0, $0x20, v0;
	vm0 =	vle.f32 v22, v24;
	v50 =	vor.u32 $0xF, v31  }
0x15d: {  	v37 =	vor.u32 v25, v23;
	v15 =	vld.idx.msk [tilespmem:v15+s3+$0x0], $0xffff;
	v22 =	vor.u32 v39, v27;
	v27 =	vsel vm0, $0x20, v0  }
0x15e: {  	v51 =	vor.u32 $0xF, v37;
	v39 =	vor.u32 v26, v22;
	v27 =	vor.u32 v36, v27  }
0x15f: {  	v41 =	vsel vm1, $0x4, v0;
	v32 =	vld.idx.msk [tilespmem:v32+s3+$0x0], $0xffff;
	v52 =	vor.u32 $0xF, v39;
	v40 =	vor.u32 v29, v27  }
0x160: {  	v41 =	vor.u32 v41, v16;
	vm0 =	vle.f32 v49, v19;
	v53 =	vor.u32 $0xF, v40  }
0x161: {  	v8 =	vor.u32 v8, v41;
	v11 =	vsel vm0, $0x4, v0;
	v34 =	vld.idx.msk [tilespmem:v50+s3+$0x0], $0xffff  }
0x162: {  	v30 =	vor.u32 v30, v8;
	v11 =	vor.u32 v11, v17;
	vm0 =	vle.f32 v15, v3  }
0x163: {  	v60 =	vand.u32 $0x7C, v30;
	v11 =	vor.u32 v28, v11;
	v15 =	vld.idx.msk [tilespmem:v51+s3+$0x0], $0xffff;
	v28 =	vsel vm0, $0x4, v0  }
0x164: {  	vm1 =	vle.f32 v32, v13;
	v32 =	vor.u32 v35, v11;
	v11 =	vld.idx.msk [tilespmem:v52+s3+$0x0], $0xffff;
	v28 =	vor.u32 v28, v20  }
0x165: {  	v54 =	vsel vm1, $0x2, v0;
	v55 =	vld.idx.msk [tilespmem:v53+s3+$0x0], $0xffff;
	v8 =	vand.u32 $0x7C, v32;
	v10 =	vor.u32 v10, v28  }
0x166: {  	v33 =	vor.u32 v54, v9;
	vm0 =	vle.f32 v34, v21;
	v8 =	vor.u32 v8, v17  }
0x167: {  	v58 =	vld.idx.msk [tilespmem:v2+s3+$0x0], $0xffff;
	s9 =	simm.s32 $0x106A0;
	v9 =	vand.u32 $0x7E, v33;
	v36 =	vsel vm0, $0x10, v0;
	v57 =	vor.u32 $0x1, v8  }
0x168: {  	vm0 =	vle.f32 v15, v5;
	v8 =	vld [tilespmem:s9+$0xFFFFFFF0];
	v56 =	vor.u32 v7, v9;
	v7 =	vor.u32 v36, v31  }
0x169: {  	v9 =	vld [tilespmem:s9+$0x10];
	v15 =	vsel vm0, $0x10, v0;
	vm0 =	vle.f32 v11, v6;
	v11 =	vor.u32 $0x7, v7  }
0x16a: {  	v59 =	vor.u32 v15, v37;
	v7 =	vld [tilespmem:s9+$0x0];
	vm1 =	vle.f32 v55, v24;
	v42 =	vsel vm0, $0x10, v0  }
0x16b: {  	v35 =	vor.u32 $0x7, v59;
	v43 =	vsel vm1, $0x10, v0;
	v44 =	vor.u32 v42, v39  }
0x16c: {  	v46 =	vor.u32 v12, v10;
	v10 =	vld [tilespmem:s9+$0xFFFFFFE0];
	v28 =	vor.u32 v43, v40;
	v44 =	vor.u32 $0x7, v44  }
0x16d: {  	v12 =	vor.u32 v60, v16;
	v61 =	vand.u32 $0x7C, v46;
	v45 =	vld.idx.msk [tilespmem:v56+s3+$0x0], $0xffff;
	v28 =	vor.u32 $0x7, v28  }
0x16e: {  	v48 =	vor.u32 $0x1, v12;
	vm0 =	vle.f32 v58, v9;
	v47 =	vld.idx.msk [tilespmem:v11+s3+$0x0], $0xffff;
	v11 =	vor.u32 v61, v20  }
0x16f: {  	v49 =	vld.idx.msk [tilespmem:v57+s3+$0x0], $0xffff;
	v34 =	vsel vm0, $0x80, v0;
	vm0 =	vle.f32 v58, v8;
	vm1 =	vle.f32 v58, v7  }
0x170: {  	v50 =	vor.u32 $0x3F, v34;
	v35 =	vld.idx.msk [tilespmem:v35+s3+$0x0], $0xffff;
	v51 =	vor.u32 $0x1, v11;
	v12 =	vsel vm0, $0x80, v0  }
0x171: {  	v11 =	vsel vm1, $0x80, v0;
	vm0 =	vle.f32 v58, v10;
	v52 =	vor.u32 $0x3F, v12;
	v44 =	vld.idx.msk [tilespmem:v44+s3+$0x0], $0xffff  }
0x172: {  	v62 =	vor.u32 $0x3F, v11;
	v28 =	vld.idx.msk [tilespmem:v28+s3+$0x0], $0xffff;
	vm1 =	vle.f32 v45, v13;
	v13 =	vsel vm0, $0x80, v0  }
0x173: {  	vm0 =	vle.f32 v47, v21;
	v63 =	vsel vm1, $0x1, v0;
	v53 =	vor.u32 $0x3F, v13  }
0x174: {  	v47 =	vsel vm0, $0x8, v0;
	v38 =	vor.u32 v63, v33;
	vm0 =	vle.f32 v49, v19  }
0x175: {  	v54 =	vld.idx.msk [tilespmem:v50+s3+$0x0], $0xffff;
	vm1 =	vle.f32 v35, v5;
	v36 =	vor.u32 v36, v47;
	v35 =	vsel vm0, $0x2, v0  }
0x176: {  	v55 =	vld.idx.msk [tilespmem:v52+s3+$0x0], $0xffff;
	v56 =	vsel vm1, $0x8, v0;
	v31 =	vor.u32 v36, v31;
	vm0 =	vle.f32 v44, v6  }
0x177: {  	v41 =	vor.u32 v15, v56;
	vm2 =	vle.f32 v28, v24;
	v28 =	vor.u32 $0x3, v31  }
0x178: {  	v32 =	vor.u32 v35, v32;
	v31 =	vld.idx.msk [tilespmem:v62+s3+$0x0], $0xffff;
	v44 =	vsel vm0, $0x8, v0;
	v37 =	vor.u32 v41, v37  }
0x179: {  	v57 =	vsel vm2, $0x8, v0;
	v45 =	vld.idx.msk [tilespmem:v53+s3+$0x0], $0xffff;
	v42 =	vor.u32 v42, v44;
	v37 =	vor.u32 $0x3, v37  }
0x17a: {  	v58 =	vld.idx.msk [tilespmem:v51+s3+$0x0], $0xffff;
	v43 =	vor.u32 v43, v57;
	v39 =	vor.u32 v42, v39;
	vm0 =	vle.f32 v54, v9  }
0x17b: {  	v15 =	vld.idx.msk [tilespmem:v48+s3+$0x0], $0xffff;
	v40 =	vor.u32 v43, v40;
	v44 =	vsel vm0, $0x40, v0;
	vm0 =	vle.f32 v55, v8  }
0x17c: {  	v40 =	vor.u32 $0x3, v40;
	v59 =	vor.u32 v44, v34;
	v48 =	vsel vm0, $0x40, v0;
	v28 =	vld.idx.msk [tilespmem:v28+s3+$0x0], $0xffff  }
0x17d: {  	vm0 =	vle.f32 v31, v7;
	v31 =	vor.u32 $0x1F, v59;
	v60 =	vor.u32 v48, v12  }
0x17e: {  	v49 =	vsel vm0, $0x40, v0;
	vm0 =	vle.f32 v45, v10;
	v61 =	vor.u32 $0x1F, v60  }
0x17f: {  	vm1 =	vle.f32 v58, v3;
	v37 =	vld.idx.msk [tilespmem:v37+s3+$0x0], $0xffff;
	v62 =	vor.u32 v49, v11;
	v50 =	vsel vm0, $0x40, v0  }
0x180: {  	vm0 =	vle.f32 v15, v4;
	v47 =	vor.u32 $0x1F, v62;
	v63 =	vor.u32 v50, v13  }
0x181: {  	v15 =	vsel vm0, $0x2, v0;
	v40 =	vld.idx.msk [tilespmem:v40+s3+$0x0], $0xffff;
	vm2 =	vle.f32 v28, v21;
	v28 =	vor.u32 $0x1F, v63  }
0x182: {  	v39 =	vor.u32 $0x3, v39;
	v55 =	vsel vm1, $0x2, v0;
	v15 =	vor.u32 v15, v30;
	v31 =	vld.idx.msk [tilespmem:v31+s3+$0x0], $0xffff  }
0x183: {  	v30 =	vand.u32 $0x7E, v32;
	v45 =	vand.u32 $0x7E, v15;
	v54 =	vsel vm2, $0x4, v0;
	v56 =	vld.idx.msk [tilespmem:v61+s3+$0x0], $0xffff  }
0x184: {  	v17 =	vor.u32 v17, v30;
	vm0 =	vle.f32 v37, v5;
	v33 =	vor.u32 v54, v18  }
0x185: {  	v60 =	vsel vm0, $0x4, v0;
	v33 =	vor.u32 v14, v33;
	v14 =	vor.u32 v55, v46;
	v57 =	vld.idx.msk [tilespmem:v47+s3+$0x0], $0xffff  }
0x186: {  	v33 =	vor.u32 v36, v33;
	v46 =	vand.u32 $0x7E, v14;
	vm2 =	vle.f32 v40, v24;
	v28 =	vld.idx.msk [tilespmem:v28+s3+$0x0], $0xffff  }
0x187: {  	v58 =	vand.u32 $0x7C, v33;
	vm1 =	vle.f32 v31, v9;
	v61 =	vsel vm2, $0x4, v0  }
0x188: {  	v30 =	vor.u32 v58, v18;
	v31 =	vsel vm1, $0x20, v0;
	vm0 =	vle.f32 v56, v8  }
0x189: {  	v59 =	vor.u32 $0x1, v30;
	v30 =	vor.u32 v44, v31;
	v35 =	vsel vm0, $0x20, v0  }
0x18a: {  	v44 =	vor.u32 v34, v30;
	vm0 =	vle.f32 v57, v7;
	v35 =	vor.u32 v48, v35  }
0x18b: {  	v39 =	vld.idx.msk [tilespmem:v39+s3+$0x0], $0xffff;
	v62 =	vor.u32 $0xF, v44;
	v36 =	vsel vm0, $0x20, v0;
	vm0 =	vle.f32 v28, v10  }
0x18c: {  	v48 =	vor.u32 v12, v35;
	v37 =	vor.u32 v49, v36;
	v28 =	vsel vm0, $0x20, v0  }
0x18d: {  	v49 =	vor.u32 v11, v37;
	v36 =	vor.u32 v50, v28;
	v28 =	vor.u32 $0xF, v48  }
0x18e: {  	v47 =	vor.u32 v61, v29;
	v40 =	vld.idx.msk [tilespmem:v59+s3+$0x0], $0xffff;
	v63 =	vor.u32 $0xF, v49;
	v52 =	vor.u32 v13, v36  }
0x18f: {  	v31 =	vor.u32 v60, v25;
	v27 =	vor.u32 v27, v47;
	v53 =	vor.u32 $0xF, v52  }
0x190: {  	v23 =	vor.u32 v23, v31;
	v27 =	vor.u32 v43, v27;
	vm0 =	vle.f32 v39, v6;
	v54 =	vld.idx.msk [tilespmem:v62+s3+$0x0], $0xffff  }
0x191: {  	v43 =	vor.u32 v20, v46;
	v41 =	vor.u32 v41, v23;
	v31 =	vsel vm0, $0x4, v0;
	v59 =	vld.idx.msk [tilespmem:v17+s3+$0x0], $0xffff  }
0x192: {  	v55 =	vand.u32 $0x7C, v41;
	v23 =	vor.u32 v31, v26;
	v31 =	vand.u32 $0x7C, v27;
	v28 =	vld.idx.msk [tilespmem:v28+s3+$0x0], $0xffff  }
0x193: {  	v22 =	vor.u32 v22, v23;
	v23 =	vor.u32 v31, v29;
	vm0 =	vle.f32 v40, v21;
	v31 =	vld.idx.msk [tilespmem:v63+s3+$0x0], $0xffff  }
0x194: {  	s31 =	simm.s32 $0x106E0;
	v39 =	vor.u32 v16, v45;
	v42 =	vor.u32 v42, v22;
	v56 =	vsel vm0, $0x2, v0;
	v57 =	vld.idx.msk [tilespmem:v53+s3+$0x0], $0xffff  }
0x195: {  	v17 =	vld [tilespmem:s31+$0x10];
	v60 =	vor.u32 $0x1, v23;
	v33 =	vor.u32 v56, v33;
	vm0 =	vle.f32 v54, v9  }
0x196: {  	v40 =	vor.u32 v55, v25;
	v54 =	vld.idx.msk [tilespmem:v2+s3+$0x0], $0xffff;
	v58 =	vand.u32 $0x7E, v33;
	v51 =	vsel vm0, $0x10, v0  }
0x197: {  	v16 =	vld [tilespmem:s31+$0xFFFFFFF0];
	v22 =	vor.u32 v18, v58;
	v18 =	vor.u32 v51, v44;
	vm0 =	vle.f32 v28, v8  }
0x198: {  	v23 =	vor.u32 $0x7, v18;
	v28 =	vsel vm0, $0x10, v0;
	vm0 =	vle.f32 v31, v7  }
0x199: {  	vm1 =	vle.f32 v57, v10;
	v31 =	vor.u32 v28, v48;
	v45 =	vsel vm0, $0x10, v0  }
0x19a: {  	v18 =	vld [tilespmem:s31+$0x0];
	vm0 =	vle.f32 v59, v19;
	v55 =	vsel vm1, $0x10, v0;
	v31 =	vor.u32 $0x7, v31  }
0x19b: {  	v19 =	vld [tilespmem:s31+$0xFFFFFFE0];
	v61 =	vor.u32 v45, v49;
	v20 =	vsel vm0, $0x1, v0;
	vm0 =	vle.f32 v54, v17  }
0x19c: {  	vm1 =	vle.f32 v54, v16;
	v22 =	vld.idx.msk [tilespmem:v22+s3+$0x0], $0xffff;
	v62 =	vor.u32 v55, v52;
	v56 =	vor.u32 $0x7, v61  }
0x19d: {  	v46 =	vor.u32 v20, v32;
	v20 =	vsel vm1, $0x80, v0;
	v47 =	vor.u32 $0x7, v62;
	v57 =	vld.idx.msk [tilespmem:v23+s3+$0x0], $0xffff  }
0x19e: {  	v23 =	vsel vm0, $0x80, v0;
	v59 =	vor.u32 $0x3F, v20  }
0x19f: {  	v53 =	vand.u32 $0x7C, v42;
	v63 =	vld.idx.msk [tilespmem:v60+s3+$0x0], $0xffff;
	v58 =	vor.u32 $0x3F, v23  }
0x1a0: {  	v40 =	vor.u32 $0x1, v40;
	v53 =	vor.u32 v53, v26;
	vm0 =	vle.f32 v54, v18;
	v31 =	vld.idx.msk [tilespmem:v31+s3+$0x0], $0xffff  }
0x1a1: {  	v32 =	vor.u32 $0x1, v53;
	vm1 =	vle.f32 v22, v21;
	v21 =	vsel vm0, $0x80, v0;
	v56 =	vld.idx.msk [tilespmem:v56+s3+$0x0], $0xffff  }
0x1a2: {  	vm0 =	vle.f32 v54, v19;
	v22 =	vsel vm1, $0x1, v0;
	v47 =	vld.idx.msk [tilespmem:v47+s3+$0x0], $0xffff;
	vm1 =	vle.f32 v57, v9  }
0x1a3: {  	v60 =	vor.u32 $0x3F, v21;
	v57 =	vld.idx.msk [tilespmem:v59+s3+$0x0], $0xffff;
	v50 =	vor.u32 v22, v33;
	v61 =	vsel vm1, $0x8, v0  }
0x1a4: {  	v22 =	vsel vm0, $0x80, v0;
	vm0 =	vle.f32 v63, v24;
	v53 =	vld.idx.msk [tilespmem:v58+s3+$0x0], $0xffff;
	v51 =	vor.u32 v51, v61  }
0x1a5: {  	v62 =	vor.u32 $0x3F, v22;
	vm1 =	vle.f32 v31, v8;
	v31 =	vsel vm0, $0x2, v0  }
0x1a6: {  	v44 =	vor.u32 v51, v44;
	v63 =	vsel vm1, $0x8, v0;
	vm0 =	vle.f32 v56, v7  }
0x1a7: {  	v32 =	vld.idx.msk [tilespmem:v32+s3+$0x0], $0xffff;
	v44 =	vor.u32 $0x3, v44;
	v31 =	vor.u32 v31, v27;
	vm1 =	vle.f32 v47, v10  }
0x1a8: {  	v33 =	vld.idx.msk [tilespmem:v60+s3+$0x0], $0xffff;
	v60 =	vsel vm0, $0x8, v0;
	v58 =	vor.u32 v28, v63;
	v61 =	vsel vm1, $0x8, v0  }
0x1a9: {  	v47 =	vor.u32 v45, v60;
	vm0 =	vle.f32 v53, v17;
	vm1 =	vle.f32 v57, v16  }
0x1aa: {  	v28 =	vld.idx.msk [tilespmem:v62+s3+$0x0], $0xffff;
	v54 =	vor.u32 v55, v61;
	v62 =	vor.u32 v58, v48;
	v63 =	vor.u32 v47, v49  }
0x1ab: {  	v40 =	vld.idx.msk [tilespmem:v40+s3+$0x0], $0xffff;
	v53 =	vsel vm1, $0x40, v0;
	v59 =	vor.u32 v54, v52;
	v45 =	vor.u32 $0x3, v62  }
0x1ac: {  	vm1 =	vle.f32 v32, v6;
	v52 =	vsel vm0, $0x40, v0;
	v49 =	vor.u32 $0x3, v59;
	v44 =	vld.idx.msk [tilespmem:v44+s3+$0x0], $0xffff  }
0x1ad: {  	v61 =	vor.u32 v53, v20;
	v60 =	vor.u32 v52, v23;
	vm0 =	vle.f32 v33, v18  }
0x1ae: {  	v48 =	vor.u32 $0x3, v63;
	v33 =	vor.u32 $0x1F, v60;
	v56 =	vsel vm0, $0x40, v0  }
0x1af: {  	vm0 =	vle.f32 v28, v19;
	v28 =	vor.u32 $0x1F, v61;
	v62 =	vor.u32 v56, v21  }
0x1b0: {  	v63 =	vsel vm1, $0x2, v0;
	v57 =	vsel vm0, $0x40, v0;
	v55 =	vor.u32 $0x1F, v62;
	v45 =	vld.idx.msk [tilespmem:v45+s3+$0x0], $0xffff  }
0x1b1: {  	vm0 =	vle.f32 v40, v5;
	v27 =	vor.u32 v57, v22;
	v40 =	vld.idx.msk [tilespmem:v49+s3+$0x0], $0xffff;
	vm2 =	vle.f32 v44, v9  }
0x1b2: {  	v32 =	vor.u32 $0x1F, v27;
	v27 =	vsel vm0, $0x2, v0;
	v60 =	vsel vm2, $0x4, v0  }
0x1b3: {  	v33 =	vld.idx.msk [tilespmem:v33+s3+$0x0], $0xffff;
	v27 =	vor.u32 v27, v41;
	v41 =	vand.u32 $0x7E, v31;
	v49 =	vor.u32 v60, v34  }
0x1b4: {  	v59 =	vld.idx.msk [tilespmem:v28+s3+$0x0], $0xffff;
	v28 =	vor.u32 v63, v42;
	v60 =	vand.u32 $0x7E, v27;
	v30 =	vor.u32 v30, v49  }
0x1b5: {  	v49 =	vor.u32 v29, v41;
	v61 =	vld.idx.msk [tilespmem:v55+s3+$0x0], $0xffff;
	v55 =	vand.u32 $0x7E, v28;
	vm0 =	vle.f32 v45, v8  }
0x1b6: {  	v51 =	vor.u32 v51, v30;
	vm1 =	vle.f32 v40, v10;
	v29 =	vsel vm0, $0x4, v0  }
0x1b7: {  	v32 =	vld.idx.msk [tilespmem:v32+s3+$0x0], $0xffff;
	v30 =	vsel vm1, $0x4, v0;
	v40 =	vor.u32 v29, v12;
	v29 =	vand.u32 $0x7C, v51  }
0x1b8: {  	vm0 =	vle.f32 v33, v17;
	v62 =	vor.u32 v30, v13;
	v29 =	vor.u32 v29, v34  }
0x1b9: {  	v30 =	vsel vm0, $0x20, v0;
	v40 =	vor.u32 v35, v40;
	v63 =	vor.u32 $0x1, v29  }
0x1ba: {  	vm1 =	vle.f32 v59, v16;
	v33 =	vor.u32 v52, v30;
	v36 =	vor.u32 v36, v62  }
0x1bb: {  	v48 =	vld.idx.msk [tilespmem:v48+s3+$0x0], $0xffff;
	v29 =	vsel vm1, $0x20, v0;
	vm0 =	vle.f32 v61, v18;
	v44 =	vor.u32 v23, v33  }
0x1bc: {  	v30 =	vor.u32 v53, v29;
	v29 =	vsel vm0, $0x20, v0;
	vm0 =	vle.f32 v32, v19  }
0x1bd: {  	v35 =	vor.u32 v54, v36;
	v61 =	vor.u32 $0xF, v44;
	v32 =	vsel vm0, $0x20, v0  }
0x1be: {  	v29 =	vor.u32 v56, v29;
	v42 =	vor.u32 v20, v30;
	v32 =	vor.u32 v57, v32;
	v57 =	vld.idx.msk [tilespmem:v63+s3+$0x0], $0xffff  }
0x1bf: {  	v36 =	vor.u32 v58, v40;
	v41 =	vor.u32 v21, v29;
	v53 =	vor.u32 $0xF, v42  }
0x1c0: {  	v40 =	vld.idx.msk [tilespmem:v39+s3+$0x0], $0xffff;
	vm0 =	vle.f32 v48, v7;
	v56 =	vor.u32 $0xF, v41;
	v45 =	vor.u32 v22, v32  }
0x1c1: {  	v39 =	vld.idx.msk [tilespmem:v43+s3+$0x0], $0xffff;
	v43 =	vor.u32 v25, v60;
	v48 =	vsel vm0, $0x4, v0;
	v54 =	vor.u32 $0xF, v45  }
0x1c2: {  	v25 =	vor.u32 v26, v55;
	v52 =	vand.u32 $0x7C, v36;
	v62 =	vor.u32 v48, v11;
	v58 =	vld.idx.msk [tilespmem:v61+s3+$0x0], $0xffff  }
0x1c3: {  	v59 =	vld.idx.msk [tilespmem:v49+s3+$0x0], $0xffff;
	v63 =	vand.u32 $0x7C, v35;
	v37 =	vor.u32 v37, v62;
	vm0 =	vle.f32 v57, v9  }
0x1c4: {  	s6 =	simm.s32 $0x14620;
	v61 =	vor.u32 v52, v12;
	v37 =	vor.u32 v47, v37;
	v52 =	vld.idx.msk [tilespmem:v53+s3+$0x0], $0xffff;
	v57 =	vsel vm0, $0x2, v0  }
0x1c5: {  	[tilespmem:s6+$0x10] =	vst v38;
	v48 =	vor.u32 v63, v13;
	v47 =	vand.u32 $0x7C, v37;
	v38 =	vor.u32 v57, v51;
	v51 =	vld.idx.msk [tilespmem:v56+s3+$0x0], $0xffff  }
0x1c6: {  	v49 =	vor.u32 $0x1, v48;
	v48 =	vor.u32 $0x1, v61;
	v62 =	vor.u32 v47, v11;
	v53 =	vld.idx.msk [tilespmem:v54+s3+$0x0], $0xffff  }
0x1c7: {  	s5 =	simm.s32 $0x14660;
	[tilespmem:s6+$0xFFFFFFE0] =	vst v46;
	v47 =	vor.u32 $0x1, v62;
	vm0 =	vle.f32 v58, v17;
	v63 =	vand.u32 $0x7E, v38  }
0x1c8: {  	s7 =	simm.s32 $0xC;
	[tilespmem:s5+$0x10] =	vst v50;
	v50 =	vsel vm0, $0x10, v0;
	vm0 =	vle.f32 v59, v24;
	v34 =	vor.u32 v34, v63  }
.LBB2_6:
0x1c9: {  	v54 =	vld.idx.msk [tilespmem:v2+s3+$0x0], $0xffff;
	s7 =	sadd.s32 $0x4, s7;
	vm1 =	vle.f32 v52, v16;
	v55 =	vor.u32 v50, v44;
	s31 =	sadd.s32 $0x40, s31;
	vm2 =	vle.f32 v40, v4  }
0x1ca: {  	v4 =	vmovc v5;
	v5 =	vmovc v8;
	v40 =	vld [tilespmem:s31+$0x10];
	p1 =	slt.u32 s7, $0x1FC;
	v52 =	vsel vm1, $0x10, v0;
	vm1 =	vle.f32 v51, v18;
	v46 =	vor.u32 $0x7, v55  }
0x1cb: {  	v8 =	vmovc v16;
	v24 =	vmovc v23;
	vm3 =	vle.f32 v53, v19;
	v26 =	vor.u32 v52, v42;
	v51 =	vsel vm1, $0x10, v0;
	v16 =	vld [tilespmem:s31+$0xFFFFFFF0]  }
0x1cc: {  	v55 =	vsel vm3, $0x10, v0;
	v53 =	vld [tilespmem:s31+$0x0];
	v56 =	vor.u32 $0x7, v26;
	v23 =	vor.u32 v51, v41  }
0x1cd: {  	vm1 =	vle.f32 v39, v3;
	v3 =	vmovc v6;
	v57 =	vor.u32 v55, v45;
	v58 =	vor.u32 $0x7, v23;
	v59 =	vld.idx.msk [tilespmem:v34+s3+$0x0], $0xffff  }
0x1ce: {  	v6 =	vmovc v7;
	v7 =	vmovc v18;
	v39 =	vor.u32 $0x7, v57;
	v23 =	vsel vm0, $0x1, v0;
	v34 =	vsel vm2, $0x1, v0;
	v26 =	vld [tilespmem:s31+$0xFFFFFFE0]  }
0x1cf: {  	vm0 =	vle.f32 v54, v40;
	v57 =	vld.idx.msk [tilespmem:v46+s3+$0x0], $0xffff;
	v46 =	vor.u32 v23, v31;
	v31 =	vsel vm1, $0x1, v0  }
0x1d0: {  	v61 =	vor.u32 v34, v15;
	vm1 =	vle.f32 v54, v16;
	v23 =	vsel vm0, $0x80, v0;
	v49 =	vld.idx.msk [tilespmem:v49+s3+$0x0], $0xffff;
	[tilespmem:s5+$0xFFFFFFE0] =	vst v46  }
0x1d1: {  	v34 =	vsel vm1, $0x80, v0;
	vm0 =	vle.f32 v54, v53;
	v60 =	vor.u32 $0x3F, v23;
	v56 =	vld.idx.msk [tilespmem:v56+s3+$0x0], $0xffff;
	[tilespmem:s6+$0xFFFFFFF0] =	vst v61;
	v18 =	vmovc v53  }
0x1d2: {  	v15 =	vmovc v27;
	v31 =	vor.u32 v31, v14;
	v14 =	vmovc v28;
	v53 =	vor.u32 $0x3F, v34;
	v46 =	vsel vm0, $0x80, v0;
	v58 =	vld.idx.msk [tilespmem:v58+s3+$0x0], $0xffff  }
0x1d3: {  	vm1 =	vle.f32 v59, v9;
	vm0 =	vle.f32 v54, v26;
	v27 =	vor.u32 $0x3F, v46;
	v28 =	vld.idx.msk [tilespmem:v39+s3+$0x0], $0xffff;
	[tilespmem:s6+$0x0] =	vst v31;
	s6 =	smov.u32 s5  }
0x1d4: {  	v9 =	vmovc v17;
	v17 =	vmov v40;
	v39 =	vsel vm1, $0x1, v0;
	v54 =	vsel vm0, $0x80, v0;
	v31 =	vld.idx.msk [tilespmem:v48+s3+$0x0], $0xffff  }
0x1d5: {  	s5 =	sadd.s32 $0x40, s5;
	vm0 =	vle.f32 v57, v9;
	v38 =	vor.u32 v39, v38;
	v48 =	vor.u32 $0x3F, v54;
	v47 =	vld.idx.msk [tilespmem:v47+s3+$0x0], $0xffff  }
0x1d6: {  	v39 =	vsel vm0, $0x8, v0;
	vm0 =	vle.f32 v49, v10;
	v57 =	vld.idx.msk [tilespmem:v60+s3+$0x0], $0xffff;
	[tilespmem:s5+$0x10] =	vst v38  }
0x1d7: {  	vm1 =	vle.f32 v56, v8;
	v49 =	vor.u32 v50, v39;
	v50 =	vsel vm0, $0x2, v0;
	v38 =	vld.idx.msk [tilespmem:v53+s3+$0x0], $0xffff  }
0x1d8: {  	v39 =	vsel vm1, $0x8, v0;
	vm0 =	vle.f32 v58, v7;
	v40 =	vor.u32 v49, v44;
	v27 =	vld.idx.msk [tilespmem:v27+s3+$0x0], $0xffff  }
0x1d9: {  	vm1 =	vle.f32 v28, v19;
	v28 =	vsel vm0, $0x8, v0;
	v44 =	vor.u32 $0x3, v40;
	v40 =	vld.idx.msk [tilespmem:v43+s3+$0x0], $0xffff  }
0x1da: {  	v52 =	vor.u32 v52, v39;
	v51 =	vor.u32 v51, v28;
	v43 =	vld.idx.msk [tilespmem:v48+s3+$0x0], $0xffff;
	v48 =	vsel vm1, $0x8, v0  }
0x1db: {  	v28 =	vor.u32 v52, v42;
	v41 =	vor.u32 v51, v41;
	v48 =	vor.u32 v55, v48;
	v39 =	vld.idx.msk [tilespmem:v25+s3+$0x0], $0xffff  }
0x1dc: {  	v28 =	vor.u32 $0x3, v28;
	vm0 =	vle.f32 v57, v17;
	v25 =	vor.u32 v48, v45  }
0x1dd: {  	vm1 =	vle.f32 v38, v16;
	v38 =	vsel vm0, $0x40, v0;
	v25 =	vor.u32 $0x3, v25  }
0x1de: {  	v42 =	vsel vm1, $0x40, v0;
	vm0 =	vle.f32 v27, v18;
	v27 =	vor.u32 v38, v23;
	v44 =	vld.idx.msk [tilespmem:v44+s3+$0x0], $0xffff  }
0x1df: {  	v45 =	vor.u32 v42, v34;
	v53 =	vsel vm0, $0x40, v0;
	v27 =	vor.u32 $0x1F, v27  }
0x1e0: {  	vm0 =	vle.f32 v43, v26;
	v43 =	vor.u32 $0x1F, v45;
	v45 =	vor.u32 v53, v46  }
0x1e1: {  	v41 =	vor.u32 $0x3, v41;
	v55 =	vsel vm0, $0x40, v0;
	v45 =	vor.u32 $0x1F, v45;
	v56 =	vld.idx.msk [tilespmem:v28+s3+$0x0], $0xffff  }
0x1e2: {  	vm1 =	vle.f32 v47, v6;
	vm0 =	vle.f32 v31, v5;
	v28 =	vor.u32 v55, v54;
	v25 =	vld.idx.msk [tilespmem:v25+s3+$0x0], $0xffff  }
0x1e3: {  	v57 =	vsel vm1, $0x2, v0;
	v47 =	vor.u32 $0x1F, v28;
	v28 =	vsel vm0, $0x2, v0  }
0x1e4: {  	v31 =	vor.u32 v50, v35;
	vm0 =	vle.f32 v44, v9;
	v58 =	vld.idx.msk [tilespmem:v27+s3+$0x0], $0xffff;
	v27 =	vor.u32 v28, v36  }
0x1e5: {  	v36 =	vsel vm0, $0x4, v0;
	v28 =	vor.u32 v57, v37;
	v35 =	vld.idx.msk [tilespmem:v43+s3+$0x0], $0xffff;
	v43 =	vand.u32 $0x7E, v31  }
0x1e6: {  	v36 =	vor.u32 v36, v24;
	v50 =	vand.u32 $0x7E, v27;
	v57 =	vand.u32 $0x7E, v28;
	v37 =	vld.idx.msk [tilespmem:v45+s3+$0x0], $0xffff  }
0x1e7: {  	vm0 =	vle.f32 v56, v8;
	v33 =	vor.u32 v33, v36;
	v36 =	vor.u32 v13, v43;
	v56 =	vld.idx.msk [tilespmem:v41+s3+$0x0], $0xffff  }
0x1e8: {  	v13 =	vmovc v22;
	vm1 =	vle.f32 v25, v19;
	v25 =	vsel vm0, $0x4, v0;
	v43 =	vor.u32 v49, v33;
	v41 =	vld.idx.msk [tilespmem:v47+s3+$0x0], $0xffff  }
0x1e9: {  	v22 =	vmovc v54;
	v33 =	vsel vm1, $0x4, v0;
	v25 =	vor.u32 v25, v20;
	v44 =	vand.u32 $0x7C, v43  }
0x1ea: {  	vm0 =	vle.f32 v58, v17;
	v47 =	vor.u32 v33, v13;
	v33 =	vor.u32 v44, v24  }
0x1eb: {  	vm1 =	vle.f32 v35, v16;
	v35 =	vsel vm0, $0x20, v0;
	v45 =	vor.u32 $0x1, v33  }
0x1ec: {  	v44 =	vsel vm1, $0x20, v0;
	vm0 =	vle.f32 v37, v18;
	v33 =	vor.u32 v38, v35;
	v54 =	vld.idx.msk [tilespmem:v36+s3+$0x0], $0xffff  }
0x1ed: {  	v35 =	vor.u32 v42, v44;
	v36 =	vsel vm0, $0x20, v0;
	v44 =	vor.u32 v23, v33  }
0x1ee: {  	vm0 =	vle.f32 v41, v26;
	v37 =	vor.u32 v53, v36;
	v36 =	vor.u32 $0xF, v44  }
0x1ef: {  	v42 =	vor.u32 v34, v35;
	v38 =	vsel vm0, $0x20, v0;
	v41 =	vor.u32 v46, v37  }
0x1f0: {  	v49 =	vor.u32 $0xF, v42;
	v38 =	vor.u32 v55, v38;
	v53 =	vor.u32 $0xF, v41;
	v55 =	vld.idx.msk [tilespmem:v45+s3+$0x0], $0xffff  }
0x1f1: {  	v47 =	vor.u32 v32, v47;
	vm0 =	vle.f32 v56, v7;
	v45 =	vor.u32 v22, v38;
	v32 =	vmovc v38  }
0x1f2: {  	v25 =	vor.u32 v30, v25;
	v30 =	vmovc v35;
	v56 =	vsel vm0, $0x4, v0;
	v38 =	vor.u32 $0xF, v45  }
0x1f3: {  	v35 =	vor.u32 v48, v47;
	v58 =	vld.idx.msk [tilespmem:v36+s3+$0x0], $0xffff;
	v36 =	vor.u32 v52, v25;
	v25 =	vor.u32 v56, v21  }
0x1f4: {  	v47 =	vand.u32 $0x7C, v35;
	v48 =	vand.u32 $0x7C, v36;
	v25 =	vor.u32 v29, v25;
	v29 =	vmovc v37  }
0x1f5: {  	v47 =	vor.u32 v47, v13;
	v52 =	vld.idx.msk [tilespmem:v49+s3+$0x0], $0xffff;
	v48 =	vor.u32 v48, v20;
	v37 =	vor.u32 v51, v25  }
.Ltmp6:
0x1f6: {  	v49 =	vor.u32 $0x1, v47;
	vm0 =	vle.f32 v55, v9;
	v51 =	vld.idx.msk [tilespmem:v53+s3+$0x0], $0xffff;
	v25 =	vand.u32 $0x7C, v37;
	(pc) =	sbr.rel @p1 .LBB2_6-.Ltmp6, $4  }
0x1f7: {  	v48 =	vor.u32 $0x1, v48;
	v53 =	vld.idx.msk [tilespmem:v38+s3+$0x0], $0xffff;
	v25 =	vor.u32 v25, v21;
	v38 =	vsel vm0, $0x2, v0  }
0x1f8: {  	v47 =	vor.u32 $0x1, v25;
	v38 =	vor.u32 v38, v43;
	v43 =	vor.u32 v12, v50;
	v12 =	vmovc v20;
	v20 =	vmovc v34  }
0x1f9: {  	vm0 =	vle.f32 v58, v17;
	v25 =	vor.u32 v11, v57;
	v11 =	vmovc v21;
	v21 =	vmovc v46;
	v34 =	vand.u32 $0x7E, v38  }
0x1fa: {  	v50 =	vsel vm0, $0x10, v0;
	vm0 =	vle.f32 v54, v10;
	v10 =	vmovc v19;
	v19 =	vmovc v26;
	v34 =	vor.u32 v24, v34  }
0x1fb: {  	v24 =	vor.u32 v50, v44;
	vm2 =	vle.f32 v52, v16  }
0x1fc: {  	vm1 =	vle.f32 v53, v19;
	v24 =	vor.u32 $0x7, v24;
	v46 =	vsel vm2, $0x10, v0  }
0x1fd: {  	v26 =	vsel vm1, $0x10, v0;
	v60 =	vor.u32 v46, v42  }
0x1fe: {  	vm11 =	vle.f32 v51, v18;
	v59 =	vor.u32 v26, v45;
	v61 =	vor.u32 $0x7, v60  }
0x1ff: {  	v53 =	vsel vm11, $0x10, v0;
	v52 =	vor.u32 $0x7, v59  }
0x200: {  	v54 =	vor.u32 v53, v41  }
0x201: {  	v54 =	vor.u32 $0x7, v54;
	v24 =	vld.idx.msk [tilespmem:v24+s3+$0x0], $0xffff;
	_ =	sdelay $0x1  }
0x202: {  	v51 =	vld.idx.msk [tilespmem:v61+s3+$0x0], $0xffff  }
0x203: {  	v52 =	vld.idx.msk [tilespmem:v52+s3+$0x0], $0xffff;
	_ =	sdelay $0x1  }
0x204: {  	v62 =	vld.idx.msk [tilespmem:v54+s3+$0x0], $0xffff;
	vm12 =	vle.f32 v24, v17  }
0x205: {  	v63 =	vsel vm12, $0x8, v0  }
0x206: {  	v55 =	vor.u32 v50, v63;
	vm14 =	vle.f32 v51, v16  }
0x207: {  	vm13 =	vle.f32 v52, v19;
	v56 =	vor.u32 v55, v44;
	v58 =	vsel vm14, $0x8, v0  }
0x208: {  	v57 =	vsel vm13, $0x8, v0;
	v44 =	vor.u32 $0x3, v56;
	v46 =	vor.u32 v46, v58  }
0x209: {  	vm15 =	vle.f32 v62, v18;
	v26 =	vor.u32 v26, v57;
	v60 =	vor.u32 v46, v42  }
0x20a: {  	v62 =	vsel vm15, $0x8, v0;
	v59 =	vor.u32 v26, v45;
	v24 =	vor.u32 $0x3, v60  }
0x20b: {  	v45 =	vor.u32 v53, v62;
	v61 =	vor.u32 $0x3, v59  }
0x20c: {  	v63 =	vor.u32 v45, v41  }
0x20d: {  	v41 =	vor.u32 $0x3, v63;
	v44 =	vld.idx.msk [tilespmem:v44+s3+$0x0], $0xffff;
	_ =	sdelay $0x1  }
0x20e: {  	v24 =	vld.idx.msk [tilespmem:v24+s3+$0x0], $0xffff  }
0x20f: {  	v42 =	vld.idx.msk [tilespmem:v61+s3+$0x0], $0xffff;
	_ =	sdelay $0x1  }
0x210: {  	v41 =	vld.idx.msk [tilespmem:v41+s3+$0x0], $0xffff;
	vm4 =	vle.f32 v44, v17  }
0x211: {  	v44 =	vsel vm4, $0x4, v0  }
0x212: {  	v44 =	vor.u32 v44, v23;
	vm6 =	vle.f32 v24, v16  }
0x213: {  	vm5 =	vle.f32 v42, v19;
	v51 =	vor.u32 v33, v44;
	v53 =	vsel vm6, $0x4, v0  }
0x214: {  	v52 =	vsel vm5, $0x4, v0;
	v24 =	vor.u32 v55, v51;
	v42 =	vor.u32 v53, v20  }
0x215: {  	vm7 =	vle.f32 v41, v18;
	v33 =	vor.u32 v52, v22;
	v54 =	vand.u32 $0x7C, v24  }
0x216: {  	v57 =	vsel vm7, $0x4, v0;
	v30 =	vor.u32 v30, v42;
	v32 =	vor.u32 v32, v33  }
0x217: {  	v55 =	vor.u32 v54, v23;
	v33 =	vor.u32 v57, v21;
	v30 =	vor.u32 v46, v30  }
0x218: {  	v26 =	vor.u32 v26, v32;
	v56 =	vor.u32 $0x1, v55;
	v62 =	vand.u32 $0x7C, v30  }
0x219: {  	v59 =	vld.idx.msk [tilespmem:v49+s3+$0x0], $0xffff;
	v29 =	vor.u32 v29, v33;
	v58 =	vand.u32 $0x7C, v26;
	v44 =	vor.u32 v62, v20  }
0x21a: {  	v63 =	vld.idx.msk [tilespmem:v47+s3+$0x0], $0xffff;
	v29 =	vor.u32 v45, v29;
	v41 =	vor.u32 v58, v22;
	v44 =	vor.u32 $0x1, v44  }
0x21b: {  	v61 =	vld.idx.msk [tilespmem:v48+s3+$0x0], $0xffff;
	v48 =	vand.u32 $0x7C, v29;
	v60 =	vor.u32 $0x1, v41  }
0x21c: {  	v46 =	vor.u32 v48, v21  }
0x21d: {  	v46 =	vor.u32 $0x1, v46  }
0x21e: {  	vm9 =	vle.f32 v40, v4;
	vm10 =	vle.f32 v39, v3;
	v32 =	vld.idx.msk [tilespmem:v56+s3+$0x0], $0xffff  }
0x21f: {  	v40 =	vsel vm0, $0x1, v0;
	vm8 =	vle.f32 v59, v10;
	vm11 =	vle.f32 v63, v7;
	v51 =	vld.idx.msk [tilespmem:v44+s3+$0x0], $0xffff  }
0x220: {  	v49 =	vsel vm8, $0x2, v0;
	v50 =	vsel vm11, $0x2, v0;
	vm3 =	vle.f32 v61, v8;
	v33 =	vld.idx.msk [tilespmem:v60+s3+$0x0], $0xffff  }
0x221: {  	v4 =	vor.u32 v49, v35;
	v37 =	vor.u32 v50, v37;
	v3 =	vsel vm3, $0x2, v0  }
0x222: {  	v39 =	vand.u32 $0x7E, v37;
	v3 =	vor.u32 v3, v36;
	v52 =	vand.u32 $0x7E, v4;
	v53 =	vld.idx.msk [tilespmem:v46+s3+$0x0], $0xffff  }
0x223: {  	v13 =	vor.u32 v13, v52;
	v55 =	vand.u32 $0x7E, v3;
	vm12 =	vle.f32 v32, v17  }
0x224: {  	v11 =	vor.u32 v11, v39;
	v12 =	vor.u32 v12, v55;
	v54 =	vsel vm12, $0x2, v0  }
0x225: {  	v34 =	vld.idx.msk [tilespmem:v34+s3+$0x0], $0xffff;
	v24 =	vor.u32 v54, v24;
	vm14 =	vle.f32 v51, v16;
	vm13 =	vle.f32 v33, v19  }
0x226: {  	v57 =	vand.u32 $0x7E, v24;
	v60 =	vsel vm14, $0x2, v0;
	v56 =	vsel vm13, $0x2, v0  }
0x227: {  	v58 =	vor.u32 v23, v57;
	vm15 =	vle.f32 v53, v18;
	v30 =	vor.u32 v60, v30  }
0x228: {  	v13 =	vld.idx.msk [tilespmem:v13+s3+$0x0], $0xffff;
	v26 =	vor.u32 v56, v26;
	v32 =	vsel vm15, $0x2, v0;
	v63 =	vand.u32 $0x7E, v30  }
0x229: {  	v62 =	vld.idx.msk [tilespmem:v43+s3+$0x0], $0xffff;
	v59 =	vand.u32 $0x7E, v26;
	v29 =	vor.u32 v32, v29;
	v42 =	vor.u32 v20, v63  }
0x22a: {  	v25 =	vld.idx.msk [tilespmem:v25+s3+$0x0], $0xffff;
	vm6 =	vle.f32 v34, v9;
	v61 =	vor.u32 v22, v59;
	v41 =	vand.u32 $0x7E, v29  }
0x22b: {  	v31 =	vor.u32 v40, v31;
	v47 =	vsel vm6, $0x1, v0;
	v48 =	vld.idx.msk [tilespmem:v12+s3+$0x0], $0xffff;
	v44 =	vor.u32 v21, v41  }
0x22c: {  	s9 =	sadd.s32 $0x40, s5;
	[tilespmem:s5+$0xFFFFFFE0] =	vst v31;
	v49 =	vor.u32 v47, v38;
	v43 =	vsel vm9, $0x1, v0;
	v11 =	vld.idx.msk [tilespmem:v11+s3+$0x0], $0xffff  }
0x22d: {  	[tilespmem:s9+$0x10] =	vst v49;
	v45 =	vsel vm10, $0x1, v0;
	v15 =	vor.u32 v43, v15;
	vm7 =	vle.f32 v13, v10;
	v23 =	vld.idx.msk [tilespmem:v58+s3+$0x0], $0xffff  }
0x22e: {  	v14 =	vor.u32 v45, v14;
	[tilespmem:s6+$0xFFFFFFF0] =	vst v15;
	vm8 =	vle.f32 v62, v5;
	v50 =	vsel vm7, $0x1, v0;
	v52 =	vld.idx.msk [tilespmem:v42+s3+$0x0], $0xffff  }
0x22f: {  	vm9 =	vle.f32 v25, v6;
	[tilespmem:s6+$0x0] =	vst v14;
	v4 =	vor.u32 v50, v4;
	v51 =	vsel vm8, $0x1, v0;
	v46 =	vld.idx.msk [tilespmem:v61+s3+$0x0], $0xffff  }
0x230: {  	vm12 =	vle.f32 v48, v8;
	[tilespmem:s9+$0xFFFFFFE0] =	vst v4;
	v54 =	vor.u32 v51, v27;
	v53 =	vsel vm9, $0x1, v0;
	v55 =	vld.idx.msk [tilespmem:v44+s3+$0x0], $0xffff  }
0x231: {  	[tilespmem:s5+$0xFFFFFFF0] =	vst v54;
	vm13 =	vle.f32 v11, v7;
	v60 =	vsel vm12, $0x1, v0;
	v56 =	vor.u32 v53, v28  }
0x232: {  	v62 =	vsel vm13, $0x1, v0;
	v3 =	vor.u32 v60, v3;
	[tilespmem:s5+$0x0] =	vst v56;
	vm10 =	vle.f32 v23, v17  }
0x233: {  	[tilespmem:s9+$0xFFFFFFF0] =	vst v3;
	v3 =	vor.u32 v62, v37;
	v57 =	vsel vm10, $0x1, v0;
	vm14 =	vle.f32 v52, v16  }
0x234: {  	s31 =	sadd.s32 $0x40, s9;
	[tilespmem:s9+$0x0] =	vst v3;
	v58 =	vor.u32 v57, v24;
	vm11 =	vle.f32 v46, v19;
	v63 =	vsel vm14, $0x1, v0  }
0x235: {  	[tilespmem:s31+$0x10] =	vst v58;
	v59 =	vsel vm11, $0x1, v0;
	vm15 =	vle.f32 v55, v18;
	v4 =	vor.u32 v63, v30  }
0x236: {  	v61 =	vor.u32 v59, v26;
	v3 =	vsel vm15, $0x1, v0;
	[tilespmem:s31+$0xFFFFFFF0] =	vst v4  }
0x237: {  	[tilespmem:s31+$0xFFFFFFE0] =	vst v61;
	v3 =	vor.u32 v3, v29  }
0x238: {  	[tilespmem:s31+$0x0] =	vst v3  }
.LBB2_8:
0x239: {  	p1 =	sne.s32 s22, $0x1F  }
.Ltmp7:
0x23a: {  	_ = 	snop;
	(pc) =	sbr.rel @p1 .LBB2_10-.Ltmp7, $4  }
0x23b: {  	_ = 	snop  }
0x23c: {  	s4 =	sshrl.u32 s4, $0x3  }
0x23d: {  	s5 =	sadd.s32 s2, s4  }
0x23e: {  	[hbm4b:s5+s3] =	stream.linear.scatter [tilespmem:s24], [sflag:$0x3], $0x2000, $0x38;
	[tilespmem:$0x18600] =	vst v63  }
.Ltmp8:
0x23f: {  	(pc) =	sbr.rel .LBB2_11-.Ltmp8, $4  }
0x240: {  	_ = 	snop  }
0x241: {  	_ =	swait.ge [sflag:s25], $0x2000  }
0x242: {  	[sflag:s25] =	ssyncset.done $0x0  }
0x243: {  	[sflag:s25] =	ssyncadd.s32 $0xFFFFE000  }
.LBB2_10:
0x244: {  	s5 =	sadd.s32 s0, s13  }
0x245: {  	s5 =	sshrl.u32 s5, $0x3  }
.Ltmp9:
0x246: {  	s5 =	sadd.s32 s1, s5;
	(pc) =	sbr.rel @p0 .LBB2_12-.Ltmp9, $4  }
0x247: {  	[tilespmem:s21], [sflag:$0x1] =	stream.linear.gather [hbm4b:s5+s3], $0x2000, $0x38;
	[tilespmem:$0x18600] =	vst v63  }
0x248: {  	_ =	swait.ge [sflag:s25], $0x2000  }
0x249: {  	[sflag:s25] =	ssyncset.done $0x0  }
0x24a: {  	[sflag:s25] =	ssyncadd.s32 $0xFFFFE000  }
.LBB2_11:
0x24b: {  	_ =	swait.ge [sflag:s26], $0x2000  }
0x24c: {  	[sflag:s26] =	ssyncset.done $0x0  }
0x24d: {  	[sflag:s26] =	ssyncadd.s32 $0xFFFFE000  }
.LBB2_12:
0x24e: {  	s5 =	simm.s32 $0x12640  }
0x24f: {  	v20 =	vld [tilespmem:s5+$0xFFFFFFF0]  }
0x250: {  	v21 =	vld [tilespmem:s5+$0x0]  }
0x251: {  	v19 =	vld [tilespmem:s5+$0x10]  }
0x252: {  	v18 =	vld [tilespmem:s5+$0x20]  }
0x253: {  	v17 =	vld [tilespmem:s5+$0x30]  }
0x254: {  	v22 =	vld [tilespmem:s5+$0xFFFFFFE0]  }
0x255: {  	v15 =	vld [tilespmem:s5+$0xFFFFFFD0]  }
0x256: {  	v14 =	vld [tilespmem:s5+$0xFFFFFFC0];
	_ =	sdelay $0x1  }
0x257: {  	v3 =	vadd.f32 $0.0e+00, v20;
	v4 =	vadd.f32 $0.0e+00, v21  }
0x258: {  	v5 =	vadd.f32 $0.0e+00, v19;
	v6 =	vadd.f32 $0.0e+00, v18  }
0x259: {  	v7 =	vadd.f32 $0.0e+00, v22;
	v8 =	vadd.f32 $0.0e+00, v17  }
0x25a: {  	v9 =	vadd.f32 $0.0e+00, v14;
	v10 =	vadd.f32 $0.0e+00, v15  }
0x25b: {  	v11 =	vshra.s32 v3, $0x1F;
	v12 =	vshra.s32 v4, $0x1F;
	v13 =	vshra.s32 v5, $0x1F  }
0x25c: {  	v16 =	vshra.s32 v6, $0x1F;
	v23 =	vshra.s32 v10, $0x1F;
	v26 =	vshra.s32 v9, $0x1F  }
0x25d: {  	v24 =	vshra.s32 v7, $0x1F;
	v25 =	vshra.s32 v8, $0x1F;
	v26 =	vor.u32 $0x80000000, v26  }
0x25e: {  	v11 =	vor.u32 $0x80000000, v11;
	v12 =	vor.u32 $0x80000000, v12;
	v9 =	vxor.u32 v9, v26  }
0x25f: {  	v13 =	vor.u32 $0x80000000, v13;
	v23 =	vor.u32 $0x80000000, v23;
	v26 =	vshrl.u32 v9, $0xF  }
0x260: {  	v10 =	vxor.u32 v10, v23;
	v23 =	vor.u32 $0x80000000, v24;
	v24 =	vand.u32 $0xFFFF, v26  }
0x261: {  	v16 =	vor.u32 $0x80000000, v16;
	v7 =	vxor.u32 v7, v23;
	v26 =	vshrl.u32 v10, $0xF  }
0x262: {  	v3 =	vxor.u32 v3, v11;
	v23 =	vand.u32 $0xFFFF, v26;
	v26 =	vshrl.u32 v7, $0xF  }
0x263: {  	v4 =	vxor.u32 v4, v12;
	v11 =	vand.u32 $0xFFFF, v26;
	v26 =	vshrl.u32 v3, $0xF  }
0x264: {  	v5 =	vxor.u32 v5, v13;
	v12 =	vand.u32 $0xFFFF, v26;
	v26 =	vshrl.u32 v4, $0xF  }
0x265: {  	v6 =	vxor.u32 v6, v16;
	v13 =	vand.u32 $0xFFFF, v26;
	v26 =	vshrl.u32 v5, $0xF;
	v16 =	vld.idx.msk [tilespmem:v24+s20+$0x0], $0xffff  }
0x266: {  	v25 =	vor.u32 $0x80000000, v25;
	v24 =	vand.u32 $0xFFFF, v26  }
0x267: {  	v8 =	vxor.u32 v8, v25  }
0x268: {  	v9 =	vshrl.u32 v9, $0x1B;
	v27 =	vshrl.u32 v5, $0x1B;
	v26 =	vshrl.u32 v6, $0xF;
	v23 =	vld.idx.msk [tilespmem:v23+s20+$0x0], $0xffff  }
0x269: {  	v5 =	vand.u32 $0x10, v9;
	v25 =	vand.u32 $0xFFFF, v26;
	v26 =	vshrl.u32 v8, $0xF;
	v11 =	vld.idx.msk [tilespmem:v11+s20+$0x0], $0xffff  }
0x26a: {  	v26 =	vand.u32 $0xFFFF, v26;
	v12 =	vld.idx.msk [tilespmem:v12+s20+$0x0], $0xffff;
	v5 =	vshrl.u32 v16, v5  }
0x26b: {  	v9 =	vshrl.u32 v10, $0x1B;
	v28 =	vld.idx.msk [tilespmem:v24+s20+$0x0], $0xffff;
	v24 =	vand.u32 $0xFFFF, v5  }
0x26c: {  	v7 =	vshrl.u32 v7, $0x1B;
	v10 =	vshrl.u32 v8, $0x1B;
	v8 =	vand.u32 $0x10, v9;
	v13 =	vld.idx.msk [tilespmem:v13+s20+$0x0], $0xffff  }
0x26d: {  	v7 =	vand.u32 $0x10, v7;
	v5 =	vshrl.u32 v23, v8  }
0x26e: {  	v3 =	vshrl.u32 v3, $0x1B;
	v9 =	vld.idx.msk [tilespmem:v25+s20+$0x0], $0xffff;
	v23 =	vand.u32 $0xFFFF, v5;
	v5 =	vshrl.u32 v11, v7  }
0x26f: {  	v4 =	vshrl.u32 v4, $0x1B;
	v3 =	vand.u32 $0x10, v3;
	v16 =	vld.idx.msk [tilespmem:v26+s20+$0x0], $0xffff;
	v8 =	vand.u32 $0xFFFF, v5  }
0x270: {  	v4 =	vand.u32 $0x10, v4;
	v6 =	vshrl.u32 v6, $0x1B;
	v3 =	vshrl.u32 v12, v3;
	v11 =	vld.idx.msk [tilespmem:v24+s19+$0x0], $0xffff  }
0x271: {  	v7 =	vand.u32 $0x10, v27;
	v5 =	vand.u32 $0xFFFF, v3;
	v3 =	vshrl.u32 v13, v4;
	v27 =	vld.idx.msk [tilespmem:v24+s3+$0x0], $0xffff  }
0x272: {  	v6 =	vand.u32 $0x10, v6;
	v4 =	vand.u32 $0xFFFF, v3;
	v3 =	vshrl.u32 v28, v7;
	v28 =	vld.idx.msk [tilespmem:v24+s17+$0x0], $0xffff  }
0x273: {  	v6 =	vshrl.u32 v9, v6;
	v9 =	vand.u32 $0x10, v10;
	v10 =	vld.idx.msk [tilespmem:v23+s19+$0x0], $0xffff  }
0x274: {  	v3 =	vand.u32 $0xFFFF, v3;
	v7 =	vand.u32 $0xFFFF, v6;
	v6 =	vshrl.u32 v16, v9;
	v9 =	vld.idx.msk [tilespmem:v8+s19+$0x0], $0xffff  }
0x275: {  	v60 =	vld.idx.msk [tilespmem:v8+s18+$0x0], $0xffff  }
0x276: {  	v12 =	vld.idx.msk [tilespmem:v5+s19+$0x0], $0xffff  }
0x277: {  	v13 =	vld.idx.msk [tilespmem:v4+s19+$0x0], $0xffff  }
0x278: {  	v6 =	vand.u32 $0xFFFF, v6;
	v39 =	vld.idx.msk [tilespmem:v4+s17+$0x0], $0xffff  }
0x279: {  	v16 =	vld.idx.msk [tilespmem:v3+s19+$0x0], $0xffff  }
0x27a: {  	v29 =	vimm.s32 $0x0;
	vm0 =	vle.f32 v11, v14;
	v11 =	vld.idx.msk [tilespmem:v23+s3+$0x0], $0xffff  }
0x27b: {  	vm1 =	vle.f32 v27, v14;
	v25 =	vld.idx.msk [tilespmem:v7+s19+$0x0], $0xffff;
	v30 =	vsel vm0, $0x1, v0;
	vm0 =	vle.f32 v10, v15  }
0x27c: {  	v27 =	vld.idx.msk [tilespmem:v3+s3+$0x0], $0xffff;
	v29 =	vor.u32 v30, v29;
	v40 =	vsel vm0, $0x1, v0;
	vm0 =	vle.f32 v9, v22  }
0x27d: {  	v26 =	vld.idx.msk [tilespmem:v6+s19+$0x0], $0xffff;
	v29 =	vor.u32 v40, v29;
	v31 =	vsel vm0, $0x1, v0;
	vm0 =	vle.f32 v12, v20  }
0x27e: {  	v61 =	vld.idx.msk [tilespmem:v3+s18+$0x0], $0xffff;
	v29 =	vor.u32 v31, v29;
	v38 =	vsel vm0, $0x1, v0;
	vm0 =	vle.f32 v13, v21  }
0x27f: {  	v10 =	vld.idx.msk [tilespmem:v23+s17+$0x0], $0xffff;
	v29 =	vor.u32 v38, v29;
	v37 =	vsel vm0, $0x1, v0;
	vm0 =	vle.f32 v16, v19  }
0x280: {  	v9 =	vld.idx.msk [tilespmem:v8+s3+$0x0], $0xffff;
	v29 =	vor.u32 v37, v29;
	v32 =	vsel vm0, $0x1, v0;
	vm0 =	vle.f32 v25, v18  }
0x281: {  	v12 =	vld.idx.msk [tilespmem:v8+s17+$0x0], $0xffff;
	v29 =	vor.u32 v32, v29;
	v33 =	vsel vm0, $0x1, v0  }
0x282: {  	v13 =	vld.idx.msk [tilespmem:v5+s3+$0x0], $0xffff;
	vm0 =	vle.f32 v26, v17;
	v26 =	vor.u32 v33, v29  }
0x283: {  	v16 =	vld.idx.msk [tilespmem:v5+s17+$0x0], $0xffff;
	v34 =	vsel vm0, $0x1, v0;
	v29 =	vsel vm1, $0x1, v0;
	vm0 =	vle.f32 v28, v14  }
0x284: {  	v25 =	vld.idx.msk [tilespmem:v4+s3+$0x0], $0xffff;
	v36 =	vor.u32 v34, v26;
	v26 =	vsel vm0, $0x1, v0;
	vm0 =	vle.f32 v11, v15  }
0x285: {  	v44 =	vld.idx.msk [tilespmem:v7+s17+$0x0], $0xffff;
	v26 =	vadd.s32 v29, v26;
	v29 =	vsel vm0, $0x1, v0;
	vm0 =	vle.f32 v10, v15  }
0x286: {  	v28 =	vld.idx.msk [tilespmem:v3+s17+$0x0], $0xffff;
	vm1 =	vle.f32 v12, v22;
	v10 =	vsel vm0, $0x1, v0;
	vm0 =	vle.f32 v9, v22  }
0x287: {  	v45 =	vld.idx.msk [tilespmem:v6+s17+$0x0], $0xffff;
	v29 =	vadd.s32 v29, v10;
	v9 =	vsel vm0, $0x1, v0;
	v10 =	vsel vm1, $0x1, v0  }
0x288: {  	v11 =	vld.idx.msk [tilespmem:v7+s3+$0x0], $0xffff;
	vm0 =	vle.f32 v13, v20;
	vm1 =	vle.f32 v16, v20;
	v35 =	vadd.s32 v9, v10  }
0x289: {  	v12 =	vld.idx.msk [tilespmem:v6+s3+$0x0], $0xffff;
	v9 =	vsel vm0, $0x1, v0;
	v10 =	vsel vm1, $0x1, v0;
	vm0 =	vle.f32 v25, v21  }
0x28a: {  	s9 =	simm.s32 $0x126C0;
	v16 =	vld.idx.msk [tilespmem:v24+s18+$0x0], $0xffff;
	v41 =	vadd.s32 v9, v10;
	v10 =	vsel vm0, $0x1, v0;
	vm0 =	vle.f32 v39, v21  }
0x28b: {  	v13 =	vld [tilespmem:s9+$0x0];
	vm1 =	vle.f32 v28, v19;
	v39 =	vsel vm0, $0x1, v0;
	vm0 =	vle.f32 v27, v19  }
0x28c: {  	v25 =	vld.idx.msk [tilespmem:v23+s18+$0x0], $0xffff;
	v28 =	vsel vm1, $0x1, v0;
	vm1 =	vle.f32 v44, v18;
	v27 =	vsel vm0, $0x1, v0  }
0x28d: {  	v9 =	vld [tilespmem:s9+$0xFFFFFFF0];
	v42 =	vadd.s32 v10, v39;
	vm0 =	vle.f32 v11, v18;
	v43 =	vadd.s32 v27, v28  }
0x28e: {  	v10 =	vld [tilespmem:s9+$0x10];
	v27 =	vsel vm0, $0x1, v0;
	v28 =	vsel vm1, $0x1, v0;
	vm0 =	vle.f32 v12, v17  }
0x28f: {  	v11 =	vld [tilespmem:s9+$0x20];
	v44 =	vadd.s32 v27, v28;
	v27 =	vsel vm0, $0x1, v0;
	vm0 =	vle.f32 v16, v14  }
0x290: {  	vm3 =	vle.f32 v61, v19;
	v12 =	vld [tilespmem:s9+$0x30];
	vm1 =	vle.f32 v45, v17;
	v16 =	vsel vm0, $0x1, v0  }
0x291: {  	v14 =	vld [tilespmem:s9+$0xFFFFFFE0];
	vm0 =	vle.f32 v25, v15;
	v25 =	vsel vm1, $0x1, v0;
	v26 =	vadd.s32 v16, v26  }
0x292: {  	v15 =	vld [tilespmem:s9+$0xFFFFFFD0];
	v28 =	vsel vm0, $0x1, v0;
	v45 =	vadd.s32 v27, v25;
	vm0 =	vle.f32 v60, v22  }
0x293: {  	v25 =	vadd.s32 v30, v26;
	v26 =	vadd.s32 v28, v29;
	v27 =	vadd.f32 $0.0e+00, v10  }
0x294: {  	v16 =	vld [tilespmem:s9+$0xFFFFFFC0];
	v28 =	vadd.f32 $0.0e+00, v11;
	v39 =	vadd.s32 v24, v25;
	v26 =	vadd.s32 v40, v26  }
0x295: {  	v24 =	vadd.f32 $0.0e+00, v9;
	v25 =	vadd.f32 $0.0e+00, v13;
	v40 =	vadd.s32 v23, v26  }
0x296: {  	v23 =	vadd.f32 $0.0e+00, v14;
	v26 =	vadd.f32 $0.0e+00, v12;
	v48 =	vshra.s32 v27, $0x1F  }
0x297: {  	v49 =	vshra.s32 v28, $0x1F;
	v30 =	vadd.f32 $0.0e+00, v15;
	v46 =	vshra.s32 v24, $0x1F  }
0x298: {  	v47 =	vshra.s32 v25, $0x1F;
	v48 =	vor.u32 $0x80000000, v48;
	v49 =	vor.u32 $0x80000000, v49  }
0x299: {  	v29 =	vadd.f32 $0.0e+00, v16;
	v51 =	vshra.s32 v23, $0x1F;
	v52 =	vshra.s32 v26, $0x1F  }
0x29a: {  	v46 =	vor.u32 $0x80000000, v46;
	v47 =	vor.u32 $0x80000000, v47;
	v27 =	vxor.u32 v27, v48  }
0x29b: {  	v28 =	vxor.u32 v28, v49;
	v50 =	vshra.s32 v30, $0x1F;
	v59 =	vor.u32 $0x80000000, v51  }
0x29c: {  	v52 =	vor.u32 $0x80000000, v52;
	v53 =	vshra.s32 v29, $0x1F;
	v23 =	vxor.u32 v23, v59  }
0x29d: {  	v50 =	vor.u32 $0x80000000, v50;
	v53 =	vor.u32 $0x80000000, v53;
	v55 =	vshrl.u32 v23, $0xF  }
0x29e: {  	v30 =	vxor.u32 v30, v50;
	v50 =	vld.idx.msk [tilespmem:v5+s18+$0x0], $0xffff;
	v29 =	vxor.u32 v29, v53;
	v55 =	vand.u32 $0xFFFF, v55  }
0x29f: {  	v24 =	vxor.u32 v24, v46;
	v25 =	vxor.u32 v25, v47;
	v53 =	vshrl.u32 v29, $0xF  }
0x2a0: {  	v49 =	vld.idx.msk [tilespmem:v7+s18+$0x0], $0xffff;
	v63 =	vshrl.u32 v27, $0xF;
	v54 =	vshrl.u32 v30, $0xF;
	v53 =	vand.u32 $0xFFFF, v53  }
0x2a1: {  	v46 =	vld.idx.msk [tilespmem:v4+s18+$0x0], $0xffff;
	v27 =	vshrl.u32 v27, $0x1B;
	v56 =	vshrl.u32 v24, $0xF;
	v54 =	vand.u32 $0xFFFF, v54  }
0x2a2: {  	v61 =	vshrl.u32 v28, $0x1B;
	v57 =	vshrl.u32 v25, $0xF;
	v56 =	vand.u32 $0xFFFF, v56  }
0x2a3: {  	v26 =	vxor.u32 v26, v52;
	v62 =	vand.u32 $0xFFFF, v57;
	vm1 =	vle.f32 v50, v20;
	v20 =	vld.idx.msk [tilespmem:v55+s20+$0x0], $0xffff  }
0x2a4: {  	v59 =	vshrl.u32 v28, $0xF;
	v57 =	vand.u32 $0xFFFF, v63;
	v22 =	vshrl.u32 v26, $0xF  }
0x2a5: {  	v52 =	vand.u32 $0xFFFF, v59;
	v23 =	vshrl.u32 v23, $0x1B;
	v22 =	vand.u32 $0xFFFF, v22;
	v53 =	vld.idx.msk [tilespmem:v53+s20+$0x0], $0xffff  }
0x2a6: {  	v23 =	vand.u32 $0x10, v23;
	vm4 =	vle.f32 v49, v18;
	vm2 =	vle.f32 v46, v21;
	v60 =	vld.idx.msk [tilespmem:v54+s20+$0x0], $0xffff  }
0x2a7: {  	v21 =	vshrl.u32 v24, $0x1B;
	v24 =	vshrl.u32 v25, $0x1B;
	v25 =	vshrl.u32 v29, $0x1B;
	v19 =	vld.idx.msk [tilespmem:v56+s20+$0x0], $0xffff  }
0x2a8: {  	v29 =	vshrl.u32 v30, $0x1B;
	v59 =	vsel vm4, $0x1, v0;
	v28 =	vld.idx.msk [tilespmem:v62+s20+$0x0], $0xffff;
	v20 =	vshrl.u32 v20, v23  }
0x2a9: {  	v25 =	vand.u32 $0x10, v25;
	v29 =	vand.u32 $0x10, v29;
	v30 =	vand.u32 $0xFFFF, v20  }
0x2aa: {  	v21 =	vand.u32 $0x10, v21;
	v44 =	vadd.s32 v59, v44;
	v63 =	vld.idx.msk [tilespmem:v57+s20+$0x0], $0xffff;
	v25 =	vshrl.u32 v53, v25  }
0x2ab: {  	v62 =	vshrl.u32 v26, $0x1B;
	v54 =	vld.idx.msk [tilespmem:v52+s20+$0x0], $0xffff;
	v26 =	vand.u32 $0xFFFF, v25;
	v25 =	vshrl.u32 v60, v29  }
0x2ac: {  	v22 =	vld.idx.msk [tilespmem:v22+s20+$0x0], $0xffff;
	v19 =	vshrl.u32 v19, v21;
	v20 =	vand.u32 $0x10, v24;
	v25 =	vand.u32 $0xFFFF, v25  }
0x2ad: {  	v57 =	vsel vm3, $0x1, v0;
	v55 =	vld.idx.msk [tilespmem:v6+s18+$0x0], $0xffff;
	v29 =	vand.u32 $0xFFFF, v19;
	v19 =	vshrl.u32 v28, v20  }
0x2ae: {  	v53 =	vadd.s32 v57, v43;
	v20 =	vand.u32 $0x10, v27;
	v28 =	vand.u32 $0xFFFF, v19;
	v18 =	vld.idx.msk [tilespmem:v30+s19+$0x0], $0xffff  }
0x2af: {  	v46 =	vadd.s32 v32, v53;
	v19 =	vshrl.u32 v63, v20;
	v20 =	vand.u32 $0x10, v61;
	v48 =	vld.idx.msk [tilespmem:v30+s17+$0x0], $0xffff  }
0x2b0: {  	v27 =	vand.u32 $0xFFFF, v19;
	v19 =	vshrl.u32 v54, v20;
	v20 =	vand.u32 $0x10, v62;
	v21 =	vld.idx.msk [tilespmem:v26+s19+$0x0], $0xffff  }
0x2b1: {  	v23 =	vand.u32 $0xFFFF, v19;
	v19 =	vshrl.u32 v22, v20;
	v20 =	vsel vm1, $0x1, v0;
	v56 =	vld.idx.msk [tilespmem:v25+s19+$0x0], $0xffff  }
0x2b2: {  	v24 =	vand.u32 $0xFFFF, v19;
	v19 =	vsel vm0, $0x1, v0;
	vm0 =	vle.f32 v55, v17;
	v17 =	vld.idx.msk [tilespmem:v29+s19+$0x0], $0xffff  }
0x2b3: {  	v22 =	vsel vm2, $0x1, v0;
	v51 =	vadd.s32 v20, v41;
	v19 =	vadd.s32 v19, v35;
	v58 =	vld.idx.msk [tilespmem:v28+s19+$0x0], $0xffff  }
0x2b4: {  	v52 =	vadd.s32 v22, v42;
	v60 =	vsel vm0, $0x1, v0;
	v41 =	vadd.s32 v31, v19;
	v31 =	vld.idx.msk [tilespmem:v26+s3+$0x0], $0xffff  }
0x2b5: {  	v38 =	vadd.s32 v38, v51;
	v49 =	vadd.s32 v60, v45;
	v61 =	vld.idx.msk [tilespmem:v27+s19+$0x0], $0xffff;
	vm0 =	vle.f32 v21, v16  }
0x2b6: {  	v49 =	vadd.s32 v34, v49;
	v20 =	vld.idx.msk [tilespmem:v23+s19+$0x0], $0xffff;
	v35 =	vsel vm0, $0x1, v0;
	vm0 =	vle.f32 v56, v15  }
0x2b7: {  	v21 =	vld.idx.msk [tilespmem:v24+s19+$0x0], $0xffff;
	v19 =	vor.u32 v35, v36;
	v36 =	vsel vm0, $0x1, v0;
	vm0 =	vle.f32 v18, v14  }
0x2b8: {  	v62 =	vld.idx.msk [tilespmem:v26+s17+$0x0], $0xffff;
	v18 =	vor.u32 v36, v19;
	v22 =	vsel vm0, $0x1, v0;
	vm0 =	vle.f32 v17, v9  }
0x2b9: {  	v63 =	vld.idx.msk [tilespmem:v25+s3+$0x0], $0xffff;
	v18 =	vor.u32 v22, v18;
	v17 =	vsel vm0, $0x1, v0;
	vm0 =	vle.f32 v58, v13  }
0x2ba: {  	v57 =	vld.idx.msk [tilespmem:v25+s17+$0x0], $0xffff;
	v19 =	vor.u32 v17, v18;
	v18 =	vsel vm0, $0x1, v0;
	vm0 =	vle.f32 v61, v10  }
0x2bb: {  	v58 =	vld.idx.msk [tilespmem:v30+s3+$0x0], $0xffff;
	v59 =	vor.u32 v18, v19;
	v19 =	vsel vm0, $0x1, v0;
	vm0 =	vle.f32 v20, v11  }
0x2bc: {  	s5 =	simm.s32 $0x16640;
	v50 =	vld.idx.msk [tilespmem:v29+s3+$0x0], $0xffff;
	vm1 =	vle.f32 v31, v16;
	v20 =	vsel vm0, $0x1, v0;
	vm0 =	vle.f32 v21, v12  }
0x2bd: {  	[tilespmem:s5+$0xFFFFFFC0] =	vst v39;
	v39 =	vld.idx.msk [tilespmem:v26+s18+$0x0], $0xffff;
	v60 =	vsel vm1, $0x1, v0;
	v21 =	vsel vm0, $0x1, v0;
	vm0 =	vle.f32 v62, v16  }
0x2be: {  	v61 =	vld.idx.msk [tilespmem:v29+s17+$0x0], $0xffff;
	v47 =	vor.u32 v19, v59;
	v42 =	vsel vm0, $0x1, v0;
	vm0 =	vle.f32 v63, v15  }
0x2bf: {  	v31 =	vor.u32 v20, v47;
	v62 =	vld.idx.msk [tilespmem:v28+s3+$0x0], $0xffff;
	v43 =	vsel vm0, $0x1, v0;
	vm0 =	vle.f32 v57, v15  }
0x2c0: {  	v47 =	vadd.s32 v37, v52;
	v63 =	vld.idx.msk [tilespmem:v28+s17+$0x0], $0xffff;
	v45 =	vsel vm0, $0x1, v0;
	vm0 =	vle.f32 v58, v14  }
0x2c1: {  	v56 =	vld.idx.msk [tilespmem:v27+s3+$0x0], $0xffff;
	v31 =	vor.u32 v21, v31;
	v52 =	vsel vm0, $0x1, v0;
	vm0 =	vle.f32 v48, v14  }
0x2c2: {  	v42 =	vadd.s32 v60, v42;
	v60 =	vld.idx.msk [tilespmem:v27+s17+$0x0], $0xffff;
	v48 =	vsel vm0, $0x1, v0;
	vm0 =	vle.f32 v50, v9  }
0x2c3: {  	v37 =	vld.idx.msk [tilespmem:v23+s3+$0x0], $0xffff;
	v43 =	vadd.s32 v43, v45;
	v50 =	vsel vm0, $0x1, v0;
	vm0 =	vle.f32 v61, v9  }
0x2c4: {  	v45 =	vld.idx.msk [tilespmem:v23+s17+$0x0], $0xffff;
	v32 =	vadd.s32 v52, v48;
	v61 =	vsel vm0, $0x1, v0;
	vm0 =	vle.f32 v62, v13  }
0x2c5: {  	v52 =	vld.idx.msk [tilespmem:v24+s3+$0x0], $0xffff;
	v48 =	vadd.s32 v33, v44;
	v62 =	vsel vm0, $0x1, v0;
	vm0 =	vle.f32 v63, v13  }
0x2c6: {  	s31 =	sadd.s32 $0x1, s22;
	v33 =	vadd.s32 v50, v61;
	v50 =	vld.idx.msk [tilespmem:v24+s17+$0x0], $0xffff;
	v63 =	vsel vm0, $0x1, v0;
	vm0 =	vle.f32 v56, v10  }
0x2c7: {  	s7 =	simm.s32 $0x8;
	s6 =	simm.s32 $0x16640;
	s9 =	simm.s32 $0x12740;
	[tilespmem:s5+$0xFFFFFFD0] =	vst v40;
	v51 =	vld.idx.msk [tilespmem:v25+s18+$0x0], $0xffff;
	v34 =	vadd.s32 v62, v63;
	v40 =	vsel vm0, $0x1, v0;
	vm0 =	vle.f32 v60, v10  }
.LBB2_13:
0x2c8: {  	v44 =	vld [tilespmem:s9+$0xFFFFFFF0];
	v53 =	vsel vm0, $0x1, v0;
	vm0 =	vle.f32 v37, v11;
	v41 =	vadd.s32 v8, v41;
	v8 =	vmovc v30  }
0x2c9: {  	v30 =	vld [tilespmem:s9+$0x0];
	v37 =	vadd.s32 v40, v53;
	v53 =	vsel vm0, $0x1, v0;
	vm0 =	vle.f32 v45, v11;
	[tilespmem:s5+$0xFFFFFFE0] =	vst v41  }
0x2ca: {  	v45 =	vld [tilespmem:s9+$0x10];
	v41 =	vsel vm0, $0x1, v0;
	vm0 =	vle.f32 v52, v12;
	v52 =	vadd.s32 v5, v38;
	v5 =	vmovc v29  }
0x2cb: {  	v40 =	vld [tilespmem:s9+$0x20];
	v38 =	vadd.s32 v53, v41;
	v29 =	vsel vm0, $0x1, v0;
	vm0 =	vle.f32 v50, v12;
	[tilespmem:s5+$0xFFFFFFF0] =	vst v52  }
0x2cc: {  	v47 =	vadd.s32 v4, v47;
	v4 =	vmovc v28;
	vm1 =	vle.f32 v39, v16;
	v41 =	vld [tilespmem:s9+$0x30];
	v16 =	vsel vm0, $0x1, v0  }
0x2cd: {  	v50 =	vsel vm1, $0x1, v0;
	vm0 =	vle.f32 v51, v15;
	v28 =	vld [tilespmem:s9+$0xFFFFFFE0];
	v39 =	vadd.s32 v29, v16;
	[tilespmem:s5+$0x0] =	vst v47  }
0x2ce: {  	v46 =	vadd.s32 v3, v46;
	v3 =	vmovc v27;
	v29 =	vadd.s32 v50, v42;
	v42 =	vsel vm0, $0x1, v0;
	v15 =	vld [tilespmem:s9+$0xFFFFFFD0]  }
0x2cf: {  	v27 =	vadd.s32 v35, v29;
	v29 =	vadd.s32 v42, v43;
	v35 =	vadd.s32 v7, v48;
	v16 =	vld [tilespmem:s9+$0xFFFFFFC0];
	[tilespmem:s5+$0x10] =	vst v46  }
0x2d0: {  	s7 =	sadd.s32 $0x8, s7;
	v43 =	vadd.s32 v26, v27;
	v26 =	vadd.s32 v36, v29;
	v29 =	vadd.s32 v6, v49;
	s5 =	sadd.s32 $0x80, s5;
	v27 =	vld.idx.msk [tilespmem:v8+s18+$0x0], $0xffff  }
0x2d1: {  	p0 =	slt.u32 s7, $0x1F8;
	v42 =	vadd.f32 $0.0e+00, v30;
	v7 =	vmovc v23;
	v36 =	vadd.f32 $0.0e+00, v44;
	v47 =	vadd.s32 v25, v26;
	[tilespmem:s5+$0xFFFFFFC0] =	vst v43;
	v25 =	vld.idx.msk [tilespmem:v5+s18+$0x0], $0xffff  }
0x2d2: {  	v6 =	vmov v24;
	v26 =	vadd.f32 $0.0e+00, v45;
	v43 =	vadd.f32 $0.0e+00, v40;
	[tilespmem:s5+$0xFFFFFFD0] =	vst v47;
	v46 =	vld.idx.msk [tilespmem:v4+s18+$0x0], $0xffff  }
0x2d3: {  	v48 =	vadd.f32 $0.0e+00, v41;
	v47 =	vadd.f32 $0.0e+00, v28;
	v49 =	vld.idx.msk [tilespmem:v3+s18+$0x0], $0xffff;
	[tilespmem:s6+$0x20] =	vst v35  }
0x2d4: {  	v51 =	vshra.s32 v36, $0x1F;
	v50 =	vadd.f32 $0.0e+00, v15;
	v35 =	vadd.f32 $0.0e+00, v16;
	v52 =	vld.idx.msk [tilespmem:v23+s18+$0x0], $0xffff;
	[tilespmem:s6+$0x30] =	vst v29;
	s6 =	smov.u32 s5  }
0x2d5: {  	v53 =	vshra.s32 v43, $0x1F;
	v23 =	vshra.s32 v42, $0x1F;
	v29 =	vshra.s32 v26, $0x1F;
	v54 =	vld.idx.msk [tilespmem:v24+s18+$0x0], $0xffff  }
0x2d6: {  	v56 =	vshra.s32 v48, $0x1F;
	v55 =	vshra.s32 v47, $0x1F;
	v24 =	vshra.s32 v50, $0x1F  }
0x2d7: {  	v51 =	vor.u32 $0x80000000, v51;
	v23 =	vor.u32 $0x80000000, v23;
	v57 =	vshra.s32 v35, $0x1F  }
0x2d8: {  	v53 =	vor.u32 $0x80000000, v53;
	v29 =	vor.u32 $0x80000000, v29;
	v57 =	vor.u32 $0x80000000, v57  }
0x2d9: {  	v56 =	vor.u32 $0x80000000, v56;
	v24 =	vor.u32 $0x80000000, v24;
	v35 =	vxor.u32 v35, v57  }
0x2da: {  	v24 =	vxor.u32 v50, v24;
	v50 =	vor.u32 $0x80000000, v55;
	v57 =	vshrl.u32 v35, $0xF  }
0x2db: {  	v47 =	vxor.u32 v47, v50;
	v55 =	vand.u32 $0xFFFF, v57;
	v57 =	vshrl.u32 v24, $0xF  }
0x2dc: {  	v36 =	vxor.u32 v36, v51;
	v50 =	vand.u32 $0xFFFF, v57;
	v57 =	vshrl.u32 v47, $0xF  }
0x2dd: {  	v23 =	vxor.u32 v42, v23;
	v51 =	vand.u32 $0xFFFF, v57;
	v57 =	vshrl.u32 v36, $0xF  }
0x2de: {  	v26 =	vxor.u32 v26, v29;
	v42 =	vand.u32 $0xFFFF, v57;
	v57 =	vshrl.u32 v23, $0xF  }
0x2df: {  	v43 =	vxor.u32 v43, v53;
	v29 =	vand.u32 $0xFFFF, v57;
	v57 =	vshrl.u32 v26, $0xF  }
0x2e0: {  	v48 =	vxor.u32 v48, v56;
	v53 =	vld.idx.msk [tilespmem:v55+s20+$0x0], $0xffff;
	v55 =	vand.u32 $0xFFFF, v57;
	v57 =	vshrl.u32 v43, $0xF  }
0x2e1: {  	vm0 =	vle.f32 v27, v14;
	v14 =	vmovc v28;
	v50 =	vld.idx.msk [tilespmem:v50+s20+$0x0], $0xffff;
	v56 =	vand.u32 $0xFFFF, v57;
	v57 =	vshrl.u32 v48, $0xF  }
0x2e2: {  	vm1 =	vle.f32 v25, v9;
	v9 =	vmovc v44;
	vm2 =	vle.f32 v46, v13;
	v27 =	vld.idx.msk [tilespmem:v51+s20+$0x0], $0xffff;
	v28 =	vand.u32 $0xFFFF, v57  }
0x2e3: {  	v13 =	vmovc v30;
	vm3 =	vle.f32 v49, v10;
	v10 =	vmovc v45;
	v36 =	vshrl.u32 v36, $0x1B;
	v23 =	vshrl.u32 v23, $0x1B;
	v42 =	vld.idx.msk [tilespmem:v42+s20+$0x0], $0xffff  }
0x2e4: {  	v44 =	vshrl.u32 v26, $0x1B;
	v25 =	vshrl.u32 v35, $0x1B;
	v43 =	vshrl.u32 v43, $0x1B;
	v35 =	vld.idx.msk [tilespmem:v29+s20+$0x0], $0xffff  }
0x2e5: {  	v46 =	vshrl.u32 v48, $0x1B;
	v25 =	vand.u32 $0x10, v25;
	v24 =	vshrl.u32 v24, $0x1B;
	v45 =	vld.idx.msk [tilespmem:v55+s20+$0x0], $0xffff  }
0x2e6: {  	v24 =	vand.u32 $0x10, v24;
	v29 =	vshrl.u32 v47, $0x1B;
	v25 =	vshrl.u32 v53, v25;
	v47 =	vld.idx.msk [tilespmem:v56+s20+$0x0], $0xffff  }
0x2e7: {  	v29 =	vand.u32 $0x10, v29;
	v26 =	vand.u32 $0xFFFF, v25;
	v24 =	vshrl.u32 v50, v24;
	v48 =	vld.idx.msk [tilespmem:v28+s20+$0x0], $0xffff  }
0x2e8: {  	v25 =	vand.u32 $0xFFFF, v24;
	v24 =	vshrl.u32 v27, v29;
	v27 =	vand.u32 $0x10, v36  }
0x2e9: {  	v23 =	vand.u32 $0x10, v23;
	v30 =	vand.u32 $0xFFFF, v24;
	v24 =	vshrl.u32 v42, v27  }
0x2ea: {  	v29 =	vand.u32 $0xFFFF, v24;
	v23 =	vshrl.u32 v35, v23;
	v24 =	vand.u32 $0x10, v44  }
0x2eb: {  	v28 =	vand.u32 $0xFFFF, v23;
	v23 =	vshrl.u32 v45, v24;
	v24 =	vand.u32 $0x10, v43  }
0x2ec: {  	v27 =	vand.u32 $0xFFFF, v23;
	v23 =	vshrl.u32 v47, v24;
	v24 =	vand.u32 $0x10, v46;
	v35 =	vld.idx.msk [tilespmem:v26+s19+$0x0], $0xffff  }
0x2ed: {  	vm4 =	vle.f32 v52, v11;
	v11 =	vmovc v40;
	v23 =	vand.u32 $0xFFFF, v23;
	v24 =	vshrl.u32 v48, v24;
	v36 =	vld.idx.msk [tilespmem:v25+s19+$0x0], $0xffff  }
0x2ee: {  	v42 =	vsel vm0, $0x1, v0;
	vm0 =	vle.f32 v54, v12;
	v12 =	vmovc v41;
	v24 =	vand.u32 $0xFFFF, v24;
	v40 =	vld.idx.msk [tilespmem:v30+s19+$0x0], $0xffff  }
0x2ef: {  	v41 =	vsel vm1, $0x1, v0;
	v44 =	vsel vm2, $0x1, v0;
	v45 =	vsel vm3, $0x1, v0;
	v43 =	vld.idx.msk [tilespmem:v29+s19+$0x0], $0xffff  }
0x2f0: {  	v32 =	vadd.s32 v42, v32;
	v42 =	vsel vm4, $0x1, v0;
	v47 =	vsel vm0, $0x1, v0;
	v46 =	vld.idx.msk [tilespmem:v28+s19+$0x0], $0xffff  }
0x2f1: {  	v33 =	vadd.s32 v41, v33;
	v34 =	vadd.s32 v44, v34;
	v44 =	vadd.s32 v45, v37;
	v48 =	vld.idx.msk [tilespmem:v27+s19+$0x0], $0xffff  }
0x2f2: {  	v49 =	vadd.s32 v42, v38;
	v51 =	vadd.s32 v47, v39;
	vm0 =	vle.f32 v35, v16;
	v37 =	vld.idx.msk [tilespmem:v23+s19+$0x0], $0xffff  }
0x2f3: {  	v41 =	vadd.s32 v22, v32;
	v35 =	vsel vm0, $0x1, v0;
	vm0 =	vle.f32 v36, v15;
	v38 =	vld.idx.msk [tilespmem:v24+s19+$0x0], $0xffff  }
0x2f4: {  	v22 =	vor.u32 v35, v31;
	v36 =	vsel vm0, $0x1, v0;
	vm0 =	vle.f32 v40, v14;
	v32 =	vld.idx.msk [tilespmem:v26+s3+$0x0], $0xffff  }
0x2f5: {  	v39 =	vor.u32 v36, v22;
	v22 =	vsel vm0, $0x1, v0;
	vm0 =	vle.f32 v43, v9;
	v31 =	vld.idx.msk [tilespmem:v26+s17+$0x0], $0xffff  }
0x2f6: {  	v39 =	vor.u32 v22, v39;
	v42 =	vsel vm0, $0x1, v0;
	vm0 =	vle.f32 v46, v13;
	v40 =	vld.idx.msk [tilespmem:v25+s3+$0x0], $0xffff  }
0x2f7: {  	v39 =	vor.u32 v42, v39;
	v45 =	vsel vm0, $0x1, v0;
	vm0 =	vle.f32 v48, v10;
	v43 =	vld.idx.msk [tilespmem:v25+s17+$0x0], $0xffff  }
0x2f8: {  	v39 =	vor.u32 v45, v39;
	v48 =	vsel vm0, $0x1, v0;
	vm0 =	vle.f32 v37, v11;
	v46 =	vld.idx.msk [tilespmem:v30+s3+$0x0], $0xffff  }
0x2f9: {  	v39 =	vor.u32 v48, v39;
	v50 =	vsel vm0, $0x1, v0;
	vm0 =	vle.f32 v38, v12;
	v37 =	vld.idx.msk [tilespmem:v30+s17+$0x0], $0xffff  }
0x2fa: {  	vm1 =	vle.f32 v32, v16;
	v38 =	vor.u32 v50, v39;
	v53 =	vsel vm0, $0x1, v0;
	v32 =	vld.idx.msk [tilespmem:v29+s3+$0x0], $0xffff  }
0x2fb: {  	v39 =	vsel vm1, $0x1, v0;
	vm0 =	vle.f32 v31, v16;
	v31 =	vor.u32 v53, v38;
	v52 =	vld.idx.msk [tilespmem:v29+s17+$0x0], $0xffff  }
0x2fc: {  	v38 =	vadd.s32 v17, v33;
	v17 =	vmovc v42;
	v47 =	vsel vm0, $0x1, v0;
	vm0 =	vle.f32 v40, v15;
	v40 =	vld.idx.msk [tilespmem:v28+s3+$0x0], $0xffff  }
0x2fd: {  	v42 =	vadd.s32 v39, v47;
	v33 =	vsel vm0, $0x1, v0;
	vm0 =	vle.f32 v43, v15;
	v39 =	vld.idx.msk [tilespmem:v28+s17+$0x0], $0xffff  }
0x2fe: {  	v47 =	vadd.s32 v18, v34;
	v18 =	vmovc v45;
	v43 =	vsel vm0, $0x1, v0;
	vm0 =	vle.f32 v46, v14;
	v54 =	vld.idx.msk [tilespmem:v27+s3+$0x0], $0xffff  }
0x2ff: {  	v43 =	vadd.s32 v33, v43;
	v33 =	vsel vm0, $0x1, v0;
	vm0 =	vle.f32 v37, v14;
	v55 =	vld.idx.msk [tilespmem:v27+s17+$0x0], $0xffff  }
0x300: {  	v46 =	vadd.s32 v19, v44;
	v19 =	vmovc v48;
	v34 =	vsel vm0, $0x1, v0;
	vm0 =	vle.f32 v32, v9;
	v37 =	vld.idx.msk [tilespmem:v23+s3+$0x0], $0xffff  }
.Ltmp10:
0x301: {  	v32 =	vadd.s32 v33, v34;
	v33 =	vsel vm0, $0x1, v0;
	vm0 =	vle.f32 v52, v9;
	v45 =	vld.idx.msk [tilespmem:v23+s17+$0x0], $0xffff;
	(pc) =	sbr.rel @p0 .LBB2_13-.Ltmp10, $4  }
0x302: {  	v48 =	vadd.s32 v20, v49;
	v20 =	vmovc v50;
	v34 =	vsel vm0, $0x1, v0;
	vm0 =	vle.f32 v40, v13;
	v52 =	vld.idx.msk [tilespmem:v24+s3+$0x0], $0xffff  }
0x303: {  	v33 =	vadd.s32 v33, v34;
	v34 =	vsel vm0, $0x1, v0;
	vm0 =	vle.f32 v39, v13;
	v50 =	vld.idx.msk [tilespmem:v24+s17+$0x0], $0xffff  }
0x304: {  	v49 =	vadd.s32 v21, v51;
	v21 =	vmovc v53;
	v40 =	vsel vm0, $0x1, v0;
	vm0 =	vle.f32 v54, v10;
	v39 =	vld.idx.msk [tilespmem:v26+s18+$0x0], $0xffff  }
0x305: {  	s9 =	sadd.s32 $0x80, s9;
	v34 =	vadd.s32 v34, v40;
	v40 =	vsel vm0, $0x1, v0;
	vm0 =	vle.f32 v55, v10;
	v51 =	vld.idx.msk [tilespmem:v25+s18+$0x0], $0xffff  }
0x306: {  	vm1 =	veq.s32 v31, $0x0  }
0x307: {  	v31 =	vsel vm1, $0x0, v1  }
0x308: {  	(xrf0) =	vmax.scan.msk.f32 $0xffff, v31;
	_ =	sdelay $0x5  }
0x309: {  	v44, _, _ =	vpop (xrf0)  }
0x30a: {  	v53 =	vsel vm0, $0x1, v0;
	v55 =	vld.idx.msk [tilespmem:v30+s18+$0x0], $0xffff;
	(v2sf) =	vpush v44, $0xF  }
0x30b: {  	vm7 =	vle.f32 v37, v11;
	v8 =	vadd.s32 v8, v41;
	vm8 =	vle.f32 v45, v11;
	v56 =	vld.idx.msk [tilespmem:v29+s18+$0x0], $0xffff  }
0x30c: {  	v5 =	vadd.s32 v5, v38;
	v58 =	vld.idx.msk [tilespmem:v28+s18+$0x0], $0xffff;
	v4 =	vadd.s32 v4, v47;
	v3 =	vadd.s32 v3, v46  }
0x30d: {  	v60 =	vld.idx.msk [tilespmem:v27+s18+$0x0], $0xffff;
	v7 =	vadd.s32 v7, v48;
	v6 =	vadd.s32 v6, v49;
	v37 =	vsel vm7, $0x1, v0  }
0x30e: {  	v63 =	vld.idx.msk [tilespmem:v23+s18+$0x0], $0xffff;
	v54 =	vsel vm8, $0x1, v0;
	vm9 =	vle.f32 v52, v12;
	v31 =	vadd.s32 v40, v53  }
0x30f: {  	v37 =	vadd.s32 v37, v54;
	v57 =	vsel vm9, $0x1, v0;
	vm10 =	vle.f32 v50, v12  }
0x310: {  	vm11 =	vle.f32 v39, v16;
	v59 =	vsel vm10, $0x1, v0;
	vm12 =	vle.f32 v51, v15  }
0x311: {  	[tilespmem:s5+$0xFFFFFFE0] =	vst v8;
	v61 =	vsel vm11, $0x1, v0;
	v39 =	vadd.s32 v57, v59;
	v62 =	vsel vm12, $0x1, v0  }
0x312: {  	v50 =	vld.idx.msk [tilespmem:v24+s18+$0x0], $0xffff;
	v42 =	vadd.s32 v61, v42;
	vm13 =	vle.f32 v55, v14;
	vm14 =	vle.f32 v56, v9  }
0x313: {  	[tilespmem:s5+$0xFFFFFFF0] =	vst v5;
	vm2 =	vle.f32 v58, v13;
	vm3 =	vle.f32 v60, v10;
	vm4 =	vle.f32 v63, v11  }
0x314: {  	[tilespmem:s5+$0x10] =	vst v3;
	v40 =	vadd.s32 v62, v43;
	v51 =	vadd.s32 v35, v42;
	v3 =	vsel vm13, $0x1, v0  }
0x315: {  	[tilespmem:s5+$0x0] =	vst v4;
	v55 =	vsel vm14, $0x1, v0;
	v56 =	vsel vm2, $0x1, v0;
	v57 =	vsel vm3, $0x1, v0  }
0x316: {  	[tilespmem:s6+$0x20] =	vst v7;
	v58 =	vsel vm4, $0x1, v0;
	v52 =	vadd.s32 v36, v40;
	v53 =	vadd.s32 v26, v51  }
0x317: {  	s7 =	sadd.s32 $0x80, s5;
	[tilespmem:s6+$0x30] =	vst v6;
	vm15 =	vle.f32 v50, v12;
	v3 =	vadd.s32 v3, v32;
	v4 =	vadd.s32 v55, v33  }
0x318: {  	v5 =	vadd.s32 v56, v34;
	v54 =	vadd.s32 v25, v52;
	[tilespmem:s7+$0xFFFFFFC0] =	vst v53;
	v3 =	vadd.s32 v22, v3  }
0x319: {  	v60 =	vadd.s32 v57, v31;
	v4 =	vadd.s32 v17, v4;
	[tilespmem:s7+$0xFFFFFFD0] =	vst v54;
	v3 =	vadd.s32 v30, v3;
	s9 =	spop (v2sf)  }
0x31a: {  	v59 =	vsel vm15, $0x1, v0;
	v5 =	vadd.s32 v18, v5;
	[tilespmem:s7+$0xFFFFFFE0] =	vst v3;
	v3 =	vadd.s32 v29, v4;
	p0 =	sgt.f32 s9, $0.0e+00  }
.Ltmp11:
0x31b: {  	v6 =	vadd.s32 v19, v60;
	v62 =	vadd.s32 v59, v39;
	[tilespmem:s7+$0xFFFFFFF0] =	vst v3;
	v3 =	vadd.s32 v28, v5;
	(pc) =	sbr.rel @!p0 .LBB2_18-.Ltmp11, $4  }
0x31c: {  	v61 =	vadd.s32 v58, v37;
	v5 =	vadd.s32 v21, v62;
	[tilespmem:s7+$0x0] =	vst v3;
	v3 =	vadd.s32 v27, v6  }
0x31d: {  	v4 =	vadd.s32 v20, v61;
	v63 =	vadd.s32 v24, v5;
	[tilespmem:s7+$0x10] =	vst v3  }
0x31e: {  	v3 =	vadd.s32 v23, v4;
	[tilespmem:s7+$0x30] =	vst v63  }
0x31f: {  	[tilespmem:s7+$0x20] =	vst v3  }
0x320: {  	_ =	sdelay $0x3  }
0x321: {  	s5 =	simm.s32 $0x12620;
	v5 =	vld.idx.msk [tilespmem:v2+s3+$0x0], $0xffff  }
0x322: {  	v13 =	vld [tilespmem:s5+$0x10];
	_ =	sdelay $0x4  }
0x323: {  	v4 =	vld [tilespmem:s5+$0xFFFFFFF0];
	vm0 =	vle.f32 v5, v13  }
0x324: {  	v3 =	vld [tilespmem:s5+$0x0];
	v7 =	vsel vm0, $0x80, v0  }
0x325: {  	v6 =	vor.u32 $0x3F, v7;
	_ =	sdelay $0x2  }
0x326: {  	v19 =	vld [tilespmem:s5+$0xFFFFFFE0];
	vm0 =	vle.f32 v5, v4  }
0x327: {  	v16 =	vsel vm0, $0x80, v0;
	vm0 =	vle.f32 v5, v3  }
0x328: {  	v8 =	vor.u32 $0x3F, v16;
	v20 =	vsel vm0, $0x80, v0;
	v6 =	vld.idx.msk [tilespmem:v6+s3+$0x0], $0xffff  }
0x329: {  	v9 =	vor.u32 $0x3F, v20;
	_ =	sdelay $0x1  }
0x32a: {  	vm0 =	vle.f32 v5, v19  }
0x32b: {  	v17 =	vsel vm0, $0x80, v0  }
0x32c: {  	v5 =	vor.u32 $0x3F, v17;
	v8 =	vld.idx.msk [tilespmem:v8+s3+$0x0], $0xffff;
	vm0 =	vle.f32 v6, v13  }
0x32d: {  	v6 =	vld.idx.msk [tilespmem:v9+s3+$0x0], $0xffff;
	v9 =	vsel vm0, $0x40, v0  }
0x32e: {  	v10 =	vor.u32 v9, v7  }
0x32f: {  	v10 =	vor.u32 $0x1F, v10;
	_ =	sdelay $0x1  }
0x330: {  	v5 =	vld.idx.msk [tilespmem:v5+s3+$0x0], $0xffff;
	vm0 =	vle.f32 v8, v4  }
0x331: {  	v8 =	vsel vm0, $0x40, v0;
	vm0 =	vle.f32 v6, v3  }
0x332: {  	v6 =	vor.u32 v8, v16;
	v11 =	vsel vm0, $0x40, v0  }
0x333: {  	v6 =	vor.u32 $0x1F, v6;
	v12 =	vor.u32 v11, v20;
	v10 =	vld.idx.msk [tilespmem:v10+s3+$0x0], $0xffff  }
0x334: {  	v12 =	vor.u32 $0x1F, v12  }
0x335: {  	vm0 =	vle.f32 v5, v19  }
0x336: {  	v5 =	vsel vm0, $0x40, v0  }
0x337: {  	v14 =	vor.u32 v5, v17  }
0x338: {  	v14 =	vor.u32 $0x1F, v14;
	v6 =	vld.idx.msk [tilespmem:v6+s3+$0x0], $0xffff;
	vm0 =	vle.f32 v10, v13  }
0x339: {  	v10 =	vld.idx.msk [tilespmem:v12+s3+$0x0], $0xffff;
	v12 =	vsel vm0, $0x20, v0  }
0x33a: {  	v9 =	vor.u32 v9, v12  }
0x33b: {  	v12 =	vor.u32 v7, v9  }
0x33c: {  	v15 =	vor.u32 $0xF, v12  }
0x33d: {  	v14 =	vld.idx.msk [tilespmem:v14+s3+$0x0], $0xffff  }
0x33e: {  	vm0 =	vle.f32 v6, v4  }
0x33f: {  	v6 =	vsel vm0, $0x20, v0;
	vm0 =	vle.f32 v10, v3  }
0x340: {  	v8 =	vor.u32 v8, v6;
	v6 =	vsel vm0, $0x20, v0  }
0x341: {  	v10 =	vor.u32 v11, v6;
	v11 =	vor.u32 v16, v8;
	v15 =	vld.idx.msk [tilespmem:v15+s3+$0x0], $0xffff  }
0x342: {  	vm0 =	vle.f32 v14, v19;
	v6 =	vor.u32 $0xF, v11  }
0x343: {  	v18 =	vsel vm0, $0x20, v0;
	v22 =	vor.u32 v20, v10  }
0x344: {  	v28 =	vor.u32 v5, v18;
	v14 =	vor.u32 $0xF, v22  }
0x345: {  	v27 =	vld.idx.msk [tilespmem:v2+s3+$0x0], $0xffff;
	s7 =	simm.s32 $0x12660;
	v23 =	vor.u32 v17, v28  }
0x346: {  	v21 =	vld [tilespmem:s7+$0x10];
	v18 =	vor.u32 $0xF, v23;
	vm0 =	vle.f32 v15, v13  }
0x347: {  	v6 =	vld.idx.msk [tilespmem:v6+s3+$0x0], $0xffff;
	v15 =	vsel vm0, $0x10, v0  }
0x348: {  	v5 =	vor.u32 v15, v12  }
0x349: {  	v14 =	vld.idx.msk [tilespmem:v14+s3+$0x0], $0xffff;
	v25 =	vor.u32 $0x7, v5  }
0x34a: {  	v5 =	vld [tilespmem:s7+$0xFFFFFFF0]  }
0x34b: {  	v26 =	vld.idx.msk [tilespmem:v18+s3+$0x0], $0xffff  }
0x34c: {  	vm1 =	vle.f32 v27, v21;
	vm0 =	vle.f32 v6, v4;
	v6 =	vld [tilespmem:s7+$0x0]  }
0x34d: {  	v24 =	vld [tilespmem:s7+$0xFFFFFFE0];
	v18 =	vsel vm1, $0x80, v0;
	v30 =	vsel vm0, $0x10, v0  }
0x34e: {  	v32 =	vor.u32 $0x3F, v18;
	vm0 =	vle.f32 v14, v3;
	v14 =	vor.u32 v30, v11;
	v31 =	vld.idx.msk [tilespmem:v25+s3+$0x0], $0xffff  }
0x34f: {  	v14 =	vor.u32 $0x7, v14;
	vm2 =	vle.f32 v27, v5  }
0x350: {  	vm1 =	vle.f32 v26, v19;
	v25 =	vsel vm2, $0x80, v0  }
0x351: {  	v33 =	vsel vm0, $0x10, v0;
	vm0 =	vle.f32 v27, v6;
	v34 =	vor.u32 $0x3F, v25  }
0x352: {  	v35 =	vsel vm1, $0x10, v0;
	v26 =	vsel vm0, $0x80, v0;
	vm0 =	vle.f32 v27, v24  }
0x353: {  	v32 =	vld.idx.msk [tilespmem:v32+s3+$0x0], $0xffff;
	v27 =	vor.u32 $0x3F, v26;
	v29 =	vsel vm0, $0x80, v0;
	vm0 =	vle.f32 v31, v13  }
0x354: {  	v14 =	vld.idx.msk [tilespmem:v14+s3+$0x0], $0xffff;
	v36 =	vor.u32 $0x3F, v29;
	v31 =	vor.u32 v33, v22;
	v37 =	vsel vm0, $0x8, v0  }
0x355: {  	v38 =	vor.u32 v35, v23;
	v31 =	vor.u32 $0x7, v31;
	v15 =	vor.u32 v15, v37  }
0x356: {  	v60 =	vor.u32 $0x7, v38;
	v34 =	vld.idx.msk [tilespmem:v34+s3+$0x0], $0xffff;
	v12 =	vor.u32 v15, v12  }
0x357: {  	v12 =	vor.u32 $0x3, v12  }
0x358: {  	v27 =	vld.idx.msk [tilespmem:v27+s3+$0x0], $0xffff  }
0x359: {  	vm0 =	vle.f32 v32, v21;
	v36 =	vld.idx.msk [tilespmem:v36+s3+$0x0], $0xffff;
	vm1 =	vle.f32 v14, v4  }
0x35a: {  	v14 =	vsel vm0, $0x40, v0;
	v62 =	vsel vm1, $0x8, v0;
	v31 =	vld.idx.msk [tilespmem:v31+s3+$0x0], $0xffff  }
0x35b: {  	v61 =	vld.idx.msk [tilespmem:v60+s3+$0x0], $0xffff;
	v44 =	vor.u32 v14, v18;
	v30 =	vor.u32 v30, v62;
	vm2 =	vle.f32 v34, v5  }
0x35c: {  	v38 =	vor.u32 $0x1F, v44;
	v11 =	vor.u32 v30, v11;
	v63 =	vsel vm2, $0x40, v0;
	v12 =	vld.idx.msk [tilespmem:v12+s3+$0x0], $0xffff  }
0x35d: {  	vm0 =	vle.f32 v27, v6;
	v11 =	vor.u32 $0x3, v11;
	v27 =	vor.u32 v63, v25  }
0x35e: {  	v39 =	vsel vm0, $0x40, v0;
	vm0 =	vle.f32 v36, v24;
	v27 =	vor.u32 $0x1F, v27  }
0x35f: {  	v36 =	vsel vm0, $0x40, v0;
	vm1 =	vle.f32 v31, v3;
	v31 =	vor.u32 v39, v26  }
0x360: {  	vm0 =	vle.f32 v61, v19;
	v45 =	vor.u32 v36, v29;
	v31 =	vor.u32 $0x1F, v31  }
0x361: {  	v40 =	vsel vm0, $0x8, v0;
	v32 =	vor.u32 $0x1F, v45;
	vm0 =	vle.f32 v12, v13  }
0x362: {  	v38 =	vld.idx.msk [tilespmem:v38+s3+$0x0], $0xffff;
	v35 =	vor.u32 v35, v40;
	v46 =	vsel vm0, $0x4, v0  }
0x363: {  	v23 =	vor.u32 v35, v23;
	v27 =	vld.idx.msk [tilespmem:v27+s3+$0x0], $0xffff;
	v47 =	vor.u32 v46, v7  }
0x364: {  	v11 =	vld.idx.msk [tilespmem:v11+s3+$0x0], $0xffff;
	v12 =	vsel vm1, $0x8, v0;
	v23 =	vor.u32 $0x3, v23;
	v9 =	vor.u32 v9, v47  }
0x365: {  	v12 =	vor.u32 v33, v12;
	v31 =	vld.idx.msk [tilespmem:v31+s3+$0x0], $0xffff;
	v9 =	vor.u32 v15, v9  }
0x366: {  	v15 =	vor.u32 v12, v22;
	v22 =	vld.idx.msk [tilespmem:v32+s3+$0x0], $0xffff;
	v48 =	vand.u32 $0x7C, v9  }
0x367: {  	vm0 =	vle.f32 v38, v21;
	v15 =	vor.u32 $0x3, v15;
	v32 =	vor.u32 v48, v7  }
0x368: {  	vm1 =	vle.f32 v27, v5;
	v27 =	vsel vm0, $0x20, v0;
	v32 =	vor.u32 $0x1, v32  }
0x369: {  	v49 =	vld.idx.msk [tilespmem:v23+s3+$0x0], $0xffff;
	v23 =	vsel vm1, $0x20, v0;
	v14 =	vor.u32 v14, v27;
	vm1 =	vle.f32 v11, v4  }
0x36a: {  	vm0 =	vle.f32 v31, v6;
	v23 =	vor.u32 v63, v23;
	v31 =	vor.u32 v18, v14  }
0x36b: {  	v27 =	vsel vm0, $0x20, v0;
	vm0 =	vle.f32 v22, v24;
	v50 =	vor.u32 $0xF, v31  }
0x36c: {  	v37 =	vor.u32 v25, v23;
	v15 =	vld.idx.msk [tilespmem:v15+s3+$0x0], $0xffff;
	v22 =	vor.u32 v39, v27;
	v27 =	vsel vm0, $0x20, v0  }
0x36d: {  	v51 =	vor.u32 $0xF, v37;
	v39 =	vor.u32 v26, v22;
	v27 =	vor.u32 v36, v27  }
0x36e: {  	v41 =	vsel vm1, $0x4, v0;
	v32 =	vld.idx.msk [tilespmem:v32+s3+$0x0], $0xffff;
	v52 =	vor.u32 $0xF, v39;
	v40 =	vor.u32 v29, v27  }
0x36f: {  	v41 =	vor.u32 v41, v16;
	vm0 =	vle.f32 v49, v19;
	v53 =	vor.u32 $0xF, v40  }
0x370: {  	v8 =	vor.u32 v8, v41;
	v11 =	vsel vm0, $0x4, v0;
	v34 =	vld.idx.msk [tilespmem:v50+s3+$0x0], $0xffff  }
0x371: {  	v30 =	vor.u32 v30, v8;
	v11 =	vor.u32 v11, v17;
	vm0 =	vle.f32 v15, v3  }
0x372: {  	v60 =	vand.u32 $0x7C, v30;
	v11 =	vor.u32 v28, v11;
	v15 =	vld.idx.msk [tilespmem:v51+s3+$0x0], $0xffff;
	v28 =	vsel vm0, $0x4, v0  }
0x373: {  	vm1 =	vle.f32 v32, v13;
	v32 =	vor.u32 v35, v11;
	v11 =	vld.idx.msk [tilespmem:v52+s3+$0x0], $0xffff;
	v28 =	vor.u32 v28, v20  }
0x374: {  	v54 =	vsel vm1, $0x2, v0;
	v55 =	vld.idx.msk [tilespmem:v53+s3+$0x0], $0xffff;
	v8 =	vand.u32 $0x7C, v32;
	v10 =	vor.u32 v10, v28  }
0x375: {  	v33 =	vor.u32 v54, v9;
	vm0 =	vle.f32 v34, v21;
	v8 =	vor.u32 v8, v17  }
0x376: {  	v58 =	vld.idx.msk [tilespmem:v2+s3+$0x0], $0xffff;
	s9 =	simm.s32 $0x126A0;
	v9 =	vand.u32 $0x7E, v33;
	v36 =	vsel vm0, $0x10, v0;
	v57 =	vor.u32 $0x1, v8  }
0x377: {  	vm0 =	vle.f32 v15, v5;
	v8 =	vld [tilespmem:s9+$0xFFFFFFF0];
	v56 =	vor.u32 v7, v9;
	v7 =	vor.u32 v36, v31  }
0x378: {  	v9 =	vld [tilespmem:s9+$0x10];
	v15 =	vsel vm0, $0x10, v0;
	vm0 =	vle.f32 v11, v6;
	v11 =	vor.u32 $0x7, v7  }
0x379: {  	v59 =	vor.u32 v15, v37;
	v7 =	vld [tilespmem:s9+$0x0];
	vm1 =	vle.f32 v55, v24;
	v42 =	vsel vm0, $0x10, v0  }
0x37a: {  	v35 =	vor.u32 $0x7, v59;
	v43 =	vsel vm1, $0x10, v0;
	v44 =	vor.u32 v42, v39  }
0x37b: {  	v46 =	vor.u32 v12, v10;
	v10 =	vld [tilespmem:s9+$0xFFFFFFE0];
	v28 =	vor.u32 v43, v40;
	v44 =	vor.u32 $0x7, v44  }
0x37c: {  	v12 =	vor.u32 v60, v16;
	v61 =	vand.u32 $0x7C, v46;
	v45 =	vld.idx.msk [tilespmem:v56+s3+$0x0], $0xffff;
	v28 =	vor.u32 $0x7, v28  }
0x37d: {  	v48 =	vor.u32 $0x1, v12;
	vm0 =	vle.f32 v58, v9;
	v47 =	vld.idx.msk [tilespmem:v11+s3+$0x0], $0xffff;
	v11 =	vor.u32 v61, v20  }
0x37e: {  	v49 =	vld.idx.msk [tilespmem:v57+s3+$0x0], $0xffff;
	v34 =	vsel vm0, $0x80, v0;
	vm0 =	vle.f32 v58, v8;
	vm1 =	vle.f32 v58, v7  }
0x37f: {  	v50 =	vor.u32 $0x3F, v34;
	v35 =	vld.idx.msk [tilespmem:v35+s3+$0x0], $0xffff;
	v51 =	vor.u32 $0x1, v11;
	v12 =	vsel vm0, $0x80, v0  }
0x380: {  	v11 =	vsel vm1, $0x80, v0;
	vm0 =	vle.f32 v58, v10;
	v52 =	vor.u32 $0x3F, v12;
	v44 =	vld.idx.msk [tilespmem:v44+s3+$0x0], $0xffff  }
0x381: {  	v62 =	vor.u32 $0x3F, v11;
	v28 =	vld.idx.msk [tilespmem:v28+s3+$0x0], $0xffff;
	vm1 =	vle.f32 v45, v13;
	v13 =	vsel vm0, $0x80, v0  }
0x382: {  	vm0 =	vle.f32 v47, v21;
	v63 =	vsel vm1, $0x1, v0;
	v53 =	vor.u32 $0x3F, v13  }
0x383: {  	v47 =	vsel vm0, $0x8, v0;
	v38 =	vor.u32 v63, v33;
	vm0 =	vle.f32 v49, v19  }
0x384: {  	v54 =	vld.idx.msk [tilespmem:v50+s3+$0x0], $0xffff;
	vm1 =	vle.f32 v35, v5;
	v36 =	vor.u32 v36, v47;
	v35 =	vsel vm0, $0x2, v0  }
0x385: {  	v55 =	vld.idx.msk [tilespmem:v52+s3+$0x0], $0xffff;
	v56 =	vsel vm1, $0x8, v0;
	v31 =	vor.u32 v36, v31;
	vm0 =	vle.f32 v44, v6  }
0x386: {  	v41 =	vor.u32 v15, v56;
	vm2 =	vle.f32 v28, v24;
	v28 =	vor.u32 $0x3, v31  }
0x387: {  	v32 =	vor.u32 v35, v32;
	v31 =	vld.idx.msk [tilespmem:v62+s3+$0x0], $0xffff;
	v44 =	vsel vm0, $0x8, v0;
	v37 =	vor.u32 v41, v37  }
0x388: {  	v57 =	vsel vm2, $0x8, v0;
	v45 =	vld.idx.msk [tilespmem:v53+s3+$0x0], $0xffff;
	v42 =	vor.u32 v42, v44;
	v37 =	vor.u32 $0x3, v37  }
0x389: {  	v58 =	vld.idx.msk [tilespmem:v51+s3+$0x0], $0xffff;
	v43 =	vor.u32 v43, v57;
	v39 =	vor.u32 v42, v39;
	vm0 =	vle.f32 v54, v9  }
0x38a: {  	v15 =	vld.idx.msk [tilespmem:v48+s3+$0x0], $0xffff;
	v40 =	vor.u32 v43, v40;
	v44 =	vsel vm0, $0x40, v0;
	vm0 =	vle.f32 v55, v8  }
0x38b: {  	v40 =	vor.u32 $0x3, v40;
	v59 =	vor.u32 v44, v34;
	v48 =	vsel vm0, $0x40, v0;
	v28 =	vld.idx.msk [tilespmem:v28+s3+$0x0], $0xffff  }
0x38c: {  	vm0 =	vle.f32 v31, v7;
	v31 =	vor.u32 $0x1F, v59;
	v60 =	vor.u32 v48, v12  }
0x38d: {  	v49 =	vsel vm0, $0x40, v0;
	vm0 =	vle.f32 v45, v10;
	v61 =	vor.u32 $0x1F, v60  }
0x38e: {  	vm1 =	vle.f32 v58, v3;
	v37 =	vld.idx.msk [tilespmem:v37+s3+$0x0], $0xffff;
	v62 =	vor.u32 v49, v11;
	v50 =	vsel vm0, $0x40, v0  }
0x38f: {  	vm0 =	vle.f32 v15, v4;
	v47 =	vor.u32 $0x1F, v62;
	v63 =	vor.u32 v50, v13  }
0x390: {  	v15 =	vsel vm0, $0x2, v0;
	v40 =	vld.idx.msk [tilespmem:v40+s3+$0x0], $0xffff;
	vm2 =	vle.f32 v28, v21;
	v28 =	vor.u32 $0x1F, v63  }
0x391: {  	v39 =	vor.u32 $0x3, v39;
	v55 =	vsel vm1, $0x2, v0;
	v15 =	vor.u32 v15, v30;
	v31 =	vld.idx.msk [tilespmem:v31+s3+$0x0], $0xffff  }
0x392: {  	v30 =	vand.u32 $0x7E, v32;
	v45 =	vand.u32 $0x7E, v15;
	v54 =	vsel vm2, $0x4, v0;
	v56 =	vld.idx.msk [tilespmem:v61+s3+$0x0], $0xffff  }
0x393: {  	v17 =	vor.u32 v17, v30;
	vm0 =	vle.f32 v37, v5;
	v33 =	vor.u32 v54, v18  }
0x394: {  	v60 =	vsel vm0, $0x4, v0;
	v33 =	vor.u32 v14, v33;
	v14 =	vor.u32 v55, v46;
	v57 =	vld.idx.msk [tilespmem:v47+s3+$0x0], $0xffff  }
0x395: {  	v33 =	vor.u32 v36, v33;
	v46 =	vand.u32 $0x7E, v14;
	vm2 =	vle.f32 v40, v24;
	v28 =	vld.idx.msk [tilespmem:v28+s3+$0x0], $0xffff  }
0x396: {  	v58 =	vand.u32 $0x7C, v33;
	vm1 =	vle.f32 v31, v9;
	v61 =	vsel vm2, $0x4, v0  }
0x397: {  	v30 =	vor.u32 v58, v18;
	v31 =	vsel vm1, $0x20, v0;
	vm0 =	vle.f32 v56, v8  }
0x398: {  	v59 =	vor.u32 $0x1, v30;
	v30 =	vor.u32 v44, v31;
	v35 =	vsel vm0, $0x20, v0  }
0x399: {  	v44 =	vor.u32 v34, v30;
	vm0 =	vle.f32 v57, v7;
	v35 =	vor.u32 v48, v35  }
0x39a: {  	v39 =	vld.idx.msk [tilespmem:v39+s3+$0x0], $0xffff;
	v62 =	vor.u32 $0xF, v44;
	v36 =	vsel vm0, $0x20, v0;
	vm0 =	vle.f32 v28, v10  }
0x39b: {  	v48 =	vor.u32 v12, v35;
	v37 =	vor.u32 v49, v36;
	v28 =	vsel vm0, $0x20, v0  }
0x39c: {  	v49 =	vor.u32 v11, v37;
	v36 =	vor.u32 v50, v28;
	v28 =	vor.u32 $0xF, v48  }
0x39d: {  	v47 =	vor.u32 v61, v29;
	v40 =	vld.idx.msk [tilespmem:v59+s3+$0x0], $0xffff;
	v63 =	vor.u32 $0xF, v49;
	v52 =	vor.u32 v13, v36  }
0x39e: {  	v31 =	vor.u32 v60, v25;
	v27 =	vor.u32 v27, v47;
	v53 =	vor.u32 $0xF, v52  }
0x39f: {  	v23 =	vor.u32 v23, v31;
	v27 =	vor.u32 v43, v27;
	vm0 =	vle.f32 v39, v6;
	v54 =	vld.idx.msk [tilespmem:v62+s3+$0x0], $0xffff  }
0x3a0: {  	v43 =	vor.u32 v20, v46;
	v41 =	vor.u32 v41, v23;
	v31 =	vsel vm0, $0x4, v0;
	v59 =	vld.idx.msk [tilespmem:v17+s3+$0x0], $0xffff  }
0x3a1: {  	v55 =	vand.u32 $0x7C, v41;
	v23 =	vor.u32 v31, v26;
	v31 =	vand.u32 $0x7C, v27;
	v28 =	vld.idx.msk [tilespmem:v28+s3+$0x0], $0xffff  }
0x3a2: {  	v22 =	vor.u32 v22, v23;
	v23 =	vor.u32 v31, v29;
	vm0 =	vle.f32 v40, v21;
	v31 =	vld.idx.msk [tilespmem:v63+s3+$0x0], $0xffff  }
0x3a3: {  	s5 =	simm.s32 $0x126E0;
	v39 =	vor.u32 v16, v45;
	v42 =	vor.u32 v42, v22;
	v56 =	vsel vm0, $0x2, v0;
	v57 =	vld.idx.msk [tilespmem:v53+s3+$0x0], $0xffff  }
0x3a4: {  	v17 =	vld [tilespmem:s5+$0x10];
	v60 =	vor.u32 $0x1, v23;
	v33 =	vor.u32 v56, v33;
	vm0 =	vle.f32 v54, v9  }
0x3a5: {  	v40 =	vor.u32 v55, v25;
	v54 =	vld.idx.msk [tilespmem:v2+s3+$0x0], $0xffff;
	v58 =	vand.u32 $0x7E, v33;
	v51 =	vsel vm0, $0x10, v0  }
0x3a6: {  	v16 =	vld [tilespmem:s5+$0xFFFFFFF0];
	v22 =	vor.u32 v18, v58;
	v18 =	vor.u32 v51, v44;
	vm0 =	vle.f32 v28, v8  }
0x3a7: {  	v23 =	vor.u32 $0x7, v18;
	v28 =	vsel vm0, $0x10, v0;
	vm0 =	vle.f32 v31, v7  }
0x3a8: {  	vm1 =	vle.f32 v57, v10;
	v31 =	vor.u32 v28, v48;
	v45 =	vsel vm0, $0x10, v0  }
0x3a9: {  	v18 =	vld [tilespmem:s5+$0x0];
	vm0 =	vle.f32 v59, v19;
	v55 =	vsel vm1, $0x10, v0;
	v31 =	vor.u32 $0x7, v31  }
0x3aa: {  	v19 =	vld [tilespmem:s5+$0xFFFFFFE0];
	v61 =	vor.u32 v45, v49;
	v20 =	vsel vm0, $0x1, v0;
	vm0 =	vle.f32 v54, v17  }
0x3ab: {  	vm1 =	vle.f32 v54, v16;
	v22 =	vld.idx.msk [tilespmem:v22+s3+$0x0], $0xffff;
	v62 =	vor.u32 v55, v52;
	v56 =	vor.u32 $0x7, v61  }
0x3ac: {  	v46 =	vor.u32 v20, v32;
	v20 =	vsel vm1, $0x80, v0;
	v47 =	vor.u32 $0x7, v62;
	v57 =	vld.idx.msk [tilespmem:v23+s3+$0x0], $0xffff  }
0x3ad: {  	v23 =	vsel vm0, $0x80, v0;
	v59 =	vor.u32 $0x3F, v20  }
0x3ae: {  	v53 =	vand.u32 $0x7C, v42;
	v63 =	vld.idx.msk [tilespmem:v60+s3+$0x0], $0xffff;
	v58 =	vor.u32 $0x3F, v23  }
0x3af: {  	v40 =	vor.u32 $0x1, v40;
	v53 =	vor.u32 v53, v26;
	vm0 =	vle.f32 v54, v18;
	v31 =	vld.idx.msk [tilespmem:v31+s3+$0x0], $0xffff  }
0x3b0: {  	v32 =	vor.u32 $0x1, v53;
	vm1 =	vle.f32 v22, v21;
	v21 =	vsel vm0, $0x80, v0;
	v56 =	vld.idx.msk [tilespmem:v56+s3+$0x0], $0xffff  }
0x3b1: {  	vm0 =	vle.f32 v54, v19;
	v22 =	vsel vm1, $0x1, v0;
	v47 =	vld.idx.msk [tilespmem:v47+s3+$0x0], $0xffff;
	vm1 =	vle.f32 v57, v9  }
0x3b2: {  	v60 =	vor.u32 $0x3F, v21;
	v57 =	vld.idx.msk [tilespmem:v59+s3+$0x0], $0xffff;
	v50 =	vor.u32 v22, v33;
	v61 =	vsel vm1, $0x8, v0  }
0x3b3: {  	v22 =	vsel vm0, $0x80, v0;
	vm0 =	vle.f32 v63, v24;
	v53 =	vld.idx.msk [tilespmem:v58+s3+$0x0], $0xffff;
	v51 =	vor.u32 v51, v61  }
0x3b4: {  	v62 =	vor.u32 $0x3F, v22;
	vm1 =	vle.f32 v31, v8;
	v31 =	vsel vm0, $0x2, v0  }
0x3b5: {  	v44 =	vor.u32 v51, v44;
	v63 =	vsel vm1, $0x8, v0;
	vm0 =	vle.f32 v56, v7  }
0x3b6: {  	v32 =	vld.idx.msk [tilespmem:v32+s3+$0x0], $0xffff;
	v44 =	vor.u32 $0x3, v44;
	v31 =	vor.u32 v31, v27;
	vm1 =	vle.f32 v47, v10  }
0x3b7: {  	v33 =	vld.idx.msk [tilespmem:v60+s3+$0x0], $0xffff;
	v60 =	vsel vm0, $0x8, v0;
	v58 =	vor.u32 v28, v63;
	v61 =	vsel vm1, $0x8, v0  }
0x3b8: {  	v47 =	vor.u32 v45, v60;
	vm0 =	vle.f32 v53, v17;
	vm1 =	vle.f32 v57, v16  }
0x3b9: {  	v28 =	vld.idx.msk [tilespmem:v62+s3+$0x0], $0xffff;
	v54 =	vor.u32 v55, v61;
	v62 =	vor.u32 v58, v48;
	v63 =	vor.u32 v47, v49  }
0x3ba: {  	v40 =	vld.idx.msk [tilespmem:v40+s3+$0x0], $0xffff;
	v53 =	vsel vm1, $0x40, v0;
	v59 =	vor.u32 v54, v52;
	v45 =	vor.u32 $0x3, v62  }
0x3bb: {  	vm1 =	vle.f32 v32, v6;
	v52 =	vsel vm0, $0x40, v0;
	v49 =	vor.u32 $0x3, v59;
	v44 =	vld.idx.msk [tilespmem:v44+s3+$0x0], $0xffff  }
0x3bc: {  	v61 =	vor.u32 v53, v20;
	v60 =	vor.u32 v52, v23;
	vm0 =	vle.f32 v33, v18  }
0x3bd: {  	v48 =	vor.u32 $0x3, v63;
	v33 =	vor.u32 $0x1F, v60;
	v56 =	vsel vm0, $0x40, v0  }
0x3be: {  	vm0 =	vle.f32 v28, v19;
	v28 =	vor.u32 $0x1F, v61;
	v62 =	vor.u32 v56, v21  }
0x3bf: {  	v63 =	vsel vm1, $0x2, v0;
	v57 =	vsel vm0, $0x40, v0;
	v55 =	vor.u32 $0x1F, v62;
	v45 =	vld.idx.msk [tilespmem:v45+s3+$0x0], $0xffff  }
0x3c0: {  	vm0 =	vle.f32 v40, v5;
	v27 =	vor.u32 v57, v22;
	v40 =	vld.idx.msk [tilespmem:v49+s3+$0x0], $0xffff;
	vm2 =	vle.f32 v44, v9  }
0x3c1: {  	v32 =	vor.u32 $0x1F, v27;
	v27 =	vsel vm0, $0x2, v0;
	v60 =	vsel vm2, $0x4, v0  }
0x3c2: {  	v33 =	vld.idx.msk [tilespmem:v33+s3+$0x0], $0xffff;
	v27 =	vor.u32 v27, v41;
	v41 =	vand.u32 $0x7E, v31;
	v49 =	vor.u32 v60, v34  }
0x3c3: {  	v59 =	vld.idx.msk [tilespmem:v28+s3+$0x0], $0xffff;
	v28 =	vor.u32 v63, v42;
	v60 =	vand.u32 $0x7E, v27;
	v30 =	vor.u32 v30, v49  }
0x3c4: {  	v49 =	vor.u32 v29, v41;
	v61 =	vld.idx.msk [tilespmem:v55+s3+$0x0], $0xffff;
	v55 =	vand.u32 $0x7E, v28;
	vm0 =	vle.f32 v45, v8  }
0x3c5: {  	v51 =	vor.u32 v51, v30;
	vm1 =	vle.f32 v40, v10;
	v29 =	vsel vm0, $0x4, v0  }
0x3c6: {  	v32 =	vld.idx.msk [tilespmem:v32+s3+$0x0], $0xffff;
	v30 =	vsel vm1, $0x4, v0;
	v40 =	vor.u32 v29, v12;
	v29 =	vand.u32 $0x7C, v51  }
0x3c7: {  	vm0 =	vle.f32 v33, v17;
	v62 =	vor.u32 v30, v13;
	v29 =	vor.u32 v29, v34  }
0x3c8: {  	v30 =	vsel vm0, $0x20, v0;
	v40 =	vor.u32 v35, v40;
	v63 =	vor.u32 $0x1, v29  }
0x3c9: {  	vm1 =	vle.f32 v59, v16;
	v33 =	vor.u32 v52, v30;
	v36 =	vor.u32 v36, v62  }
0x3ca: {  	v48 =	vld.idx.msk [tilespmem:v48+s3+$0x0], $0xffff;
	v29 =	vsel vm1, $0x20, v0;
	vm0 =	vle.f32 v61, v18;
	v44 =	vor.u32 v23, v33  }
0x3cb: {  	v30 =	vor.u32 v53, v29;
	v29 =	vsel vm0, $0x20, v0;
	vm0 =	vle.f32 v32, v19  }
0x3cc: {  	v35 =	vor.u32 v54, v36;
	v61 =	vor.u32 $0xF, v44;
	v32 =	vsel vm0, $0x20, v0  }
0x3cd: {  	v29 =	vor.u32 v56, v29;
	v42 =	vor.u32 v20, v30;
	v32 =	vor.u32 v57, v32;
	v57 =	vld.idx.msk [tilespmem:v63+s3+$0x0], $0xffff  }
0x3ce: {  	v36 =	vor.u32 v58, v40;
	v41 =	vor.u32 v21, v29;
	v53 =	vor.u32 $0xF, v42  }
0x3cf: {  	v40 =	vld.idx.msk [tilespmem:v39+s3+$0x0], $0xffff;
	vm0 =	vle.f32 v48, v7;
	v56 =	vor.u32 $0xF, v41;
	v45 =	vor.u32 v22, v32  }
0x3d0: {  	v39 =	vld.idx.msk [tilespmem:v43+s3+$0x0], $0xffff;
	v43 =	vor.u32 v25, v60;
	v48 =	vsel vm0, $0x4, v0;
	v54 =	vor.u32 $0xF, v45  }
0x3d1: {  	v25 =	vor.u32 v26, v55;
	v52 =	vand.u32 $0x7C, v36;
	v62 =	vor.u32 v48, v11;
	v58 =	vld.idx.msk [tilespmem:v61+s3+$0x0], $0xffff  }
0x3d2: {  	v59 =	vld.idx.msk [tilespmem:v49+s3+$0x0], $0xffff;
	v63 =	vand.u32 $0x7C, v35;
	v37 =	vor.u32 v37, v62;
	vm0 =	vle.f32 v57, v9  }
0x3d3: {  	s7 =	simm.s32 $0x16620;
	v61 =	vor.u32 v52, v12;
	v37 =	vor.u32 v47, v37;
	v52 =	vld.idx.msk [tilespmem:v53+s3+$0x0], $0xffff;
	v57 =	vsel vm0, $0x2, v0  }
0x3d4: {  	[tilespmem:s7+$0x10] =	vst v38;
	v48 =	vor.u32 v63, v13;
	v47 =	vand.u32 $0x7C, v37;
	v38 =	vor.u32 v57, v51;
	v51 =	vld.idx.msk [tilespmem:v56+s3+$0x0], $0xffff  }
0x3d5: {  	v49 =	vor.u32 $0x1, v48;
	v48 =	vor.u32 $0x1, v61;
	v62 =	vor.u32 v47, v11;
	v53 =	vld.idx.msk [tilespmem:v54+s3+$0x0], $0xffff  }
0x3d6: {  	s6 =	simm.s32 $0x16660;
	[tilespmem:s7+$0xFFFFFFE0] =	vst v46;
	v47 =	vor.u32 $0x1, v62;
	vm0 =	vle.f32 v58, v17;
	v63 =	vand.u32 $0x7E, v38  }
0x3d7: {  	s9 =	simm.s32 $0xC;
	[tilespmem:s6+$0x10] =	vst v50;
	v50 =	vsel vm0, $0x10, v0;
	vm0 =	vle.f32 v59, v24;
	v34 =	vor.u32 v34, v63  }
.LBB2_16:
0x3d8: {  	v54 =	vld.idx.msk [tilespmem:v2+s3+$0x0], $0xffff;
	s9 =	sadd.s32 $0x4, s9;
	vm1 =	vle.f32 v52, v16;
	v55 =	vor.u32 v50, v44;
	s5 =	sadd.s32 $0x40, s5;
	vm2 =	vle.f32 v40, v4  }
0x3d9: {  	v4 =	vmovc v5;
	v5 =	vmovc v8;
	v40 =	vld [tilespmem:s5+$0x10];
	p0 =	slt.u32 s9, $0x1FC;
	v52 =	vsel vm1, $0x10, v0;
	vm1 =	vle.f32 v51, v18;
	v46 =	vor.u32 $0x7, v55  }
0x3da: {  	v8 =	vmovc v16;
	v24 =	vmovc v23;
	vm3 =	vle.f32 v53, v19;
	v26 =	vor.u32 v52, v42;
	v51 =	vsel vm1, $0x10, v0;
	v16 =	vld [tilespmem:s5+$0xFFFFFFF0]  }
0x3db: {  	v55 =	vsel vm3, $0x10, v0;
	v53 =	vld [tilespmem:s5+$0x0];
	v56 =	vor.u32 $0x7, v26;
	v23 =	vor.u32 v51, v41  }
0x3dc: {  	vm1 =	vle.f32 v39, v3;
	v3 =	vmovc v6;
	v57 =	vor.u32 v55, v45;
	v58 =	vor.u32 $0x7, v23;
	v59 =	vld.idx.msk [tilespmem:v34+s3+$0x0], $0xffff  }
0x3dd: {  	v6 =	vmovc v7;
	v7 =	vmovc v18;
	v39 =	vor.u32 $0x7, v57;
	v23 =	vsel vm0, $0x1, v0;
	v34 =	vsel vm2, $0x1, v0;
	v26 =	vld [tilespmem:s5+$0xFFFFFFE0]  }
0x3de: {  	vm0 =	vle.f32 v54, v40;
	v57 =	vld.idx.msk [tilespmem:v46+s3+$0x0], $0xffff;
	v46 =	vor.u32 v23, v31;
	v31 =	vsel vm1, $0x1, v0  }
0x3df: {  	v61 =	vor.u32 v34, v15;
	vm1 =	vle.f32 v54, v16;
	v23 =	vsel vm0, $0x80, v0;
	v49 =	vld.idx.msk [tilespmem:v49+s3+$0x0], $0xffff;
	[tilespmem:s6+$0xFFFFFFE0] =	vst v46  }
0x3e0: {  	v34 =	vsel vm1, $0x80, v0;
	vm0 =	vle.f32 v54, v53;
	v60 =	vor.u32 $0x3F, v23;
	v56 =	vld.idx.msk [tilespmem:v56+s3+$0x0], $0xffff;
	[tilespmem:s7+$0xFFFFFFF0] =	vst v61;
	v18 =	vmovc v53  }
0x3e1: {  	v15 =	vmovc v27;
	v31 =	vor.u32 v31, v14;
	v14 =	vmovc v28;
	v53 =	vor.u32 $0x3F, v34;
	v46 =	vsel vm0, $0x80, v0;
	v58 =	vld.idx.msk [tilespmem:v58+s3+$0x0], $0xffff  }
0x3e2: {  	vm1 =	vle.f32 v59, v9;
	vm0 =	vle.f32 v54, v26;
	v27 =	vor.u32 $0x3F, v46;
	v28 =	vld.idx.msk [tilespmem:v39+s3+$0x0], $0xffff;
	[tilespmem:s7+$0x0] =	vst v31;
	s7 =	smov.u32 s6  }
0x3e3: {  	v9 =	vmovc v17;
	v17 =	vmov v40;
	v39 =	vsel vm1, $0x1, v0;
	v54 =	vsel vm0, $0x80, v0;
	v31 =	vld.idx.msk [tilespmem:v48+s3+$0x0], $0xffff  }
0x3e4: {  	s6 =	sadd.s32 $0x40, s6;
	vm0 =	vle.f32 v57, v9;
	v38 =	vor.u32 v39, v38;
	v48 =	vor.u32 $0x3F, v54;
	v47 =	vld.idx.msk [tilespmem:v47+s3+$0x0], $0xffff  }
0x3e5: {  	v39 =	vsel vm0, $0x8, v0;
	vm0 =	vle.f32 v49, v10;
	v57 =	vld.idx.msk [tilespmem:v60+s3+$0x0], $0xffff;
	[tilespmem:s6+$0x10] =	vst v38  }
0x3e6: {  	vm1 =	vle.f32 v56, v8;
	v49 =	vor.u32 v50, v39;
	v50 =	vsel vm0, $0x2, v0;
	v38 =	vld.idx.msk [tilespmem:v53+s3+$0x0], $0xffff  }
0x3e7: {  	v39 =	vsel vm1, $0x8, v0;
	vm0 =	vle.f32 v58, v7;
	v40 =	vor.u32 v49, v44;
	v27 =	vld.idx.msk [tilespmem:v27+s3+$0x0], $0xffff  }
0x3e8: {  	vm1 =	vle.f32 v28, v19;
	v28 =	vsel vm0, $0x8, v0;
	v44 =	vor.u32 $0x3, v40;
	v40 =	vld.idx.msk [tilespmem:v43+s3+$0x0], $0xffff  }
0x3e9: {  	v52 =	vor.u32 v52, v39;
	v51 =	vor.u32 v51, v28;
	v43 =	vld.idx.msk [tilespmem:v48+s3+$0x0], $0xffff;
	v48 =	vsel vm1, $0x8, v0  }
0x3ea: {  	v28 =	vor.u32 v52, v42;
	v41 =	vor.u32 v51, v41;
	v48 =	vor.u32 v55, v48;
	v39 =	vld.idx.msk [tilespmem:v25+s3+$0x0], $0xffff  }
0x3eb: {  	v28 =	vor.u32 $0x3, v28;
	vm0 =	vle.f32 v57, v17;
	v25 =	vor.u32 v48, v45  }
0x3ec: {  	vm1 =	vle.f32 v38, v16;
	v38 =	vsel vm0, $0x40, v0;
	v25 =	vor.u32 $0x3, v25  }
0x3ed: {  	v42 =	vsel vm1, $0x40, v0;
	vm0 =	vle.f32 v27, v18;
	v27 =	vor.u32 v38, v23;
	v44 =	vld.idx.msk [tilespmem:v44+s3+$0x0], $0xffff  }
0x3ee: {  	v45 =	vor.u32 v42, v34;
	v53 =	vsel vm0, $0x40, v0;
	v27 =	vor.u32 $0x1F, v27  }
0x3ef: {  	vm0 =	vle.f32 v43, v26;
	v43 =	vor.u32 $0x1F, v45;
	v45 =	vor.u32 v53, v46  }
0x3f0: {  	v41 =	vor.u32 $0x3, v41;
	v55 =	vsel vm0, $0x40, v0;
	v45 =	vor.u32 $0x1F, v45;
	v56 =	vld.idx.msk [tilespmem:v28+s3+$0x0], $0xffff  }
0x3f1: {  	vm1 =	vle.f32 v47, v6;
	vm0 =	vle.f32 v31, v5;
	v28 =	vor.u32 v55, v54;
	v25 =	vld.idx.msk [tilespmem:v25+s3+$0x0], $0xffff  }
0x3f2: {  	v57 =	vsel vm1, $0x2, v0;
	v47 =	vor.u32 $0x1F, v28;
	v28 =	vsel vm0, $0x2, v0  }
0x3f3: {  	v31 =	vor.u32 v50, v35;
	vm0 =	vle.f32 v44, v9;
	v58 =	vld.idx.msk [tilespmem:v27+s3+$0x0], $0xffff;
	v27 =	vor.u32 v28, v36  }
0x3f4: {  	v36 =	vsel vm0, $0x4, v0;
	v28 =	vor.u32 v57, v37;
	v35 =	vld.idx.msk [tilespmem:v43+s3+$0x0], $0xffff;
	v43 =	vand.u32 $0x7E, v31  }
0x3f5: {  	v36 =	vor.u32 v36, v24;
	v50 =	vand.u32 $0x7E, v27;
	v57 =	vand.u32 $0x7E, v28;
	v37 =	vld.idx.msk [tilespmem:v45+s3+$0x0], $0xffff  }
0x3f6: {  	vm0 =	vle.f32 v56, v8;
	v33 =	vor.u32 v33, v36;
	v36 =	vor.u32 v13, v43;
	v56 =	vld.idx.msk [tilespmem:v41+s3+$0x0], $0xffff  }
0x3f7: {  	v13 =	vmovc v22;
	vm1 =	vle.f32 v25, v19;
	v25 =	vsel vm0, $0x4, v0;
	v43 =	vor.u32 v49, v33;
	v41 =	vld.idx.msk [tilespmem:v47+s3+$0x0], $0xffff  }
0x3f8: {  	v22 =	vmovc v54;
	v33 =	vsel vm1, $0x4, v0;
	v25 =	vor.u32 v25, v20;
	v44 =	vand.u32 $0x7C, v43  }
0x3f9: {  	vm0 =	vle.f32 v58, v17;
	v47 =	vor.u32 v33, v13;
	v33 =	vor.u32 v44, v24  }
0x3fa: {  	vm1 =	vle.f32 v35, v16;
	v35 =	vsel vm0, $0x20, v0;
	v45 =	vor.u32 $0x1, v33  }
0x3fb: {  	v44 =	vsel vm1, $0x20, v0;
	vm0 =	vle.f32 v37, v18;
	v33 =	vor.u32 v38, v35;
	v54 =	vld.idx.msk [tilespmem:v36+s3+$0x0], $0xffff  }
0x3fc: {  	v35 =	vor.u32 v42, v44;
	v36 =	vsel vm0, $0x20, v0;
	v44 =	vor.u32 v23, v33  }
0x3fd: {  	vm0 =	vle.f32 v41, v26;
	v37 =	vor.u32 v53, v36;
	v36 =	vor.u32 $0xF, v44  }
0x3fe: {  	v42 =	vor.u32 v34, v35;
	v38 =	vsel vm0, $0x20, v0;
	v41 =	vor.u32 v46, v37  }
0x3ff: {  	v49 =	vor.u32 $0xF, v42;
	v38 =	vor.u32 v55, v38;
	v53 =	vor.u32 $0xF, v41;
	v55 =	vld.idx.msk [tilespmem:v45+s3+$0x0], $0xffff  }
0x400: {  	v47 =	vor.u32 v32, v47;
	vm0 =	vle.f32 v56, v7;
	v45 =	vor.u32 v22, v38;
	v32 =	vmovc v38  }
0x401: {  	v25 =	vor.u32 v30, v25;
	v30 =	vmovc v35;
	v56 =	vsel vm0, $0x4, v0;
	v38 =	vor.u32 $0xF, v45  }
0x402: {  	v35 =	vor.u32 v48, v47;
	v58 =	vld.idx.msk [tilespmem:v36+s3+$0x0], $0xffff;
	v36 =	vor.u32 v52, v25;
	v25 =	vor.u32 v56, v21  }
0x403: {  	v47 =	vand.u32 $0x7C, v35;
	v48 =	vand.u32 $0x7C, v36;
	v25 =	vor.u32 v29, v25;
	v29 =	vmovc v37  }
0x404: {  	v47 =	vor.u32 v47, v13;
	v52 =	vld.idx.msk [tilespmem:v49+s3+$0x0], $0xffff;
	v48 =	vor.u32 v48, v20;
	v37 =	vor.u32 v51, v25  }
.Ltmp12:
0x405: {  	v49 =	vor.u32 $0x1, v47;
	vm0 =	vle.f32 v55, v9;
	v51 =	vld.idx.msk [tilespmem:v53+s3+$0x0], $0xffff;
	v25 =	vand.u32 $0x7C, v37;
	(pc) =	sbr.rel @p0 .LBB2_16-.Ltmp12, $4  }
0x406: {  	v48 =	vor.u32 $0x1, v48;
	v53 =	vld.idx.msk [tilespmem:v38+s3+$0x0], $0xffff;
	v25 =	vor.u32 v25, v21;
	v38 =	vsel vm0, $0x2, v0  }
0x407: {  	v47 =	vor.u32 $0x1, v25;
	v38 =	vor.u32 v38, v43;
	v43 =	vor.u32 v12, v50;
	v12 =	vmovc v20;
	v20 =	vmovc v34  }
0x408: {  	vm0 =	vle.f32 v58, v17;
	v25 =	vor.u32 v11, v57;
	v11 =	vmovc v21;
	v21 =	vmovc v46;
	v34 =	vand.u32 $0x7E, v38  }
0x409: {  	v50 =	vsel vm0, $0x10, v0;
	vm0 =	vle.f32 v54, v10;
	v10 =	vmovc v19;
	v19 =	vmovc v26;
	v34 =	vor.u32 v24, v34  }
0x40a: {  	v24 =	vor.u32 v50, v44;
	vm2 =	vle.f32 v52, v16  }
0x40b: {  	vm1 =	vle.f32 v53, v19;
	v24 =	vor.u32 $0x7, v24;
	v46 =	vsel vm2, $0x10, v0  }
0x40c: {  	v26 =	vsel vm1, $0x10, v0;
	v60 =	vor.u32 v46, v42  }
0x40d: {  	vm11 =	vle.f32 v51, v18;
	v59 =	vor.u32 v26, v45;
	v61 =	vor.u32 $0x7, v60  }
0x40e: {  	v53 =	vsel vm11, $0x10, v0;
	v52 =	vor.u32 $0x7, v59  }
0x40f: {  	v54 =	vor.u32 v53, v41  }
0x410: {  	v54 =	vor.u32 $0x7, v54;
	v24 =	vld.idx.msk [tilespmem:v24+s3+$0x0], $0xffff;
	_ =	sdelay $0x1  }
0x411: {  	v51 =	vld.idx.msk [tilespmem:v61+s3+$0x0], $0xffff  }
0x412: {  	v52 =	vld.idx.msk [tilespmem:v52+s3+$0x0], $0xffff;
	_ =	sdelay $0x1  }
0x413: {  	v62 =	vld.idx.msk [tilespmem:v54+s3+$0x0], $0xffff;
	vm12 =	vle.f32 v24, v17  }
0x414: {  	v63 =	vsel vm12, $0x8, v0  }
0x415: {  	v55 =	vor.u32 v50, v63;
	vm14 =	vle.f32 v51, v16  }
0x416: {  	vm13 =	vle.f32 v52, v19;
	v56 =	vor.u32 v55, v44;
	v58 =	vsel vm14, $0x8, v0  }
0x417: {  	v57 =	vsel vm13, $0x8, v0;
	v44 =	vor.u32 $0x3, v56;
	v46 =	vor.u32 v46, v58  }
0x418: {  	vm15 =	vle.f32 v62, v18;
	v26 =	vor.u32 v26, v57;
	v60 =	vor.u32 v46, v42  }
0x419: {  	v62 =	vsel vm15, $0x8, v0;
	v59 =	vor.u32 v26, v45;
	v24 =	vor.u32 $0x3, v60  }
0x41a: {  	v45 =	vor.u32 v53, v62;
	v61 =	vor.u32 $0x3, v59  }
0x41b: {  	v63 =	vor.u32 v45, v41  }
0x41c: {  	v41 =	vor.u32 $0x3, v63;
	v44 =	vld.idx.msk [tilespmem:v44+s3+$0x0], $0xffff;
	_ =	sdelay $0x1  }
0x41d: {  	v24 =	vld.idx.msk [tilespmem:v24+s3+$0x0], $0xffff  }
0x41e: {  	v42 =	vld.idx.msk [tilespmem:v61+s3+$0x0], $0xffff;
	_ =	sdelay $0x1  }
0x41f: {  	v41 =	vld.idx.msk [tilespmem:v41+s3+$0x0], $0xffff;
	vm4 =	vle.f32 v44, v17  }
0x420: {  	v44 =	vsel vm4, $0x4, v0  }
0x421: {  	v44 =	vor.u32 v44, v23;
	vm6 =	vle.f32 v24, v16  }
0x422: {  	vm5 =	vle.f32 v42, v19;
	v51 =	vor.u32 v33, v44;
	v53 =	vsel vm6, $0x4, v0  }
0x423: {  	v52 =	vsel vm5, $0x4, v0;
	v24 =	vor.u32 v55, v51;
	v42 =	vor.u32 v53, v20  }
0x424: {  	vm7 =	vle.f32 v41, v18;
	v33 =	vor.u32 v52, v22;
	v54 =	vand.u32 $0x7C, v24  }
0x425: {  	v57 =	vsel vm7, $0x4, v0;
	v30 =	vor.u32 v30, v42;
	v32 =	vor.u32 v32, v33  }
0x426: {  	v55 =	vor.u32 v54, v23;
	v33 =	vor.u32 v57, v21;
	v30 =	vor.u32 v46, v30  }
0x427: {  	v26 =	vor.u32 v26, v32;
	v56 =	vor.u32 $0x1, v55;
	v62 =	vand.u32 $0x7C, v30  }
0x428: {  	v59 =	vld.idx.msk [tilespmem:v49+s3+$0x0], $0xffff;
	v29 =	vor.u32 v29, v33;
	v58 =	vand.u32 $0x7C, v26;
	v44 =	vor.u32 v62, v20  }
0x429: {  	v63 =	vld.idx.msk [tilespmem:v47+s3+$0x0], $0xffff;
	v29 =	vor.u32 v45, v29;
	v41 =	vor.u32 v58, v22;
	v44 =	vor.u32 $0x1, v44  }
0x42a: {  	v61 =	vld.idx.msk [tilespmem:v48+s3+$0x0], $0xffff;
	v48 =	vand.u32 $0x7C, v29;
	v60 =	vor.u32 $0x1, v41  }
0x42b: {  	v46 =	vor.u32 v48, v21  }
0x42c: {  	v46 =	vor.u32 $0x1, v46  }
0x42d: {  	vm9 =	vle.f32 v40, v4;
	vm10 =	vle.f32 v39, v3;
	v32 =	vld.idx.msk [tilespmem:v56+s3+$0x0], $0xffff  }
0x42e: {  	v40 =	vsel vm0, $0x1, v0;
	vm8 =	vle.f32 v59, v10;
	vm11 =	vle.f32 v63, v7;
	v51 =	vld.idx.msk [tilespmem:v44+s3+$0x0], $0xffff  }
0x42f: {  	v49 =	vsel vm8, $0x2, v0;
	v50 =	vsel vm11, $0x2, v0;
	vm3 =	vle.f32 v61, v8;
	v33 =	vld.idx.msk [tilespmem:v60+s3+$0x0], $0xffff  }
0x430: {  	v4 =	vor.u32 v49, v35;
	v37 =	vor.u32 v50, v37;
	v3 =	vsel vm3, $0x2, v0  }
0x431: {  	v39 =	vand.u32 $0x7E, v37;
	v3 =	vor.u32 v3, v36;
	v52 =	vand.u32 $0x7E, v4;
	v53 =	vld.idx.msk [tilespmem:v46+s3+$0x0], $0xffff  }
0x432: {  	v13 =	vor.u32 v13, v52;
	v55 =	vand.u32 $0x7E, v3;
	vm12 =	vle.f32 v32, v17  }
0x433: {  	v11 =	vor.u32 v11, v39;
	v12 =	vor.u32 v12, v55;
	v54 =	vsel vm12, $0x2, v0  }
0x434: {  	v34 =	vld.idx.msk [tilespmem:v34+s3+$0x0], $0xffff;
	v24 =	vor.u32 v54, v24;
	vm14 =	vle.f32 v51, v16;
	vm13 =	vle.f32 v33, v19  }
0x435: {  	v57 =	vand.u32 $0x7E, v24;
	v60 =	vsel vm14, $0x2, v0;
	v56 =	vsel vm13, $0x2, v0  }
0x436: {  	v58 =	vor.u32 v23, v57;
	vm15 =	vle.f32 v53, v18;
	v30 =	vor.u32 v60, v30  }
0x437: {  	v13 =	vld.idx.msk [tilespmem:v13+s3+$0x0], $0xffff;
	v26 =	vor.u32 v56, v26;
	v32 =	vsel vm15, $0x2, v0;
	v63 =	vand.u32 $0x7E, v30  }
0x438: {  	v62 =	vld.idx.msk [tilespmem:v43+s3+$0x0], $0xffff;
	v59 =	vand.u32 $0x7E, v26;
	v29 =	vor.u32 v32, v29;
	v42 =	vor.u32 v20, v63  }
0x439: {  	v25 =	vld.idx.msk [tilespmem:v25+s3+$0x0], $0xffff;
	vm6 =	vle.f32 v34, v9;
	v61 =	vor.u32 v22, v59;
	v41 =	vand.u32 $0x7E, v29  }
0x43a: {  	v31 =	vor.u32 v40, v31;
	v47 =	vsel vm6, $0x1, v0;
	v48 =	vld.idx.msk [tilespmem:v12+s3+$0x0], $0xffff;
	v44 =	vor.u32 v21, v41  }
0x43b: {  	s5 =	sadd.s32 $0x40, s6;
	[tilespmem:s6+$0xFFFFFFE0] =	vst v31;
	v49 =	vor.u32 v47, v38;
	v43 =	vsel vm9, $0x1, v0;
	v11 =	vld.idx.msk [tilespmem:v11+s3+$0x0], $0xffff  }
0x43c: {  	[tilespmem:s5+$0x10] =	vst v49;
	v45 =	vsel vm10, $0x1, v0;
	v15 =	vor.u32 v43, v15;
	vm7 =	vle.f32 v13, v10;
	v23 =	vld.idx.msk [tilespmem:v58+s3+$0x0], $0xffff  }
0x43d: {  	v14 =	vor.u32 v45, v14;
	[tilespmem:s7+$0xFFFFFFF0] =	vst v15;
	vm8 =	vle.f32 v62, v5;
	v50 =	vsel vm7, $0x1, v0;
	v52 =	vld.idx.msk [tilespmem:v42+s3+$0x0], $0xffff  }
0x43e: {  	vm9 =	vle.f32 v25, v6;
	[tilespmem:s7+$0x0] =	vst v14;
	v4 =	vor.u32 v50, v4;
	v51 =	vsel vm8, $0x1, v0;
	v46 =	vld.idx.msk [tilespmem:v61+s3+$0x0], $0xffff  }
0x43f: {  	vm12 =	vle.f32 v48, v8;
	[tilespmem:s5+$0xFFFFFFE0] =	vst v4;
	v54 =	vor.u32 v51, v27;
	v53 =	vsel vm9, $0x1, v0;
	v55 =	vld.idx.msk [tilespmem:v44+s3+$0x0], $0xffff  }
0x440: {  	[tilespmem:s6+$0xFFFFFFF0] =	vst v54;
	vm13 =	vle.f32 v11, v7;
	v60 =	vsel vm12, $0x1, v0;
	v56 =	vor.u32 v53, v28  }
0x441: {  	v62 =	vsel vm13, $0x1, v0;
	v3 =	vor.u32 v60, v3;
	[tilespmem:s6+$0x0] =	vst v56;
	vm10 =	vle.f32 v23, v17  }
0x442: {  	[tilespmem:s5+$0xFFFFFFF0] =	vst v3;
	v3 =	vor.u32 v62, v37;
	v57 =	vsel vm10, $0x1, v0;
	vm14 =	vle.f32 v52, v16  }
.Ltmp13:
0x443: {  	s9 =	sadd.s32 $0x40, s5;
	[tilespmem:s5+$0x0] =	vst v3;
	v58 =	vor.u32 v57, v24;
	vm11 =	vle.f32 v46, v19;
	v63 =	vsel vm14, $0x1, v0;
	(pc) =	sbr.rel .LBB2_18-.Ltmp13, $4  }
0x444: {  	[tilespmem:s9+$0x10] =	vst v58;
	v59 =	vsel vm11, $0x1, v0;
	vm15 =	vle.f32 v55, v18;
	v4 =	vor.u32 v63, v30  }
0x445: {  	v61 =	vor.u32 v59, v26;
	v3 =	vsel vm15, $0x1, v0;
	[tilespmem:s9+$0xFFFFFFF0] =	vst v4  }
0x446: {  	[tilespmem:s9+$0xFFFFFFE0] =	vst v61;
	v3 =	vor.u32 v3, v29  }
0x447: {  	[tilespmem:s9+$0x0] =	vst v3  }
.LBB2_20:
0x448: {  	_ =	sfence.sel $0x180000  }
0x449: {  	[bflag:$0x0] =	sbarrier.arrive $0xFFFF  }
0x44a: {  	_ =	strace $0x90000047  }
0x44b: {  	s0 =	stileid.u32;
	[bflag:$0x2] =	sbarrier.arrive $0xFFFF  }
0x44c: {  	p0 =	sne.s32 s0, $0x0;
	s0 =	rddreg [dreg:$0x3]  }
0x44d: {  	s0 =	sadd.s32 @!p0 $0x100000, s0  }
0x44e: {  	[sflag:s0] =	ssyncadd.tile.s32 @!p0 $0x1;
	_ =	shalt  }
.Lfunc_end2:
_tile_overlayer_lowered:
.L_overlay_start_2:
0x44f: {  	(tag) =	ssettag $0x2  }
0x450: {  	s0 =	rddreg [dreg:$0x0];
	s2 =	stileid.u32  }
0x451: {  	s1 =	rddreg [dreg:$0x1];
	p0 =	sne.s32 s2, $0x0  }
0x452: {  	s3 =	rddreg [dreg:$0x2];
	[bflag:$0x3] =	sbarrier.arrive $0xFFFF;
	s2 =	simm.s32 @!p0 $0x1C05  }
0x453: {  	[timem:s3], [sflag:s2] =	dma.local @!p0 [hbm:s0], s1  }
0x454: {  	s0 =	simm.s32 @!p0 $0x5  }
0x455: {  	_ =	swait.ge @!p0 [sflag:s0], s1  }
0x456: {  	s1 =	ssub.s32 @!p0 $0x0, s1;
	[sflag:s0] =	ssyncset.done @!p0 $0x0  }
0x457: {  	[sflag:s0] =	ssyncadd.s32 @!p0 s1  }
0x458: {  	[bflag:$0x3] =	sbarrier.arrive $0xFFFF  }
0x459: {  	_ =	shalt  }

</sc_bundles>
